<compile_context>
chip_gen: v7x
topology: tpu7x:2x2x1
jax: 0.10.2.dev20260603
libtpu: 0.0.44.dev20260713+nightly
codegen_flags: <defaults>
</compile_context>

<pallas_src>
import functools

import jax
import jax.numpy as jnp
from jax import lax
from jax.experimental import pallas as pl
from jax.experimental.pallas import tpu as pltpu
from jax.experimental.pallas import tpu_sc as plsc

_N = 100000
_Z = 64
_R = 16
_B = 4096
_P = 2 * _Z

_NW = 32
_BPW = _B // _NW
_CH = 64


def _sc_gather_lr(y, lr2):
    mesh = plsc.VectorSubcoreMesh(core_axis_name="c", subcore_axis_name="s")

    @functools.partial(
        pl.kernel,
        mesh=mesh,
        out_type=jax.ShapeDtypeStruct((_B, _Z * _R), jnp.float32),
        scratch_types=[
            pltpu.VMEM((_BPW,), jnp.int32),
            pltpu.VMEM((_CH, _Z * _R), jnp.float32),
            pltpu.SemaphoreType.DMA,
        ],
    )
    def k(y_hbm, lr_hbm, lrg_hbm, idx_v, rows_v, sem_lr):
        wid = lax.axis_index("s") * 2 + lax.axis_index("c")
        base = wid * _BPW
        pltpu.sync_copy(y_hbm.at[pl.ds(base, _BPW)], idx_v)
        for c in range(_BPW // _CH):
            idx_c = idx_v.at[pl.ds(c * _CH, _CH)]
            pltpu.async_copy(lr_hbm.at[idx_c], rows_v, sem_lr).wait()
            pltpu.sync_copy(rows_v, lrg_hbm.at[pl.ds(base + c * _CH, _CH)])

    return k(y, lr2)


def _sc_gather_mudg(y2, mu2, dg2):
    mesh = plsc.VectorSubcoreMesh(core_axis_name="c", subcore_axis_name="s")

    @functools.partial(
        pl.kernel,
        mesh=mesh,
        out_type=(
            jax.ShapeDtypeStruct((_B, _P), jnp.float32),
            jax.ShapeDtypeStruct((_B, _P), jnp.float32),
        ),
        scratch_types=[
            pltpu.VMEM((_BPW,), jnp.int32),
            pltpu.VMEM((_BPW, _P), jnp.float32),
            pltpu.VMEM((_BPW, _P), jnp.float32),
            pltpu.SemaphoreType.DMA,
            pltpu.SemaphoreType.DMA,
        ],
    )
    def k(y2_hbm, mu_hbm, dg_hbm, mug_hbm, dgg_hbm,
          idx2_v, mu_v, dg_v, sem_mu, sem_dg):
        wid = lax.axis_index("s") * 2 + lax.axis_index("c")
        base = wid * _BPW
        pltpu.sync_copy(y2_hbm.at[pl.ds(base, _BPW)], idx2_v)
        cp_mu = pltpu.async_copy(mu_hbm.at[idx2_v], mu_v, sem_mu)
        cp_dg = pltpu.async_copy(dg_hbm.at[idx2_v], dg_v, sem_dg)
        cp_mu.wait()
        pltpu.sync_copy(mu_v, mug_hbm.at[pl.ds(base, _BPW)])
        cp_dg.wait()
        pltpu.sync_copy(dg_v, dgg_hbm.at[pl.ds(base, _BPW)])

    return k(y2, mu2, dg2)


_TC = 2048


def _tc_transpose_body(in_ref, out_ref):
    out_ref[...] = in_ref[...].T


def _tc_transpose(lrT2):
    return pl.pallas_call(
        _tc_transpose_body,
        grid=(pl.cdiv(_N, _TC),),
        in_specs=[pl.BlockSpec((_Z * _R, _TC), lambda g: (0, g))],
        out_specs=pl.BlockSpec((_TC, _Z * _R), lambda g: (g, 0)),
        out_shape=jax.ShapeDtypeStruct((_N, _Z * _R), jnp.float32),
    )(lrT2)


_BC = 256


def _tc_body(lrg_ref, mug_ref, dgg_ref, par_ref, out_ref):
    gt = lrg_ref[...].T
    gt3 = gt.reshape(_Z, _R, _BC)
    par = par_ref[...]
    mut = mug_ref[...].T
    dgt = dgg_ref[...].T
    mu_t = mut[0:_Z] + par * (mut[_Z:_P] - mut[0:_Z])
    dg_t = dgt[0:_Z] + par * (dgt[_Z:_P] - dgt[0:_Z])
    sp = jax.nn.softplus(dg_t)
    out_ref[0] = mu_t
    for j in range(_Z):
        if j > 0:
            out_ref[1 + j, 0:j] = jnp.zeros((j, _BC), jnp.float32)
        out_ref[1 + j, j:j + 1] = sp[j:j + 1]
        if j < _Z - 1:
            pj = gt3[j]
            prod = gt3[j + 1:] * pj[None]
            out_ref[1 + j, j + 1:_Z] = prod.sum(axis=1)


def _tc_build(lrg, mug, dgg, par):
    return pl.pallas_call(
        _tc_body,
        grid=(_B // _BC,),
        in_specs=[
            pl.BlockSpec((_BC, _Z * _R), lambda g: (g, 0)),
            pl.BlockSpec((_BC, _P), lambda g: (g, 0)),
            pl.BlockSpec((_BC, _P), lambda g: (g, 0)),
            pl.BlockSpec((1, _BC), lambda g: (0, g)),
        ],
        out_specs=pl.BlockSpec((_Z + 1, _Z, _BC), lambda g: (0, 0, g)),
        out_shape=jax.ShapeDtypeStruct((_Z + 1, _Z, _B), jnp.float32),
    )(lrg, mug, dgg, par)


def kernel(y, mu, low_rank, diag):
    lrT2 = jnp.transpose(low_rank, (1, 2, 0)).reshape(_Z * _R, _N)
    lr2 = _tc_transpose(lrT2)
    mu2 = mu.reshape(_N // 2, _P)
    dg2 = diag.reshape(_N // 2, _P)
    y2 = lax.div(y, 2)
    par = (y % 2).astype(jnp.float32).reshape(1, _B)
    mug, dgg = _sc_gather_mudg(y2, mu2, dg2)
    lrg = _sc_gather_lr(y, lr2)
    out_t = _tc_build(lrg, mug, dgg, par)
    return jnp.transpose(out_t, (2, 1, 0))

# --- scband reference (transcript-rebuilt; emitter-appended) ---
"""Pipeline reference for scband-prior-causal-31739808318108 (READ-ONLY COPY).

The authoritative reference and input builder live on the scoring server;
editing this copy changes nothing except your own understanding.
"""

import jax, jax.numpy as jnp
import numpy as np

N_CLASSES = 100000
Z_SIZE = 64
RANK = 16
BATCH = 4096


def setup_inputs(seed: int = 0) -> dict:
    key = jax.random.key(seed)
    k1, k2, k3, k4 = jax.random.split(key, 4)
    y = jax.random.randint(k1, (BATCH,), 0, N_CLASSES)
    # kaiming_normal_ init: std = sqrt(2 / fan_in)
    mu = jax.random.normal(k2, (N_CLASSES, Z_SIZE), dtype=jnp.float32) * np.sqrt(2.0 / Z_SIZE)
    low_rank = jax.random.normal(k3, (N_CLASSES, Z_SIZE, RANK), dtype=jnp.float32) * np.sqrt(2.0 / (Z_SIZE * RANK))
    diag = jax.random.normal(k4, (N_CLASSES, Z_SIZE), dtype=jnp.float32) * np.sqrt(2.0 / Z_SIZE)
    return {"y": y, "mu": mu, "low_rank": low_rank, "diag": diag}


def _arr_to_tril(low_rank, diag):
    # Build lower-triangular scale factor: strict lower triangle from the
    # low-rank outer product, positive diagonal via softplus(diag).
    cov = low_rank @ jnp.swapaxes(low_rank, -1, -2)  # [B, z, z]
    sp = jax.nn.softplus(diag)                        # [B, z]
    z = diag.shape[-1]
    return jnp.tril(cov, -1) + jnp.eye(z, dtype=diag.dtype) * sp[..., None]


def reference(y, mu, low_rank, diag):
    # Embedding-style gathers of distribution parameters by class index
    loc = jnp.take(mu, y, axis=0)            # [B, z]
    lr = jnp.take(low_rank, y, axis=0)       # [B, z, rank]
    d = jnp.take(diag, y, axis=0)            # [B, z]
    scale_tril = _arr_to_tril(lr, d)         # [B, z, z]
    # The torch module returns D.MultivariateNormal(loc, scale_tril);
    # we return the defining parameters packed as one array: [B, z, z+1]
    return jnp.concatenate([loc[..., None], scale_tril], axis=-1)

if __name__ == "__main__":
    import jax
    _d = setup_inputs()
    print(jax.jit(kernel)(*tuple(_d.values())))

</pallas_src>

<mosaic_0001>
#map = affine_map<(d0, d1) -> (0)>
#map1 = affine_map<(d0, d1) -> (0, 0)>
module attributes {stable_mosaic.version = 14 : i64} {
  func.func @k(%arg0: i32, %arg1: i32, %arg2: memref<4096xi32, #tpu.memory_space<hbm>>, %arg3: memref<100000x1024xf32, #tpu.memory_space<hbm>>, %arg4: memref<4096x1024xf32, #tpu.memory_space<hbm>>, %arg5: memref<128xi32, #tpu.memory_space<vmem>>, %arg6: memref<64x1024xf32, #tpu.memory_space<vmem>>, %arg7: memref<!tpu.dma_semaphore, #tpu.memory_space<semaphore_mem>>) attributes {dimension_semantics = [#tpu.dimension_semantics<core_parallel>, #tpu.dimension_semantics<subcore_parallel>], iteration_bounds = array<i64: 2, 16>, scalar_prefetch = 0 : i64, scratch_operands = 3 : i64, tpu.core_type = #tpu.core_type<sc_vector_subcore>, window_params = [{transform_indices = #map}, {transform_indices = #map1}, {transform_indices = #map1}]} {
    %mul3A = arith.constant 2 : i32
    %mul3A_0 = arith.muli %arg1, %mul3A : i32
    %add3A = arith.addi %mul3A_0, %arg0 : i32
    %mul3A_1 = arith.constant 128 : i32
    %mul3A_2 = arith.muli %add3A, %mul3A_1 : i32
    "tpu.region"() ({
      %run_scoped3A = tpu.sem_alloc : memref<!tpu.dma_semaphore, #tpu.memory_space<semaphore_mem>>
      %dma_start3A_25 = tpu.memref_slice %arg2[%mul3A_2] : memref<4096xi32, #tpu.memory_space<hbm>> -> memref<128xi32, #tpu.memory_space<hbm>>
      %dma_start3A_26 = tpu.memref_slice %arg2[%mul3A_2] : memref<4096xi32, #tpu.memory_space<hbm>> -> memref<128xi32, #tpu.memory_space<hbm>>
      tpu.enqueue_dma source(%dma_start3A_26 : memref<128xi32, #tpu.memory_space<hbm>>) target(%arg5 : memref<128xi32, #tpu.memory_space<vmem>>) target_semaphore(%run_scoped3A : memref<!tpu.dma_semaphore, #tpu.memory_space<semaphore_mem>>)
      %dma_wait3A_27 = tpu.memref_slice %arg2[%mul3A_2] : memref<4096xi32, #tpu.memory_space<hbm>> -> memref<128xi32, #tpu.memory_space<hbm>>
      %dma_wait3A_28 = tpu.memref_slice %arg2[%mul3A_2] : memref<4096xi32, #tpu.memory_space<hbm>> -> memref<128xi32, #tpu.memory_space<hbm>>
      tpu.wait_dma2 semaphore(%run_scoped3A : memref<!tpu.dma_semaphore, #tpu.memory_space<semaphore_mem>>) src(%dma_wait3A_28 : memref<128xi32, #tpu.memory_space<hbm>>) dst(%arg5 : memref<128xi32, #tpu.memory_space<vmem>>)
      tpu.yield
    }) : () -> ()
    %dma_start3A = arith.constant 0 : i32
    %dma_start3A_3 = tpu.memref_slice %arg5[%dma_start3A] : memref<128xi32, #tpu.memory_space<vmem>> -> memref<64xi32, #tpu.memory_space<vmem>>
    %dma_start3A_4 = arith.constant 0 : i32
    %dma_start3A_5 = arith.constant 0 : i32
    %dma_start3A_6 = tpu.memref_slice %arg3[%dma_start3A_4, %dma_start3A_5] : memref<100000x1024xf32, #tpu.memory_space<hbm>> -> memref<100000x1024xf32, #tpu.memory_space<hbm>>
    tpu.enqueue_indirect_dma source(%dma_start3A_6 : memref<100000x1024xf32, #tpu.memory_space<hbm>>) target(%arg6 : memref<64x1024xf32, #tpu.memory_space<vmem>>) offsets(%dma_start3A_3 : memref<64xi32, #tpu.memory_space<vmem>>) semaphore(%arg7 : memref<!tpu.dma_semaphore, #tpu.memory_space<semaphore_mem>>)
    %dma_wait3A = arith.constant 0 : i32
    %dma_wait3A_7 = tpu.memref_slice %arg5[%dma_wait3A] : memref<128xi32, #tpu.memory_space<vmem>> -> memref<64xi32, #tpu.memory_space<vmem>>
    %dma_wait3A_8 = arith.constant 0 : i32
    %dma_wait3A_9 = arith.constant 0 : i32
    %dma_wait3A_10 = tpu.memref_slice %arg3[%dma_wait3A_8, %dma_wait3A_9] : memref<100000x1024xf32, #tpu.memory_space<hbm>> -> memref<100000x1024xf32, #tpu.memory_space<hbm>>
    tpu.wait_indirect_dma semaphore(%arg7 : memref<!tpu.dma_semaphore, #tpu.memory_space<semaphore_mem>>) src(%dma_wait3A_10 : memref<100000x1024xf32, #tpu.memory_space<hbm>>) dst(%arg6 : memref<64x1024xf32, #tpu.memory_space<vmem>>)
    %add3A_11 = arith.constant 0 : i32
    %add3A_12 = arith.addi %mul3A_2, %add3A_11 : i32
    "tpu.region"() ({
      %run_scoped3A = tpu.sem_alloc : memref<!tpu.dma_semaphore, #tpu.memory_space<semaphore_mem>>
      %dma_start3A_25 = arith.constant 0 : i32
      %dma_start3A_26 = tpu.memref_slice %arg4[%add3A_12, %dma_start3A_25] : memref<4096x1024xf32, #tpu.memory_space<hbm>> -> memref<64x1024xf32, #tpu.memory_space<hbm>>
      %dma_start3A_27 = arith.constant 0 : i32
      %dma_start3A_28 = tpu.memref_slice %arg4[%add3A_12, %dma_start3A_27] : memref<4096x1024xf32, #tpu.memory_space<hbm>> -> memref<64x1024xf32, #tpu.memory_space<hbm>>
      tpu.enqueue_dma source(%arg6 : memref<64x1024xf32, #tpu.memory_space<vmem>>) target(%dma_start3A_28 : memref<64x1024xf32, #tpu.memory_space<hbm>>) target_semaphore(%run_scoped3A : memref<!tpu.dma_semaphore, #tpu.memory_space<semaphore_mem>>)
      %dma_wait3A_29 = arith.constant 0 : i32
      %dma_wait3A_30 = tpu.memref_slice %arg4[%add3A_12, %dma_wait3A_29] : memref<4096x1024xf32, #tpu.memory_space<hbm>> -> memref<64x1024xf32, #tpu.memory_space<hbm>>
      %dma_wait3A_31 = arith.constant 0 : i32
      %dma_wait3A_32 = tpu.memref_slice %arg4[%add3A_12, %dma_wait3A_31] : memref<4096x1024xf32, #tpu.memory_space<hbm>> -> memref<64x1024xf32, #tpu.memory_space<hbm>>
      tpu.wait_dma2 semaphore(%run_scoped3A : memref<!tpu.dma_semaphore, #tpu.memory_space<semaphore_mem>>) src(%arg6 : memref<64x1024xf32, #tpu.memory_space<vmem>>) dst(%dma_wait3A_32 : memref<64x1024xf32, #tpu.memory_space<hbm>>)
      tpu.yield
    }) : () -> ()
    %dma_start3A_13 = arith.constant 64 : i32
    %dma_start3A_14 = tpu.memref_slice %arg5[%dma_start3A_13] : memref<128xi32, #tpu.memory_space<vmem>> -> memref<64xi32, #tpu.memory_space<vmem>>
    %dma_start3A_15 = arith.constant 0 : i32
    %dma_start3A_16 = arith.constant 0 : i32
    %dma_start3A_17 = tpu.memref_slice %arg3[%dma_start3A_15, %dma_start3A_16] : memref<100000x1024xf32, #tpu.memory_space<hbm>> -> memref<100000x1024xf32, #tpu.memory_space<hbm>>
    tpu.enqueue_indirect_dma source(%dma_start3A_17 : memref<100000x1024xf32, #tpu.memory_space<hbm>>) target(%arg6 : memref<64x1024xf32, #tpu.memory_space<vmem>>) offsets(%dma_start3A_14 : memref<64xi32, #tpu.memory_space<vmem>>) semaphore(%arg7 : memref<!tpu.dma_semaphore, #tpu.memory_space<semaphore_mem>>)
    %dma_wait3A_18 = arith.constant 64 : i32
    %dma_wait3A_19 = tpu.memref_slice %arg5[%dma_wait3A_18] : memref<128xi32, #tpu.memory_space<vmem>> -> memref<64xi32, #tpu.memory_space<vmem>>
    %dma_wait3A_20 = arith.constant 0 : i32
    %dma_wait3A_21 = arith.constant 0 : i32
    %dma_wait3A_22 = tpu.memref_slice %arg3[%dma_wait3A_20, %dma_wait3A_21] : memref<100000x1024xf32, #tpu.memory_space<hbm>> -> memref<100000x1024xf32, #tpu.memory_space<hbm>>
    tpu.wait_indirect_dma semaphore(%arg7 : memref<!tpu.dma_semaphore, #tpu.memory_space<semaphore_mem>>) src(%dma_wait3A_22 : memref<100000x1024xf32, #tpu.memory_space<hbm>>) dst(%arg6 : memref<64x1024xf32, #tpu.memory_space<vmem>>)
    %add3A_23 = arith.constant 64 : i32
    %add3A_24 = arith.addi %mul3A_2, %add3A_23 : i32
    "tpu.region"() ({
      %run_scoped3A = tpu.sem_alloc : memref<!tpu.dma_semaphore, #tpu.memory_space<semaphore_mem>>
      %dma_start3A_25 = arith.constant 0 : i32
      %dma_start3A_26 = tpu.memref_slice %arg4[%add3A_24, %dma_start3A_25] : memref<4096x1024xf32, #tpu.memory_space<hbm>> -> memref<64x1024xf32, #tpu.memory_space<hbm>>
      %dma_start3A_27 = arith.constant 0 : i32
      %dma_start3A_28 = tpu.memref_slice %arg4[%add3A_24, %dma_start3A_27] : memref<4096x1024xf32, #tpu.memory_space<hbm>> -> memref<64x1024xf32, #tpu.memory_space<hbm>>
      tpu.enqueue_dma source(%arg6 : memref<64x1024xf32, #tpu.memory_space<vmem>>) target(%dma_start3A_28 : memref<64x1024xf32, #tpu.memory_space<hbm>>) target_semaphore(%run_scoped3A : memref<!tpu.dma_semaphore, #tpu.memory_space<semaphore_mem>>)
      %dma_wait3A_29 = arith.constant 0 : i32
      %dma_wait3A_30 = tpu.memref_slice %arg4[%add3A_24, %dma_wait3A_29] : memref<4096x1024xf32, #tpu.memory_space<hbm>> -> memref<64x1024xf32, #tpu.memory_space<hbm>>
      %dma_wait3A_31 = arith.constant 0 : i32
      %dma_wait3A_32 = tpu.memref_slice %arg4[%add3A_24, %dma_wait3A_31] : memref<4096x1024xf32, #tpu.memory_space<hbm>> -> memref<64x1024xf32, #tpu.memory_space<hbm>>
      tpu.wait_dma2 semaphore(%run_scoped3A : memref<!tpu.dma_semaphore, #tpu.memory_space<semaphore_mem>>) src(%arg6 : memref<64x1024xf32, #tpu.memory_space<vmem>>) dst(%dma_wait3A_32 : memref<64x1024xf32, #tpu.memory_space<hbm>>)
      tpu.yield
    }) : () -> ()
    return
  }
}

#map = affine_map<(d0, d1) -> (0)>
#map1 = affine_map<(d0, d1) -> (0, 0)>
module attributes {stable_mosaic.version = 14 : i64} {
  func.func @k(%arg0: i32, %arg1: i32, %arg2: memref<4096xi32, #tpu.memory_space<hbm>>, %arg3: memref<50000x128xf32, #tpu.memory_space<hbm>>, %arg4: memref<50000x128xf32, #tpu.memory_space<hbm>>, %arg5: memref<4096x128xf32, #tpu.memory_space<hbm>>, %arg6: memref<4096x128xf32, #tpu.memory_space<hbm>>, %arg7: memref<128xi32, #tpu.memory_space<vmem>>, %arg8: memref<128x128xf32, #tpu.memory_space<vmem>>, %arg9: memref<128x128xf32, #tpu.memory_space<vmem>>, %arg10: memref<!tpu.dma_semaphore, #tpu.memory_space<semaphore_mem>>, %arg11: memref<!tpu.dma_semaphore, #tpu.memory_space<semaphore_mem>>) attributes {dimension_semantics = [#tpu.dimension_semantics<core_parallel>, #tpu.dimension_semantics<subcore_parallel>], iteration_bounds = array<i64: 2, 16>, scalar_prefetch = 0 : i64, scratch_operands = 5 : i64, tpu.core_type = #tpu.core_type<sc_vector_subcore>, window_params = [{transform_indices = #map}, {transform_indices = #map1}, {transform_indices = #map1}, {transform_indices = #map1}, {transform_indices = #map1}]} {
    %mul3A = arith.constant 2 : i32
    %mul3A_0 = arith.muli %arg1, %mul3A : i32
    %add3A = arith.addi %mul3A_0, %arg0 : i32
    %mul3A_1 = arith.constant 128 : i32
    %mul3A_2 = arith.muli %add3A, %mul3A_1 : i32
    "tpu.region"() ({
      %run_scoped3A = tpu.sem_alloc : memref<!tpu.dma_semaphore, #tpu.memory_space<semaphore_mem>>
      %dma_start3A_13 = tpu.memref_slice %arg2[%mul3A_2] : memref<4096xi32, #tpu.memory_space<hbm>> -> memref<128xi32, #tpu.memory_space<hbm>>
      %dma_start3A_14 = tpu.memref_slice %arg2[%mul3A_2] : memref<4096xi32, #tpu.memory_space<hbm>> -> memref<128xi32, #tpu.memory_space<hbm>>
      tpu.enqueue_dma source(%dma_start3A_14 : memref<128xi32, #tpu.memory_space<hbm>>) target(%arg7 : memref<128xi32, #tpu.memory_space<vmem>>) target_semaphore(%run_scoped3A : memref<!tpu.dma_semaphore, #tpu.memory_space<semaphore_mem>>)
      %dma_wait3A_15 = tpu.memref_slice %arg2[%mul3A_2] : memref<4096xi32, #tpu.memory_space<hbm>> -> memref<128xi32, #tpu.memory_space<hbm>>
      %dma_wait3A_16 = tpu.memref_slice %arg2[%mul3A_2] : memref<4096xi32, #tpu.memory_space<hbm>> -> memref<128xi32, #tpu.memory_space<hbm>>
      tpu.wait_dma2 semaphore(%run_scoped3A : memref<!tpu.dma_semaphore, #tpu.memory_space<semaphore_mem>>) src(%dma_wait3A_16 : memref<128xi32, #tpu.memory_space<hbm>>) dst(%arg7 : memref<128xi32, #tpu.memory_space<vmem>>)
      tpu.yield
    }) : () -> ()
    %dma_start3A = arith.constant 0 : i32
    %dma_start3A_3 = arith.constant 0 : i32
    %dma_start3A_4 = tpu.memref_slice %arg3[%dma_start3A, %dma_start3A_3] : memref<50000x128xf32, #tpu.memory_space<hbm>> -> memref<50000x128xf32, #tpu.memory_space<hbm>>
    tpu.enqueue_indirect_dma source(%dma_start3A_4 : memref<50000x128xf32, #tpu.memory_space<hbm>>) target(%arg8 : memref<128x128xf32, #tpu.memory_space<vmem>>) offsets(%arg7 : memref<128xi32, #tpu.memory_space<vmem>>) semaphore(%arg10 : memref<!tpu.dma_semaphore, #tpu.memory_space<semaphore_mem>>)
    %dma_start3A_5 = arith.constant 0 : i32
    %dma_start3A_6 = arith.constant 0 : i32
    %dma_start3A_7 = tpu.memref_slice %arg4[%dma_start3A_5, %dma_start3A_6] : memref<50000x128xf32, #tpu.memory_space<hbm>> -> memref<50000x128xf32, #tpu.memory_space<hbm>>
    tpu.enqueue_indirect_dma source(%dma_start3A_7 : memref<50000x128xf32, #tpu.memory_space<hbm>>) target(%arg9 : memref<128x128xf32, #tpu.memory_space<vmem>>) offsets(%arg7 : memref<128xi32, #tpu.memory_space<vmem>>) semaphore(%arg11 : memref<!tpu.dma_semaphore, #tpu.memory_space<semaphore_mem>>)
    %dma_wait3A = arith.constant 0 : i32
    %dma_wait3A_8 = arith.constant 0 : i32
    %dma_wait3A_9 = tpu.memref_slice %arg3[%dma_wait3A, %dma_wait3A_8] : memref<50000x128xf32, #tpu.memory_space<hbm>> -> memref<50000x128xf32, #tpu.memory_space<hbm>>
    tpu.wait_indirect_dma semaphore(%arg10 : memref<!tpu.dma_semaphore, #tpu.memory_space<semaphore_mem>>) src(%dma_wait3A_9 : memref<50000x128xf32, #tpu.memory_space<hbm>>) dst(%arg8 : memref<128x128xf32, #tpu.memory_space<vmem>>)
    "tpu.region"() ({
      %run_scoped3A = tpu.sem_alloc : memref<!tpu.dma_semaphore, #tpu.memory_space<semaphore_mem>>
      %dma_start3A_13 = arith.constant 0 : i32
      %dma_start3A_14 = tpu.memref_slice %arg5[%mul3A_2, %dma_start3A_13] : memref<4096x128xf32, #tpu.memory_space<hbm>> -> memref<128x128xf32, #tpu.memory_space<hbm>>
      %dma_start3A_15 = arith.constant 0 : i32
      %dma_start3A_16 = tpu.memref_slice %arg5[%mul3A_2, %dma_start3A_15] : memref<4096x128xf32, #tpu.memory_space<hbm>> -> memref<128x128xf32, #tpu.memory_space<hbm>>
      tpu.enqueue_dma source(%arg8 : memref<128x128xf32, #tpu.memory_space<vmem>>) target(%dma_start3A_16 : memref<128x128xf32, #tpu.memory_space<hbm>>) target_semaphore(%run_scoped3A : memref<!tpu.dma_semaphore, #tpu.memory_space<semaphore_mem>>)
      %dma_wait3A_17 = arith.constant 0 : i32
      %dma_wait3A_18 = tpu.memref_slice %arg5[%mul3A_2, %dma_wait3A_17] : memref<4096x128xf32, #tpu.memory_space<hbm>> -> memref<128x128xf32, #tpu.memory_space<hbm>>
      %dma_wait3A_19 = arith.constant 0 : i32
      %dma_wait3A_20 = tpu.memref_slice %arg5[%mul3A_2, %dma_wait3A_19] : memref<4096x128xf32, #tpu.memory_space<hbm>> -> memref<128x128xf32, #tpu.memory_space<hbm>>
      tpu.wait_dma2 semaphore(%run_scoped3A : memref<!tpu.dma_semaphore, #tpu.memory_space<semaphore_mem>>) src(%arg8 : memref<128x128xf32, #tpu.memory_space<vmem>>) dst(%dma_wait3A_20 : memref<128x128xf32, #tpu.memory_space<hbm>>)
      tpu.yield
    }) : () -> ()
    %dma_wait3A_10 = arith.constant 0 : i32
    %dma_wait3A_11 = arith.constant 0 : i32
    %dma_wait3A_12 = tpu.memref_slice %arg4[%dma_wait3A_10, %dma_wait3A_11] : memref<50000x128xf32, #tpu.memory_space<hbm>> -> memref<50000x128xf32, #tpu.memory_space<hbm>>
    tpu.wait_indirect_dma semaphore(%arg11 : memref<!tpu.dma_semaphore, #tpu.memory_space<semaphore_mem>>) src(%dma_wait3A_12 : memref<50000x128xf32, #tpu.memory_space<hbm>>) dst(%arg9 : memref<128x128xf32, #tpu.memory_space<vmem>>)
    "tpu.region"() ({
      %run_scoped3A = tpu.sem_alloc : memref<!tpu.dma_semaphore, #tpu.memory_space<semaphore_mem>>
      %dma_start3A_13 = arith.constant 0 : i32
      %dma_start3A_14 = tpu.memref_slice %arg6[%mul3A_2, %dma_start3A_13] : memref<4096x128xf32, #tpu.memory_space<hbm>> -> memref<128x128xf32, #tpu.memory_space<hbm>>
      %dma_start3A_15 = arith.constant 0 : i32
      %dma_start3A_16 = tpu.memref_slice %arg6[%mul3A_2, %dma_start3A_15] : memref<4096x128xf32, #tpu.memory_space<hbm>> -> memref<128x128xf32, #tpu.memory_space<hbm>>
      tpu.enqueue_dma source(%arg9 : memref<128x128xf32, #tpu.memory_space<vmem>>) target(%dma_start3A_16 : memref<128x128xf32, #tpu.memory_space<hbm>>) target_semaphore(%run_scoped3A : memref<!tpu.dma_semaphore, #tpu.memory_space<semaphore_mem>>)
      %dma_wait3A_17 = arith.constant 0 : i32
      %dma_wait3A_18 = tpu.memref_slice %arg6[%mul3A_2, %dma_wait3A_17] : memref<4096x128xf32, #tpu.memory_space<hbm>> -> memref<128x128xf32, #tpu.memory_space<hbm>>
      %dma_wait3A_19 = arith.constant 0 : i32
      %dma_wait3A_20 = tpu.memref_slice %arg6[%mul3A_2, %dma_wait3A_19] : memref<4096x128xf32, #tpu.memory_space<hbm>> -> memref<128x128xf32, #tpu.memory_space<hbm>>
      tpu.wait_dma2 semaphore(%run_scoped3A : memref<!tpu.dma_semaphore, #tpu.memory_space<semaphore_mem>>) src(%arg9 : memref<128x128xf32, #tpu.memory_space<vmem>>) dst(%dma_wait3A_20 : memref<128x128xf32, #tpu.memory_space<hbm>>)
      tpu.yield
    }) : () -> ()
    return
  }
}

module attributes {stable_mosaic.version = 14 : i64} {
  func.func @_tc_transpose_body(%arg0: i32, %arg1: memref<1024x2048xf32, #tpu.memory_space<vmem>>, %arg2: memref<2048x1024xf32, #tpu.memory_space<vmem>>) attributes {dimension_semantics = [#tpu.dimension_semantics<arbitrary>], iteration_bounds = array<i64: 49>, scalar_prefetch = 0 : i64, scratch_operands = 0 : i64, tpu.core_type = #tpu.core_type<tc>, window_params = [{transform_indices = @transform_0, window_bounds = array<i64: 1024, 2048>}, {transform_indices = @transform_1, window_bounds = array<i64: 2048, 1024>}]} {
    %get3A = arith.constant 0 : index
    %get3A_0 = arith.constant 0 : index
    %get3A_1 = vector.load %arg1[%get3A, %get3A_0] : memref<1024x2048xf32, #tpu.memory_space<vmem>>, vector<1024x2048xf32>
    %transpose3A = tpu.transpose %get3A_1, [1, 0] : vector<1024x2048xf32> -> vector<2048x1024xf32>
    %swap3A = arith.constant 0 : index
    %swap3A_2 = arith.constant 0 : index
    %swap3A_3 = vector.load %arg2[%swap3A, %swap3A_2] : memref<2048x1024xf32, #tpu.memory_space<vmem>>, vector<2048x1024xf32>
    tpu.vector_store %arg2[%swap3A, %swap3A_2], %transpose3A {strides = array<i32>} : memref<2048x1024xf32, #tpu.memory_space<vmem>>, vector<2048x1024xf32>,
    return
  }
  func.func @transform_0(%arg0: i32) -> (i32, i32) {
    %c0_i32 = arith.constant 0 : i32
    %c0_i32_0 = arith.constant 0 : i32
    return %c0_i32, %arg0 : i32, i32
  }
  func.func @transform_1(%arg0: i32) -> (i32, i32) {
    %c0_i32 = arith.constant 0 : i32
    %c0_i32_0 = arith.constant 0 : i32
    return %arg0, %c0_i32 : i32, i32
  }
}

module attributes {stable_mosaic.version = 14 : i64} {
  func.func @_tc_body(%arg0: i32, %arg1: memref<256x1024xf32, #tpu.memory_space<vmem>>, %arg2: memref<256x128xf32, #tpu.memory_space<vmem>>, %arg3: memref<256x128xf32, #tpu.memory_space<vmem>>, %arg4: memref<1x256xf32, #tpu.memory_space<vmem>>, %arg5: memref<65x64x256xf32, #tpu.memory_space<vmem>>) attributes {dimension_semantics = [#tpu.dimension_semantics<arbitrary>], iteration_bounds = array<i64: 16>, scalar_prefetch = 0 : i64, scratch_operands = 0 : i64, tpu.core_type = #tpu.core_type<tc>, window_params = [{transform_indices = @transform_0, window_bounds = array<i64: 256, 1024>}, {transform_indices = @transform_1, window_bounds = array<i64: 256, 128>}, {transform_indices = @transform_2, window_bounds = array<i64: 256, 128>}, {transform_indices = @transform_3, window_bounds = array<i64: 1, 256>}, {transform_indices = @transform_4, window_bounds = array<i64: 65, 64, 256>}]} {
    %get3A = arith.constant 0 : index
    %get3A_0 = arith.constant 0 : index
    %get3A_1 = vector.load %arg1[%get3A, %get3A_0] : memref<256x1024xf32, #tpu.memory_space<vmem>>, vector<256x1024xf32>
    %transpose3A = tpu.transpose %get3A_1, [1, 0] : vector<256x1024xf32> -> vector<1024x256xf32>
    %reshape3A = vector.shape_cast %transpose3A : vector<1024x256xf32> to vector<64x16x256xf32>
    %get3A_2 = arith.constant 0 : index
    %get3A_3 = arith.constant 0 : index
    %get3A_4 = vector.load %arg4[%get3A_2, %get3A_3] : memref<1x256xf32, #tpu.memory_space<vmem>>, vector<1x256xf32>
    %get3A_5 = arith.constant 0 : index
    %get3A_6 = arith.constant 0 : index
    %get3A_7 = vector.load %arg2[%get3A_5, %get3A_6] : memref<256x128xf32, #tpu.memory_space<vmem>>, vector<256x128xf32>
    %transpose3A_8 = tpu.transpose %get3A_7, [1, 0] : vector<256x128xf32> -> vector<128x256xf32>
    %get3A_9 = arith.constant 0 : index
    %get3A_10 = arith.constant 0 : index
    %get3A_11 = vector.load %arg3[%get3A_9, %get3A_10] : memref<256x128xf32, #tpu.memory_space<vmem>>, vector<256x128xf32>
    %transpose3A_12 = tpu.transpose %get3A_11, [1, 0] : vector<256x128xf32> -> vector<128x256xf32>
    %slice3A = vector.extract_strided_slice %transpose3A_8 {offsets = [0, 0], sizes = [64, 256], strides = [1, 1]} : vector<128x256xf32> to vector<64x256xf32>
    %slice3A_13 = vector.extract_strided_slice %transpose3A_8 {offsets = [64, 0], sizes = [64, 256], strides = [1, 1]} : vector<128x256xf32> to vector<64x256xf32>
    %slice3A_14 = vector.extract_strided_slice %transpose3A_8 {offsets = [0, 0], sizes = [64, 256], strides = [1, 1]} : vector<128x256xf32> to vector<64x256xf32>
    %sub3A = arith.subf %slice3A_13, %slice3A_14 : vector<64x256xf32>
    %mul3A = vector.broadcast %get3A_4 : vector<1x256xf32> to vector<64x256xf32>
    %mul3A_15 = arith.mulf %mul3A, %sub3A : vector<64x256xf32>
    %add3A = arith.addf %slice3A, %mul3A_15 : vector<64x256xf32>
    %slice3A_16 = vector.extract_strided_slice %transpose3A_12 {offsets = [0, 0], sizes = [64, 256], strides = [1, 1]} : vector<128x256xf32> to vector<64x256xf32>
    %slice3A_17 = vector.extract_strided_slice %transpose3A_12 {offsets = [64, 0], sizes = [64, 256], strides = [1, 1]} : vector<128x256xf32> to vector<64x256xf32>
    %slice3A_18 = vector.extract_strided_slice %transpose3A_12 {offsets = [0, 0], sizes = [64, 256], strides = [1, 1]} : vector<128x256xf32> to vector<64x256xf32>
    %sub3A_19 = arith.subf %slice3A_17, %slice3A_18 : vector<64x256xf32>
    %mul3A_20 = vector.broadcast %get3A_4 : vector<1x256xf32> to vector<64x256xf32>
    %mul3A_21 = arith.mulf %mul3A_20, %sub3A_19 : vector<64x256xf32>
    %add3A_22 = arith.addf %slice3A_16, %mul3A_21 : vector<64x256xf32>
    %custom_jvp_call3A = arith.constant 0.000000e+00 : f32
    %max3A = vector.broadcast %custom_jvp_call3A : f32 to vector<64x256xf32>
    %max3A_23 = arith.maximumf %add3A_22, %max3A : vector<64x256xf32>
    %sub3A_24 = vector.broadcast %custom_jvp_call3A : f32 to vector<64x256xf32>
    %sub3A_25 = arith.subf %add3A_22, %sub3A_24 : vector<64x256xf32>
    %ne3A = arith.cmpf one, %sub3A_25, %sub3A_25 : vector<64x256xf32>
    %add3A_26 = vector.broadcast %custom_jvp_call3A : f32 to vector<64x256xf32>
    %add3A_27 = arith.addf %add3A_22, %add3A_26 : vector<64x256xf32>
    %abs3A = math.absf %sub3A_25 : vector<64x256xf32>
    %neg3A = arith.constant 0.000000e+00 : f32
    %neg3A_28 = vector.broadcast %neg3A : f32 to vector<64x256xf32>
    %neg3A_29 = arith.subf %neg3A_28, %abs3A : vector<64x256xf32>
    %exp3A = math.exp %neg3A_29 : vector<64x256xf32>
    %log1p3A = math.log1p %exp3A : vector<64x256xf32>
    %add3A_30 = arith.addf %max3A_23, %log1p3A : vector<64x256xf32>
    %select_n3A = arith.select %ne3A, %add3A_27, %add3A_30 : vector<64x256xi1>, vector<64x256xf32>
    %swap3A = arith.constant 0 : index
    %swap3A_31 = arith.constant 0 : index
    %swap3A_32 = arith.constant 0 : index
    %swap3A_33 = vector.load %arg5[%swap3A, %swap3A_31, %swap3A_32] : memref<65x64x256xf32, #tpu.memory_space<vmem>>, vector<1x64x256xf32>
    %swap3A_34 = vector.shape_cast %swap3A_33 : vector<1x64x256xf32> to vector<64x256xf32>
    %swap3A_35 = vector.shape_cast %add3A : vector<64x256xf32> to vector<1x64x256xf32>
    tpu.vector_store %arg5[%swap3A, %swap3A_31, %swap3A_32], %swap3A_35 {strides = array<i32>} : memref<65x64x256xf32, #tpu.memory_space<vmem>>, vector<1x64x256xf32>,
    %slice3A_36 = vector.extract_strided_slice %select_n3A {offsets = [0, 0], sizes = [1, 256], strides = [1, 1]} : vector<64x256xf32> to vector<1x256xf32>
    %swap3A_37 = arith.constant 1 : index
    %swap3A_38 = arith.constant 0 : index
    %swap3A_39 = arith.constant 0 : index
    %swap3A_40 = vector.load %arg5[%swap3A_37, %swap3A_38, %swap3A_39] : memref<65x64x256xf32, #tpu.memory_space<vmem>>, vector<1x1x256xf32>
    %swap3A_41 = vector.shape_cast %swap3A_40 : vector<1x1x256xf32> to vector<1x256xf32>
    %swap3A_42 = vector.shape_cast %slice3A_36 : vector<1x256xf32> to vector<1x1x256xf32>
    tpu.vector_store %arg5[%swap3A_37, %swap3A_38, %swap3A_39], %swap3A_42 {strides = array<i32>} : memref<65x64x256xf32, #tpu.memory_space<vmem>>, vector<1x1x256xf32>,
    %slice3A_43 = vector.extract_strided_slice %reshape3A {offsets = [0, 0, 0], sizes = [1, 16, 256], strides = [1, 1, 1]} : vector<64x16x256xf32> to vector<1x16x256xf32>
    %squeeze3A = vector.shape_cast %slice3A_43 : vector<1x16x256xf32> to vector<16x256xf32>
    %slice3A_44 = vector.extract_strided_slice %reshape3A {offsets = [1, 0, 0], sizes = [63, 16, 256], strides = [1, 1, 1]} : vector<64x16x256xf32> to vector<63x16x256xf32>
    %broadcast_in_dim3A = vector.shape_cast %squeeze3A : vector<16x256xf32> to vector<1x16x256xf32>
    %mul3A_45 = vector.broadcast %broadcast_in_dim3A : vector<1x16x256xf32> to vector<63x16x256xf32>
    %mul3A_46 = arith.mulf %slice3A_44, %mul3A_45 : vector<63x16x256xf32>
    %reduce_sum3A = arith.constant dense<0.000000e+00> : vector<63x256xf32>
    %reduce_sum3A_47 = vector.multi_reduction <add>, %mul3A_46, %reduce_sum3A [1] : vector<63x16x256xf32> to vector<63x256xf32>
    %swap3A_48 = arith.constant 1 : index
    %swap3A_49 = arith.constant 1 : index
    %swap3A_50 = arith.constant 0 : index
    %swap3A_51 = vector.load %arg5[%swap3A_48, %swap3A_49, %swap3A_50] : memref<65x64x256xf32, #tpu.memory_space<vmem>>, vector<1x63x256xf32>
    %swap3A_52 = vector.shape_cast %swap3A_51 : vector<1x63x256xf32> to vector<63x256xf32>
    %swap3A_53 = vector.shape_cast %reduce_sum3A_47 : vector<63x256xf32> to vector<1x63x256xf32>
    tpu.vector_store %arg5[%swap3A_48, %swap3A_49, %swap3A_50], %swap3A_53 {strides = array<i32>} : memref<65x64x256xf32, #tpu.memory_space<vmem>>, vector<1x63x256xf32>,
    %broadcast_in_dim3A_54 = arith.constant 0.000000e+00 : f32
    %broadcast_in_dim3A_55 = vector.broadcast %broadcast_in_dim3A_54 : f32 to vector<1x256xf32>
    %swap3A_56 = arith.constant 2 : index
    %swap3A_57 = arith.constant 0 : index
    %swap3A_58 = arith.constant 0 : index
    %swap3A_59 = vector.load %arg5[%swap3A_56, %swap3A_57, %swap3A_58] : memref<65x64x256xf32, #tpu.memory_space<vmem>>, vector<1x1x256xf32>
    %swap3A_60 = vector.shape_cast %swap3A_59 : vector<1x1x256xf32> to vector<1x256xf32>
    %swap3A_61 = vector.shape_cast %broadcast_in_dim3A_55 : vector<1x256xf32> to vector<1x1x256xf32>
    tpu.vector_store %arg5[%swap3A_56, %swap3A_57, %swap3A_58], %swap3A_61 {strides = array<i32>} : memref<65x64x256xf32, #tpu.memory_space<vmem>>, vector<1x1x256xf32>,
    %slice3A_62 = vector.extract_strided_slice %select_n3A {offsets = [1, 0], sizes = [1, 256], strides = [1, 1]} : vector<64x256xf32> to vector<1x256xf32>
    %swap3A_63 = arith.constant 2 : index
    %swap3A_64 = arith.constant 1 : index
    %swap3A_65 = arith.constant 0 : index
    %swap3A_66 = vector.load %arg5[%swap3A_63, %swap3A_64, %swap3A_65] : memref<65x64x256xf32, #tpu.memory_space<vmem>>, vector<1x1x256xf32>
    %swap3A_67 = vector.shape_cast %swap3A_66 : vector<1x1x256xf32> to vector<1x256xf32>
    %swap3A_68 = vector.shape_cast %slice3A_62 : vector<1x256xf32> to vector<1x1x256xf32>
    tpu.vector_store %arg5[%swap3A_63, %swap3A_64, %swap3A_65], %swap3A_68 {strides = array<i32>} : memref<65x64x256xf32, #tpu.memory_space<vmem>>, vector<1x1x256xf32>,
    %slice3A_69 = vector.extract_strided_slice %reshape3A {offsets = [1, 0, 0], sizes = [1, 16, 256], strides = [1, 1, 1]} : vector<64x16x256xf32> to vector<1x16x256xf32>
    %squeeze3A_70 = vector.shape_cast %slice3A_69 : vector<1x16x256xf32> to vector<16x256xf32>
    %slice3A_71 = vector.extract_strided_slice %reshape3A {offsets = [2, 0, 0], sizes = [62, 16, 256], strides = [1, 1, 1]} : vector<64x16x256xf32> to vector<62x16x256xf32>
    %broadcast_in_dim3A_72 = vector.shape_cast %squeeze3A_70 : vector<16x256xf32> to vector<1x16x256xf32>
    %mul3A_73 = vector.broadcast %broadcast_in_dim3A_72 : vector<1x16x256xf32> to vector<62x16x256xf32>
    %mul3A_74 = arith.mulf %slice3A_71, %mul3A_73 : vector<62x16x256xf32>
    %reduce_sum3A_75 = arith.constant dense<0.000000e+00> : vector<62x256xf32>
    %reduce_sum3A_76 = vector.multi_reduction <add>, %mul3A_74, %reduce_sum3A_75 [1] : vector<62x16x256xf32> to vector<62x256xf32>
    %swap3A_77 = arith.constant 2 : index
    %swap3A_78 = arith.constant 2 : index
    %swap3A_79 = arith.constant 0 : index
    %swap3A_80 = vector.load %arg5[%swap3A_77, %swap3A_78, %swap3A_79] : memref<65x64x256xf32, #tpu.memory_space<vmem>>, vector<1x62x256xf32>
    %swap3A_81 = vector.shape_cast %swap3A_80 : vector<1x62x256xf32> to vector<62x256xf32>
    %swap3A_82 = vector.shape_cast %reduce_sum3A_76 : vector<62x256xf32> to vector<1x62x256xf32>
    tpu.vector_store %arg5[%swap3A_77, %swap3A_78, %swap3A_79], %swap3A_82 {strides = array<i32>} : memref<65x64x256xf32, #tpu.memory_space<vmem>>, vector<1x62x256xf32>,
    %broadcast_in_dim3A_83 = arith.constant 0.000000e+00 : f32
    %broadcast_in_dim3A_84 = vector.broadcast %broadcast_in_dim3A_83 : f32 to vector<2x256xf32>
    %swap3A_85 = arith.constant 3 : index
    %swap3A_86 = arith.constant 0 : index
    %swap3A_87 = arith.constant 0 : index
    %swap3A_88 = vector.load %arg5[%swap3A_85, %swap3A_86, %swap3A_87] : memref<65x64x256xf32, #tpu.memory_space<vmem>>, vector<1x2x256xf32>
    %swap3A_89 = vector.shape_cast %swap3A_88 : vector<1x2x256xf32> to vector<2x256xf32>
    %swap3A_90 = vector.shape_cast %broadcast_in_dim3A_84 : vector<2x256xf32> to vector<1x2x256xf32>
    tpu.vector_store %arg5[%swap3A_85, %swap3A_86, %swap3A_87], %swap3A_90 {strides = array<i32>} : memref<65x64x256xf32, #tpu.memory_space<vmem>>, vector<1x2x256xf32>,
    %slice3A_91 = vector.extract_strided_slice %select_n3A {offsets = [2, 0], sizes = [1, 256], strides = [1, 1]} : vector<64x256xf32> to vector<1x256xf32>
    %swap3A_92 = arith.constant 3 : index
    %swap3A_93 = arith.constant 2 : index
    %swap3A_94 = arith.constant 0 : index
    %swap3A_95 = vector.load %arg5[%swap3A_92, %swap3A_93, %swap3A_94] : memref<65x64x256xf32, #tpu.memory_space<vmem>>, vector<1x1x256xf32>
    %swap3A_96 = vector.shape_cast %swap3A_95 : vector<1x1x256xf32> to vector<1x256xf32>
    %swap3A_97 = vector.shape_cast %slice3A_91 : vector<1x256xf32> to vector<1x1x256xf32>
    tpu.vector_store %arg5[%swap3A_92, %swap3A_93, %swap3A_94], %swap3A_97 {strides = array<i32>} : memref<65x64x256xf32, #tpu.memory_space<vmem>>, vector<1x1x256xf32>,
    %slice3A_98 = vector.extract_strided_slice %reshape3A {offsets = [2, 0, 0], sizes = [1, 16, 256], strides = [1, 1, 1]} : vector<64x16x256xf32> to vector<1x16x256xf32>
    %squeeze3A_99 = vector.shape_cast %slice3A_98 : vector<1x16x256xf32> to vector<16x256xf32>
    %slice3A_100 = vector.extract_strided_slice %reshape3A {offsets = [3, 0, 0], sizes = [61, 16, 256], strides = [1, 1, 1]} : vector<64x16x256xf32> to vector<61x16x256xf32>
    %broadcast_in_dim3A_101 = vector.shape_cast %squeeze3A_99 : vector<16x256xf32> to vector<1x16x256xf32>
    %mul3A_102 = vector.broadcast %broadcast_in_dim3A_101 : vector<1x16x256xf32> to vector<61x16x256xf32>
    %mul3A_103 = arith.mulf %slice3A_100, %mul3A_102 : vector<61x16x256xf32>
    %reduce_sum3A_104 = arith.constant dense<0.000000e+00> : vector<61x256xf32>
    %reduce_sum3A_105 = vector.multi_reduction <add>, %mul3A_103, %reduce_sum3A_104 [1] : vector<61x16x256xf32> to vector<61x256xf32>
    %swap3A_106 = arith.constant 3 : index
    %swap3A_107 = arith.constant 3 : index
    %swap3A_108 = arith.constant 0 : index
    %swap3A_109 = vector.load %arg5[%swap3A_106, %swap3A_107, %swap3A_108] : memref<65x64x256xf32, #tpu.memory_space<vmem>>, vector<1x61x256xf32>
    %swap3A_110 = vector.shape_cast %swap3A_109 : vector<1x61x256xf32> to vector<61x256xf32>
    %swap3A_111 = vector.shape_cast %reduce_sum3A_105 : vector<61x256xf32> to vector<1x61x256xf32>
    tpu.vector_store %arg5[%swap3A_106, %swap3A_107, %swap3A_108], %swap3A_111 {strides = array<i32>} : memref<65x64x256xf32, #tpu.memory_space<vmem>>, vector<1x61x256xf32>,
    %broadcast_in_dim3A_112 = arith.constant 0.000000e+00 : f32
    %broadcast_in_dim3A_113 = vector.broadcast %broadcast_in_dim3A_112 : f32 to vector<3x256xf32>
    %swap3A_114 = arith.constant 4 : index
    %swap3A_115 = arith.constant 0 : index
    %swap3A_116 = arith.constant 0 : index
    %swap3A_117 = vector.load %arg5[%swap3A_114, %swap3A_115, %swap3A_116] : memref<65x64x256xf32, #tpu.memory_space<vmem>>, vector<1x3x256xf32>
    %swap3A_118 = vector.shape_cast %swap3A_117 : vector<1x3x256xf32> to vector<3x256xf32>
    %swap3A_119 = vector.shape_cast %broadcast_in_dim3A_113 : vector<3x256xf32> to vector<1x3x256xf32>
    tpu.vector_store %arg5[%swap3A_114, %swap3A_115, %swap3A_116], %swap3A_119 {strides = array<i32>} : memref<65x64x256xf32, #tpu.memory_space<vmem>>, vector<1x3x256xf32>,
    %slice3A_120 = vector.extract_strided_slice %select_n3A {offsets = [3, 0], sizes = [1, 256], strides = [1, 1]} : vector<64x256xf32> to vector<1x256xf32>
    %swap3A_121 = arith.constant 4 : index
    %swap3A_122 = arith.constant 3 : index
    %swap3A_123 = arith.constant 0 : index
    %swap3A_124 = vector.load %arg5[%swap3A_121, %swap3A_122, %swap3A_123] : memref<65x64x256xf32, #tpu.memory_space<vmem>>, vector<1x1x256xf32>
    %swap3A_125 = vector.shape_cast %swap3A_124 : vector<1x1x256xf32> to vector<1x256xf32>
    %swap3A_126 = vector.shape_cast %slice3A_120 : vector<1x256xf32> to vector<1x1x256xf32>
    tpu.vector_store %arg5[%swap3A_121, %swap3A_122, %swap3A_123], %swap3A_126 {strides = array<i32>} : memref<65x64x256xf32, #tpu.memory_space<vmem>>, vector<1x1x256xf32>,
    %slice3A_127 = vector.extract_strided_slice %reshape3A {offsets = [3, 0, 0], sizes = [1, 16, 256], strides = [1, 1, 1]} : vector<64x16x256xf32> to vector<1x16x256xf32>
    %squeeze3A_128 = vector.shape_cast %slice3A_127 : vector<1x16x256xf32> to vector<16x256xf32>
    %slice3A_129 = vector.extract_strided_slice %reshape3A {offsets = [4, 0, 0], sizes = [60, 16, 256], strides = [1, 1, 1]} : vector<64x16x256xf32> to vector<60x16x256xf32>
    %broadcast_in_dim3A_130 = vector.shape_cast %squeeze3A_128 : vector<16x256xf32> to vector<1x16x256xf32>
    %mul3A_131 = vector.broadcast %broadcast_in_dim3A_130 : vector<1x16x256xf32> to vector<60x16x256xf32>
    %mul3A_132 = arith.mulf %slice3A_129, %mul3A_131 : vector<60x16x256xf32>
    %reduce_sum3A_133 = arith.constant dense<0.000000e+00> : vector<60x256xf32>
    %reduce_sum3A_134 = vector.multi_reduction <add>, %mul3A_132, %reduce_sum3A_133 [1] : vector<60x16x256xf32> to vector<60x256xf32>
    %swap3A_135 = arith.constant 4 : index
    %swap3A_136 = arith.constant 4 : index
    %swap3A_137 = arith.constant 0 : index
    %swap3A_138 = vector.load %arg5[%swap3A_135, %swap3A_136, %swap3A_137] : memref<65x64x256xf32, #tpu.memory_space<vmem>>, vector<1x60x256xf32>
    %swap3A_139 = vector.shape_cast %swap3A_138 : vector<1x60x256xf32> to vector<60x256xf32>
    %swap3A_140 = vector.shape_cast %reduce_sum3A_134 : vector<60x256xf32> to vector<1x60x256xf32>
    tpu.vector_store %arg5[%swap3A_135, %swap3A_136, %swap3A_137], %swap3A_140 {strides = array<i32>} : memref<65x64x256xf32, #tpu.memory_space<vmem>>, vector<1x60x256xf32>,
    %broadcast_in_dim3A_141 = arith.constant 0.000000e+00 : f32
    %broadcast_in_dim3A_142 = vector.broadcast %broadcast_in_dim3A_141 : f32 to vector<4x256xf32>
    %swap3A_143 = arith.constant 5 : index
    %swap3A_144 = arith.constant 0 : index
    %swap3A_145 = arith.constant 0 : index
    %swap3A_146 = vector.load %arg5[%swap3A_143, %swap3A_144, %swap3A_145] : memref<65x64x256xf32, #tpu.memory_space<vmem>>, vector<1x4x256xf32>
    %swap3A_147 = vector.shape_cast %swap3A_146 : vector<1x4x256xf32> to vector<4x256xf32>
    %swap3A_148 = vector.shape_cast %broadcast_in_dim3A_142 : vector<4x256xf32> to vector<1x4x256xf32>
    tpu.vector_store %arg5[%swap3A_143, %swap3A_144, %swap3A_145], %swap3A_148 {strides = array<i32>} : memref<65x64x256xf32, #tpu.memory_space<vmem>>, vector<1x4x256xf32>,
    %slice3A_149 = vector.extract_strided_slice %select_n3A {offsets = [4, 0], sizes = [1, 256], strides = [1, 1]} : vector<64x256xf32> to vector<1x256xf32>
    %swap3A_150 = arith.constant 5 : index
    %swap3A_151 = arith.constant 4 : index
    %swap3A_152 = arith.constant 0 : index
    %swap3A_153 = vector.load %arg5[%swap3A_150, %swap3A_151, %swap3A_152] : memref<65x64x256xf32, #tpu.memory_space<vmem>>, vector<1x1x256xf32>
    %swap3A_154 = vector.shape_cast %swap3A_153 : vector<1x1x256xf32> to vector<1x256xf32>
    %swap3A_155 = vector.shape_cast %slice3A_149 : vector<1x256xf32> to vector<1x1x256xf32>
    tpu.vector_store %arg5[%swap3A_150, %swap3A_151, %swap3A_152], %swap3A_155 {strides = array<i32>} : memref<65x64x256xf32, #tpu.memory_space<vmem>>, vector<1x1x256xf32>,
    %slice3A_156 = vector.extract_strided_slice %reshape3A {offsets = [4, 0, 0], sizes = [1, 16, 256], strides = [1, 1, 1]} : vector<64x16x256xf32> to vector<1x16x256xf32>
    %squeeze3A_157 = vector.shape_cast %slice3A_156 : vector<1x16x256xf32> to vector<16x256xf32>
    %slice3A_158 = vector.extract_strided_slice %reshape3A {offsets = [5, 0, 0], sizes = [59, 16, 256], strides = [1, 1, 1]} : vector<64x16x256xf32> to vector<59x16x256xf32>
    %broadcast_in_dim3A_159 = vector.shape_cast %squeeze3A_157 : vector<16x256xf32> to vector<1x16x256xf32>
    %mul3A_160 = vector.broadcast %broadcast_in_dim3A_159 : vector<1x16x256xf32> to vector<59x16x256xf32>
    %mul3A_161 = arith.mulf %slice3A_158, %mul3A_160 : vector<59x16x256xf32>
    %reduce_sum3A_162 = arith.constant dense<0.000000e+00> : vector<59x256xf32>
    %reduce_sum3A_163 = vector.multi_reduction <add>, %mul3A_161, %reduce_sum3A_162 [1] : vector<59x16x256xf32> to vector<59x256xf32>
    %swap3A_164 = arith.constant 5 : index
    %swap3A_165 = arith.constant 5 : index
    %swap3A_166 = arith.constant 0 : index
    %swap3A_167 = vector.load %arg5[%swap3A_164, %swap3A_165, %swap3A_166] : memref<65x64x256xf32, #tpu.memory_space<vmem>>, vector<1x59x256xf32>
    %swap3A_168 = vector.shape_cast %swap3A_167 : vector<1x59x256xf32> to vector<59x256xf32>
    %swap3A_169 = vector.shape_cast %reduce_sum3A_163 : vector<59x256xf32> to vector<1x59x256xf32>
    tpu.vector_store %arg5[%swap3A_164, %swap3A_165, %swap3A_166], %swap3A_169 {strides = array<i32>} : memref<65x64x256xf32, #tpu.memory_space<vmem>>, vector<1x59x256xf32>,
    %broadcast_in_dim3A_170 = arith.constant 0.000000e+00 : f32
    %broadcast_in_dim3A_171 = vector.broadcast %broadcast_in_dim3A_170 : f32 to vector<5x256xf32>
    %swap3A_172 = arith.constant 6 : index
    %swap3A_173 = arith.constant 0 : index
    %swap3A_174 = arith.constant 0 : index
    %swap3A_175 = vector.load %arg5[%swap3A_172, %swap3A_173, %swap3A_174] : memref<65x64x256xf32, #tpu.memory_space<vmem>>, vector<1x5x256xf32>
    %swap3A_176 = vector.shape_cast %swap3A_175 : vector<1x5x256xf32> to vector<5x256xf32>
    %swap3A_177 = vector.shape_cast %broadcast_in_dim3A_171 : vector<5x256xf32> to vector<1x5x256xf32>
    tpu.vector_store %arg5[%swap3A_172, %swap3A_173, %swap3A_174], %swap3A_177 {strides = array<i32>} : memref<65x64x256xf32, #tpu.memory_space<vmem>>, vector<1x5x256xf32>,
    %slice3A_178 = vector.extract_strided_slice %select_n3A {offsets = [5, 0], sizes = [1, 256], strides = [1, 1]} : vector<64x256xf32> to vector<1x256xf32>
    %swap3A_179 = arith.constant 6 : index
    %swap3A_180 = arith.constant 5 : index
    %swap3A_181 = arith.constant 0 : index
    %swap3A_182 = vector.load %arg5[%swap3A_179, %swap3A_180, %swap3A_181] : memref<65x64x256xf32, #tpu.memory_space<vmem>>, vector<1x1x256xf32>
    %swap3A_183 = vector.shape_cast %swap3A_182 : vector<1x1x256xf32> to vector<1x256xf32>
    %swap3A_184 = vector.shape_cast %slice3A_178 : vector<1x256xf32> to vector<1x1x256xf32>
    tpu.vector_store %arg5[%swap3A_179, %swap3A_180, %swap3A_181], %swap3A_184 {strides = array<i32>} : memref<65x64x256xf32, #tpu.memory_space<vmem>>, vector<1x1x256xf32>,
    %slice3A_185 = vector.extract_strided_slice %reshape3A {offsets = [5, 0, 0], sizes = [1, 16, 256], strides = [1, 1, 1]} : vector<64x16x256xf32> to vector<1x16x256xf32>
    %squeeze3A_186 = vector.shape_cast %slice3A_185 : vector<1x16x256xf32> to vector<16x256xf32>
    %slice3A_187 = vector.extract_strided_slice %reshape3A {offsets = [6, 0, 0], sizes = [58, 16, 256], strides = [1, 1, 1]} : vector<64x16x256xf32> to vector<58x16x256xf32>
    %broadcast_in_dim3A_188 = vector.shape_cast %squeeze3A_186 : vector<16x256xf32> to vector<1x16x256xf32>
    %mul3A_189 = vector.broadcast %broadcast_in_dim3A_188 : vector<1x16x256xf32> to vector<58x16x256xf32>
    %mul3A_190 = arith.mulf %slice3A_187, %mul3A_189 : vector<58x16x256xf32>
    %reduce_sum3A_191 = arith.constant dense<0.000000e+00> : vector<58x256xf32>
    %reduce_sum3A_192 = vector.multi_reduction <add>, %mul3A_190, %reduce_sum3A_191 [1] : vector<58x16x256xf32> to vector<58x256xf32>
    %swap3A_193 = arith.constant 6 : index
    %swap3A_194 = arith.constant 6 : index
    %swap3A_195 = arith.constant 0 : index
    %swap3A_196 = vector.load %arg5[%swap3A_193, %swap3A_194, %swap3A_195] : memref<65x64x256xf32, #tpu.memory_space<vmem>>, vector<1x58x256xf32>
    %swap3A_197 = vector.shape_cast %swap3A_196 : vector<1x58x256xf32> to vector<58x256xf32>
    %swap3A_198 = vector.shape_cast %reduce_sum3A_192 : vector<58x256xf32> to vector<1x58x256xf32>
    tpu.vector_store %arg5[%swap3A_193, %swap3A_194, %swap3A_195], %swap3A_198 {strides = array<i32>} : memref<65x64x256xf32, #tpu.memory_space<vmem>>, vector<1x58x256xf32>,
    %broadcast_in_dim3A_199 = arith.constant 0.000000e+00 : f32
    %broadcast_in_dim3A_200 = vector.broadcast %broadcast_in_dim3A_199 : f32 to vector<6x256xf32>
    %swap3A_201 = arith.constant 7 : index
    %swap3A_202 = arith.constant 0 : index
    %swap3A_203 = arith.constant 0 : index
    %swap3A_204 = vector.load %arg5[%swap3A_201, %swap3A_202, %swap3A_203] : memref<65x64x256xf32, #tpu.memory_space<vmem>>, vector<1x6x256xf32>
    %swap3A_205 = vector.shape_cast %swap3A_204 : vector<1x6x256xf32> to vector<6x256xf32>
    %swap3A_206 = vector.shape_cast %broadcast_in_dim3A_200 : vector<6x256xf32> to vector<1x6x256xf32>
    tpu.vector_store %arg5[%swap3A_201, %swap3A_202, %swap3A_203], %swap3A_206 {strides = array<i32>} : memref<65x64x256xf32, #tpu.memory_space<vmem>>, vector<1x6x256xf32>,
    %slice3A_207 = vector.extract_strided_slice %select_n3A {offsets = [6, 0], sizes = [1, 256], strides = [1, 1]} : vector<64x256xf32> to vector<1x256xf32>
    %swap3A_208 = arith.constant 7 : index
    %swap3A_209 = arith.constant 6 : index
    %swap3A_210 = arith.constant 0 : index
    %swap3A_211 = vector.load %arg5[%swap3A_208, %swap3A_209, %swap3A_210] : memref<65x64x256xf32, #tpu.memory_space<vmem>>, vector<1x1x256xf32>
    %swap3A_212 = vector.shape_cast %swap3A_211 : vector<1x1x256xf32> to vector<1x256xf32>
    %swap3A_213 = vector.shape_cast %slice3A_207 : vector<1x256xf32> to vector<1x1x256xf32>
    tpu.vector_store %arg5[%swap3A_208, %swap3A_209, %swap3A_210], %swap3A_213 {strides = array<i32>} : memref<65x64x256xf32, #tpu.memory_space<vmem>>, vector<1x1x256xf32>,
    %slice3A_214 = vector.extract_strided_slice %reshape3A {offsets = [6, 0, 0], sizes = [1, 16, 256], strides = [1, 1, 1]} : vector<64x16x256xf32> to vector<1x16x256xf32>
    %squeeze3A_215 = vector.shape_cast %slice3A_214 : vector<1x16x256xf32> to vector<16x256xf32>
    %slice3A_216 = vector.extract_strided_slice %reshape3A {offsets = [7, 0, 0], sizes = [57, 16, 256], strides = [1, 1, 1]} : vector<64x16x256xf32> to vector<57x16x256xf32>
    %broadcast_in_dim3A_217 = vector.shape_cast %squeeze3A_215 : vector<16x256xf32> to vector<1x16x256xf32>
    %mul3A_218 = vector.broadcast %broadcast_in_dim3A_217 : vector<1x16x256xf32> to vector<57x16x256xf32>
    %mul3A_219 = arith.mulf %slice3A_216, %mul3A_218 : vector<57x16x256xf32>
    %reduce_sum3A_220 = arith.constant dense<0.000000e+00> : vector<57x256xf32>
    %reduce_sum3A_221 = vector.multi_reduction <add>, %mul3A_219, %reduce_sum3A_220 [1] : vector<57x16x256xf32> to vector<57x256xf32>
    %swap3A_222 = arith.constant 7 : index
    %swap3A_223 = arith.constant 7 : index
    %swap3A_224 = arith.constant 0 : index
    %swap3A_225 = vector.load %arg5[%swap3A_222, %swap3A_223, %swap3A_224] : memref<65x64x256xf32, #tpu.memory_space<vmem>>, vector<1x57x256xf32>
    %swap3A_226 = vector.shape_cast %swap3A_225 : vector<1x57x256xf32> to vector<57x256xf32>
    %swap3A_227 = vector.shape_cast %reduce_sum3A_221 : vector<57x256xf32> to vector<1x57x256xf32>
    tpu.vector_store %arg5[%swap3A_222, %swap3A_223, %swap3A_224], %swap3A_227 {strides = array<i32>} : memref<65x64x256xf32, #tpu.memory_space<vmem>>, vector<1x57x256xf32>,
    %broadcast_in_dim3A_228 = arith.constant 0.000000e+00 : f32
    %broadcast_in_dim3A_229 = vector.broadcast %broadcast_in_dim3A_228 : f32 to vector<7x256xf32>
    %swap3A_230 = arith.constant 8 : index
    %swap3A_231 = arith.constant 0 : index
    %swap3A_232 = arith.constant 0 : index
    %swap3A_233 = vector.load %arg5[%swap3A_230, %swap3A_231, %swap3A_232] : memref<65x64x256xf32, #tpu.memory_space<vmem>>, vector<1x7x256xf32>
    %swap3A_234 = vector.shape_cast %swap3A_233 : vector<1x7x256xf32> to vector<7x256xf32>
    %swap3A_235 = vector.shape_cast %broadcast_in_dim3A_229 : vector<7x256xf32> to vector<1x7x256xf32>
    tpu.vector_store %arg5[%swap3A_230, %swap3A_231, %swap3A_232], %swap3A_235 {strides = array<i32>} : memref<65x64x256xf32, #tpu.memory_space<vmem>>, vector<1x7x256xf32>,
    %slice3A_236 = vector.extract_strided_slice %select_n3A {offsets = [7, 0], sizes = [1, 256], strides = [1, 1]} : vector<64x256xf32> to vector<1x256xf32>
    %swap3A_237 = arith.constant 8 : index
    %swap3A_238 = arith.constant 7 : index
    %swap3A_239 = arith.constant 0 : index
    %swap3A_240 = vector.load %arg5[%swap3A_237, %swap3A_238, %swap3A_239] : memref<65x64x256xf32, #tpu.memory_space<vmem>>, vector<1x1x256xf32>
    %swap3A_241 = vector.shape_cast %swap3A_240 : vector<1x1x256xf32> to vector<1x256xf32>
    %swap3A_242 = vector.shape_cast %slice3A_236 : vector<1x256xf32> to vector<1x1x256xf32>
    tpu.vector_store %arg5[%swap3A_237, %swap3A_238, %swap3A_239], %swap3A_242 {strides = array<i32>} : memref<65x64x256xf32, #tpu.memory_space<vmem>>, vector<1x1x256xf32>,
    %slice3A_243 = vector.extract_strided_slice %reshape3A {offsets = [7, 0, 0], sizes = [1, 16, 256], strides = [1, 1, 1]} : vector<64x16x256xf32> to vector<1x16x256xf32>
    %squeeze3A_244 = vector.shape_cast %slice3A_243 : vector<1x16x256xf32> to vector<16x256xf32>
    %slice3A_245 = vector.extract_strided_slice %reshape3A {offsets = [8, 0, 0], sizes = [56, 16, 256], strides = [1, 1, 1]} : vector<64x16x256xf32> to vector<56x16x256xf32>
    %broadcast_in_dim3A_246 = vector.shape_cast %squeeze3A_244 : vector<16x256xf32> to vector<1x16x256xf32>
    %mul3A_247 = vector.broadcast %broadcast_in_dim3A_246 : vector<1x16x256xf32> to vector<56x16x256xf32>
    %mul3A_248 = arith.mulf %slice3A_245, %mul3A_247 : vector<56x16x256xf32>
    %reduce_sum3A_249 = arith.constant dense<0.000000e+00> : vector<56x256xf32>
    %reduce_sum3A_250 = vector.multi_reduction <add>, %mul3A_248, %reduce_sum3A_249 [1] : vector<56x16x256xf32> to vector<56x256xf32>
    %swap3A_251 = arith.constant 8 : index
    %swap3A_252 = arith.constant 8 : index
    %swap3A_253 = arith.constant 0 : index
    %swap3A_254 = vector.load %arg5[%swap3A_251, %swap3A_252, %swap3A_253] : memref<65x64x256xf32, #tpu.memory_space<vmem>>, vector<1x56x256xf32>
    %swap3A_255 = vector.shape_cast %swap3A_254 : vector<1x56x256xf32> to vector<56x256xf32>
    %swap3A_256 = vector.shape_cast %reduce_sum3A_250 : vector<56x256xf32> to vector<1x56x256xf32>
    tpu.vector_store %arg5[%swap3A_251, %swap3A_252, %swap3A_253], %swap3A_256 {strides = array<i32>} : memref<65x64x256xf32, #tpu.memory_space<vmem>>, vector<1x56x256xf32>,
    %broadcast_in_dim3A_257 = arith.constant 0.000000e+00 : f32
    %broadcast_in_dim3A_258 = vector.broadcast %broadcast_in_dim3A_257 : f32 to vector<8x256xf32>
    %swap3A_259 = arith.constant 9 : index
    %swap3A_260 = arith.constant 0 : index
    %swap3A_261 = arith.constant 0 : index
    %swap3A_262 = vector.load %arg5[%swap3A_259, %swap3A_260, %swap3A_261] : memref<65x64x256xf32, #tpu.memory_space<vmem>>, vector<1x8x256xf32>
    %swap3A_263 = vector.shape_cast %swap3A_262 : vector<1x8x256xf32> to vector<8x256xf32>
    %swap3A_264 = vector.shape_cast %broadcast_in_dim3A_258 : vector<8x256xf32> to vector<1x8x256xf32>
    tpu.vector_store %arg5[%swap3A_259, %swap3A_260, %swap3A_261], %swap3A_264 {strides = array<i32>} : memref<65x64x256xf32, #tpu.memory_space<vmem>>, vector<1x8x256xf32>,
    %slice3A_265 = vector.extract_strided_slice %select_n3A {offsets = [8, 0], sizes = [1, 256], strides = [1, 1]} : vector<64x256xf32> to vector<1x256xf32>
    %swap3A_266 = arith.constant 9 : index
    %swap3A_267 = arith.constant 8 : index
    %swap3A_268 = arith.constant 0 : index
    %swap3A_269 = vector.load %arg5[%swap3A_266, %swap3A_267, %swap3A_268] : memref<65x64x256xf32, #tpu.memory_space<vmem>>, vector<1x1x256xf32>
    %swap3A_270 = vector.shape_cast %swap3A_269 : vector<1x1x256xf32> to vector<1x256xf32>
    %swap3A_271 = vector.shape_cast %slice3A_265 : vector<1x256xf32> to vector<1x1x256xf32>
    tpu.vector_store %arg5[%swap3A_266, %swap3A_267, %swap3A_268], %swap3A_271 {strides = array<i32>} : memref<65x64x256xf32, #tpu.memory_space<vmem>>, vector<1x1x256xf32>,
    %slice3A_272 = vector.extract_strided_slice %reshape3A {offsets = [8, 0, 0], sizes = [1, 16, 256], strides = [1, 1, 1]} : vector<64x16x256xf32> to vector<1x16x256xf32>
    %squeeze3A_273 = vector.shape_cast %slice3A_272 : vector<1x16x256xf32> to vector<16x256xf32>
    %slice3A_274 = vector.extract_strided_slice %reshape3A {offsets = [9, 0, 0], sizes = [55, 16, 256], strides = [1, 1, 1]} : vector<64x16x256xf32> to vector<55x16x256xf32>
    %broadcast_in_dim3A_275 = vector.shape_cast %squeeze3A_273 : vector<16x256xf32> to vector<1x16x256xf32>
    %mul3A_276 = vector.broadcast %broadcast_in_dim3A_275 : vector<1x16x256xf32> to vector<55x16x256xf32>
    %mul3A_277 = arith.mulf %slice3A_274, %mul3A_276 : vector<55x16x256xf32>
    %reduce_sum3A_278 = arith.constant dense<0.000000e+00> : vector<55x256xf32>
    %reduce_sum3A_279 = vector.multi_reduction <add>, %mul3A_277, %reduce_sum3A_278 [1] : vector<55x16x256xf32> to vector<55x256xf32>
    %swap3A_280 = arith.constant 9 : index
    %swap3A_281 = arith.constant 9 : index
    %swap3A_282 = arith.constant 0 : index
    %swap3A_283 = vector.load %arg5[%swap3A_280, %swap3A_281, %swap3A_282] : memref<65x64x256xf32, #tpu.memory_space<vmem>>, vector<1x55x256xf32>
    %swap3A_284 = vector.shape_cast %swap3A_283 : vector<1x55x256xf32> to vector<55x256xf32>
    %swap3A_285 = vector.shape_cast %reduce_sum3A_279 : vector<55x256xf32> to vector<1x55x256xf32>
    tpu.vector_store %arg5[%swap3A_280, %swap3A_281, %swap3A_282], %swap3A_285 {strides = array<i32>} : memref<65x64x256xf32, #tpu.memory_space<vmem>>, vector<1x55x256xf32>,
    %broadcast_in_dim3A_286 = arith.constant 0.000000e+00 : f32
    %broadcast_in_dim3A_287 = vector.broadcast %broadcast_in_dim3A_286 : f32 to vector<9x256xf32>
    %swap3A_288 = arith.constant 10 : index
    %swap3A_289 = arith.constant 0 : index
    %swap3A_290 = arith.constant 0 : index
    %swap3A_291 = vector.load %arg5[%swap3A_288, %swap3A_289, %swap3A_290] : memref<65x64x256xf32, #tpu.memory_space<vmem>>, vector<1x9x256xf32>
    %swap3A_292 = vector.shape_cast %swap3A_291 : vector<1x9x256xf32> to vector<9x256xf32>
    %swap3A_293 = vector.shape_cast %broadcast_in_dim3A_287 : vector<9x256xf32> to vector<1x9x256xf32>
    tpu.vector_store %arg5[%swap3A_288, %swap3A_289, %swap3A_290], %swap3A_293 {strides = array<i32>} : memref<65x64x256xf32, #tpu.memory_space<vmem>>, vector<1x9x256xf32>,
    %slice3A_294 = vector.extract_strided_slice %select_n3A {offsets = [9, 0], sizes = [1, 256], strides = [1, 1]} : vector<64x256xf32> to vector<1x256xf32>
    %swap3A_295 = arith.constant 10 : index
    %swap3A_296 = arith.constant 9 : index
    %swap3A_297 = arith.constant 0 : index
    %swap3A_298 = vector.load %arg5[%swap3A_295, %swap3A_296, %swap3A_297] : memref<65x64x256xf32, #tpu.memory_space<vmem>>, vector<1x1x256xf32>
    %swap3A_299 = vector.shape_cast %swap3A_298 : vector<1x1x256xf32> to vector<1x256xf32>
    %swap3A_300 = vector.shape_cast %slice3A_294 : vector<1x256xf32> to vector<1x1x256xf32>
    tpu.vector_store %arg5[%swap3A_295, %swap3A_296, %swap3A_297], %swap3A_300 {strides = array<i32>} : memref<65x64x256xf32, #tpu.memory_space<vmem>>, vector<1x1x256xf32>,
    %slice3A_301 = vector.extract_strided_slice %reshape3A {offsets = [9, 0, 0], sizes = [1, 16, 256], strides = [1, 1, 1]} : vector<64x16x256xf32> to vector<1x16x256xf32>
    %squeeze3A_302 = vector.shape_cast %slice3A_301 : vector<1x16x256xf32> to vector<16x256xf32>
    %slice3A_303 = vector.extract_strided_slice %reshape3A {offsets = [10, 0, 0], sizes = [54, 16, 256], strides = [1, 1, 1]} : vector<64x16x256xf32> to vector<54x16x256xf32>
    %broadcast_in_dim3A_304 = vector.shape_cast %squeeze3A_302 : vector<16x256xf32> to vector<1x16x256xf32>
    %mul3A_305 = vector.broadcast %broadcast_in_dim3A_304 : vector<1x16x256xf32> to vector<54x16x256xf32>
    %mul3A_306 = arith.mulf %slice3A_303, %mul3A_305 : vector<54x16x256xf32>
    %reduce_sum3A_307 = arith.constant dense<0.000000e+00> : vector<54x256xf32>
    %reduce_sum3A_308 = vector.multi_reduction <add>, %mul3A_306, %reduce_sum3A_307 [1] : vector<54x16x256xf32> to vector<54x256xf32>
    %swap3A_309 = arith.constant 10 : index
    %swap3A_310 = arith.constant 10 : index
    %swap3A_311 = arith.constant 0 : index
    %swap3A_312 = vector.load %arg5[%swap3A_309, %swap3A_310, %swap3A_311] : memref<65x64x256xf32, #tpu.memory_space<vmem>>, vector<1x54x256xf32>
    %swap3A_313 = vector.shape_cast %swap3A_312 : vector<1x54x256xf32> to vector<54x256xf32>
    %swap3A_314 = vector.shape_cast %reduce_sum3A_308 : vector<54x256xf32> to vector<1x54x256xf32>
    tpu.vector_store %arg5[%swap3A_309, %swap3A_310, %swap3A_311], %swap3A_314 {strides = array<i32>} : memref<65x64x256xf32, #tpu.memory_space<vmem>>, vector<1x54x256xf32>,
    %broadcast_in_dim3A_315 = arith.constant 0.000000e+00 : f32
    %broadcast_in_dim3A_316 = vector.broadcast %broadcast_in_dim3A_315 : f32 to vector<10x256xf32>
    %swap3A_317 = arith.constant 11 : index
    %swap3A_318 = arith.constant 0 : index
    %swap3A_319 = arith.constant 0 : index
    %swap3A_320 = vector.load %arg5[%swap3A_317, %swap3A_318, %swap3A_319] : memref<65x64x256xf32, #tpu.memory_space<vmem>>, vector<1x10x256xf32>
    %swap3A_321 = vector.shape_cast %swap3A_320 : vector<1x10x256xf32> to vector<10x256xf32>
    %swap3A_322 = vector.shape_cast %broadcast_in_dim3A_316 : vector<10x256xf32> to vector<1x10x256xf32>
    tpu.vector_store %arg5[%swap3A_317, %swap3A_318, %swap3A_319], %swap3A_322 {strides = array<i32>} : memref<65x64x256xf32, #tpu.memory_space<vmem>>, vector<1x10x256xf32>,
    %slice3A_323 = vector.extract_strided_slice %select_n3A {offsets = [10, 0], sizes = [1, 256], strides = [1, 1]} : vector<64x256xf32> to vector<1x256xf32>
    %swap3A_324 = arith.constant 11 : index
    %swap3A_325 = arith.constant 10 : index
    %swap3A_326 = arith.constant 0 : index
    %swap3A_327 = vector.load %arg5[%swap3A_324, %swap3A_325, %swap3A_326] : memref<65x64x256xf32, #tpu.memory_space<vmem>>, vector<1x1x256xf32>
    %swap3A_328 = vector.shape_cast %swap3A_327 : vector<1x1x256xf32> to vector<1x256xf32>
    %swap3A_329 = vector.shape_cast %slice3A_323 : vector<1x256xf32> to vector<1x1x256xf32>
    tpu.vector_store %arg5[%swap3A_324, %swap3A_325, %swap3A_326], %swap3A_329 {strides = array<i32>} : memref<65x64x256xf32, #tpu.memory_space<vmem>>, vector<1x1x256xf32>,
    %slice3A_330 = vector.extract_strided_slice %reshape3A {offsets = [10, 0, 0], sizes = [1, 16, 256], strides = [1, 1, 1]} : vector<64x16x256xf32> to vector<1x16x256xf32>
    %squeeze3A_331 = vector.shape_cast %slice3A_330 : vector<1x16x256xf32> to vector<16x256xf32>
    %slice3A_332 = vector.extract_strided_slice %reshape3A {offsets = [11, 0, 0], sizes = [53, 16, 256], strides = [1, 1, 1]} : vector<64x16x256xf32> to vector<53x16x256xf32>
    %broadcast_in_dim3A_333 = vector.shape_cast %squeeze3A_331 : vector<16x256xf32> to vector<1x16x256xf32>
    %mul3A_334 = vector.broadcast %broadcast_in_dim3A_333 : vector<1x16x256xf32> to vector<53x16x256xf32>
    %mul3A_335 = arith.mulf %slice3A_332, %mul3A_334 : vector<53x16x256xf32>
    %reduce_sum3A_336 = arith.constant dense<0.000000e+00> : vector<53x256xf32>
    %reduce_sum3A_337 = vector.multi_reduction <add>, %mul3A_335, %reduce_sum3A_336 [1] : vector<53x16x256xf32> to vector<53x256xf32>
    %swap3A_338 = arith.constant 11 : index
    %swap3A_339 = arith.constant 11 : index
    %swap3A_340 = arith.constant 0 : index
    %swap3A_341 = vector.load %arg5[%swap3A_338, %swap3A_339, %swap3A_340] : memref<65x64x256xf32, #tpu.memory_space<vmem>>, vector<1x53x256xf32>
    %swap3A_342 = vector.shape_cast %swap3A_341 : vector<1x53x256xf32> to vector<53x256xf32>
    %swap3A_343 = vector.shape_cast %reduce_sum3A_337 : vector<53x256xf32> to vector<1x53x256xf32>
    tpu.vector_store %arg5[%swap3A_338, %swap3A_339, %swap3A_340], %swap3A_343 {strides = array<i32>} : memref<65x64x256xf32, #tpu.memory_space<vmem>>, vector<1x53x256xf32>,
    %broadcast_in_dim3A_344 = arith.constant 0.000000e+00 : f32
    %broadcast_in_dim3A_345 = vector.broadcast %broadcast_in_dim3A_344 : f32 to vector<11x256xf32>
    %swap3A_346 = arith.constant 12 : index
    %swap3A_347 = arith.constant 0 : index
    %swap3A_348 = arith.constant 0 : index
    %swap3A_349 = vector.load %arg5[%swap3A_346, %swap3A_347, %swap3A_348] : memref<65x64x256xf32, #tpu.memory_space<vmem>>, vector<1x11x256xf32>
    %swap3A_350 = vector.shape_cast %swap3A_349 : vector<1x11x256xf32> to vector<11x256xf32>
    %swap3A_351 = vector.shape_cast %broadcast_in_dim3A_345 : vector<11x256xf32> to vector<1x11x256xf32>
    tpu.vector_store %arg5[%swap3A_346, %swap3A_347, %swap3A_348], %swap3A_351 {strides = array<i32>} : memref<65x64x256xf32, #tpu.memory_space<vmem>>, vector<1x11x256xf32>,
    %slice3A_352 = vector.extract_strided_slice %select_n3A {offsets = [11, 0], sizes = [1, 256], strides = [1, 1]} : vector<64x256xf32> to vector<1x256xf32>
    %swap3A_353 = arith.constant 12 : index
    %swap3A_354 = arith.constant 11 : index
    %swap3A_355 = arith.constant 0 : index
    %swap3A_356 = vector.load %arg5[%swap3A_353, %swap3A_354, %swap3A_355] : memref<65x64x256xf32, #tpu.memory_space<vmem>>, vector<1x1x256xf32>
    %swap3A_357 = vector.shape_cast %swap3A_356 : vector<1x1x256xf32> to vector<1x256xf32>
    %swap3A_358 = vector.shape_cast %slice3A_352 : vector<1x256xf32> to vector<1x1x256xf32>
    tpu.vector_store %arg5[%swap3A_353, %swap3A_354, %swap3A_355], %swap3A_358 {strides = array<i32>} : memref<65x64x256xf32, #tpu.memory_space<vmem>>, vector<1x1x256xf32>,
    %slice3A_359 = vector.extract_strided_slice %reshape3A {offsets = [11, 0, 0], sizes = [1, 16, 256], strides = [1, 1, 1]} : vector<64x16x256xf32> to vector<1x16x256xf32>
    %squeeze3A_360 = vector.shape_cast %slice3A_359 : vector<1x16x256xf32> to vector<16x256xf32>
    %slice3A_361 = vector.extract_strided_slice %reshape3A {offsets = [12, 0, 0], sizes = [52, 16, 256], strides = [1, 1, 1]} : vector<64x16x256xf32> to vector<52x16x256xf32>
    %broadcast_in_dim3A_362 = vector.shape_cast %squeeze3A_360 : vector<16x256xf32> to vector<1x16x256xf32>
    %mul3A_363 = vector.broadcast %broadcast_in_dim3A_362 : vector<1x16x256xf32> to vector<52x16x256xf32>
    %mul3A_364 = arith.mulf %slice3A_361, %mul3A_363 : vector<52x16x256xf32>
    %reduce_sum3A_365 = arith.constant dense<0.000000e+00> : vector<52x256xf32>
    %reduce_sum3A_366 = vector.multi_reduction <add>, %mul3A_364, %reduce_sum3A_365 [1] : vector<52x16x256xf32> to vector<52x256xf32>
    %swap3A_367 = arith.constant 12 : index
    %swap3A_368 = arith.constant 12 : index
    %swap3A_369 = arith.constant 0 : index
    %swap3A_370 = vector.load %arg5[%swap3A_367, %swap3A_368, %swap3A_369] : memref<65x64x256xf32, #tpu.memory_space<vmem>>, vector<1x52x256xf32>
    %swap3A_371 = vector.shape_cast %swap3A_370 : vector<1x52x256xf32> to vector<52x256xf32>
    %swap3A_372 = vector.shape_cast %reduce_sum3A_366 : vector<52x256xf32> to vector<1x52x256xf32>
    tpu.vector_store %arg5[%swap3A_367, %swap3A_368, %swap3A_369], %swap3A_372 {strides = array<i32>} : memref<65x64x256xf32, #tpu.memory_space<vmem>>, vector<1x52x256xf32>,
    %broadcast_in_dim3A_373 = arith.constant 0.000000e+00 : f32
    %broadcast_in_dim3A_374 = vector.broadcast %broadcast_in_dim3A_373 : f32 to vector<12x256xf32>
    %swap3A_375 = arith.constant 13 : index
    %swap3A_376 = arith.constant 0 : index
    %swap3A_377 = arith.constant 0 : index
    %swap3A_378 = vector.load %arg5[%swap3A_375, %swap3A_376, %swap3A_377] : memref<65x64x256xf32, #tpu.memory_space<vmem>>, vector<1x12x256xf32>
    %swap3A_379 = vector.shape_cast %swap3A_378 : vector<1x12x256xf32> to vector<12x256xf32>
    %swap3A_380 = vector.shape_cast %broadcast_in_dim3A_374 : vector<12x256xf32> to vector<1x12x256xf32>
    tpu.vector_store %arg5[%swap3A_375, %swap3A_376, %swap3A_377], %swap3A_380 {strides = array<i32>} : memref<65x64x256xf32, #tpu.memory_space<vmem>>, vector<1x12x256xf32>,
    %slice3A_381 = vector.extract_strided_slice %select_n3A {offsets = [12, 0], sizes = [1, 256], strides = [1, 1]} : vector<64x256xf32> to vector<1x256xf32>
    %swap3A_382 = arith.constant 13 : index
    %swap3A_383 = arith.constant 12 : index
    %swap3A_384 = arith.constant 0 : index
    %swap3A_385 = vector.load %arg5[%swap3A_382, %swap3A_383, %swap3A_384] : memref<65x64x256xf32, #tpu.memory_space<vmem>>, vector<1x1x256xf32>
    %swap3A_386 = vector.shape_cast %swap3A_385 : vector<1x1x256xf32> to vector<1x256xf32>
    %swap3A_387 = vector.shape_cast %slice3A_381 : vector<1x256xf32> to vector<1x1x256xf32>
    tpu.vector_store %arg5[%swap3A_382, %swap3A_383, %swap3A_384], %swap3A_387 {strides = array<i32>} : memref<65x64x256xf32, #tpu.memory_space<vmem>>, vector<1x1x256xf32>,
    %slice3A_388 = vector.extract_strided_slice %reshape3A {offsets = [12, 0, 0], sizes = [1, 16, 256], strides = [1, 1, 1]} : vector<64x16x256xf32> to vector<1x16x256xf32>
    %squeeze3A_389 = vector.shape_cast %slice3A_388 : vector<1x16x256xf32> to vector<16x256xf32>
    %slice3A_390 = vector.extract_strided_slice %reshape3A {offsets = [13, 0, 0], sizes = [51, 16, 256], strides = [1, 1, 1]} : vector<64x16x256xf32> to vector<51x16x256xf32>
    %broadcast_in_dim3A_391 = vector.shape_cast %squeeze3A_389 : vector<16x256xf32> to vector<1x16x256xf32>
    %mul3A_392 = vector.broadcast %broadcast_in_dim3A_391 : vector<1x16x256xf32> to vector<51x16x256xf32>
    %mul3A_393 = arith.mulf %slice3A_390, %mul3A_392 : vector<51x16x256xf32>
    %reduce_sum3A_394 = arith.constant dense<0.000000e+00> : vector<51x256xf32>
    %reduce_sum3A_395 = vector.multi_reduction <add>, %mul3A_393, %reduce_sum3A_394 [1] : vector<51x16x256xf32> to vector<51x256xf32>
    %swap3A_396 = arith.constant 13 : index
    %swap3A_397 = arith.constant 13 : index
    %swap3A_398 = arith.constant 0 : index
    %swap3A_399 = vector.load %arg5[%swap3A_396, %swap3A_397, %swap3A_398] : memref<65x64x256xf32, #tpu.memory_space<vmem>>, vector<1x51x256xf32>
    %swap3A_400 = vector.shape_cast %swap3A_399 : vector<1x51x256xf32> to vector<51x256xf32>
    %swap3A_401 = vector.shape_cast %reduce_sum3A_395 : vector<51x256xf32> to vector<1x51x256xf32>
    tpu.vector_store %arg5[%swap3A_396, %swap3A_397, %swap3A_398], %swap3A_401 {strides = array<i32>} : memref<65x64x256xf32, #tpu.memory_space<vmem>>, vector<1x51x256xf32>,
    %broadcast_in_dim3A_402 = arith.constant 0.000000e+00 : f32
    %broadcast_in_dim3A_403 = vector.broadcast %broadcast_in_dim3A_402 : f32 to vector<13x256xf32>
    %swap3A_404 = arith.constant 14 : index
    %swap3A_405 = arith.constant 0 : index
    %swap3A_406 = arith.constant 0 : index
    %swap3A_407 = vector.load %arg5[%swap3A_404, %swap3A_405, %swap3A_406] : memref<65x64x256xf32, #tpu.memory_space<vmem>>, vector<1x13x256xf32>
    %swap3A_408 = vector.shape_cast %swap3A_407 : vector<1x13x256xf32> to vector<13x256xf32>
    %swap3A_409 = vector.shape_cast %broadcast_in_dim3A_403 : vector<13x256xf32> to vector<1x13x256xf32>
    tpu.vector_store %arg5[%swap3A_404, %swap3A_405, %swap3A_406], %swap3A_409 {strides = array<i32>} : memref<65x64x256xf32, #tpu.memory_space<vmem>>, vector<1x13x256xf32>,
    %slice3A_410 = vector.extract_strided_slice %select_n3A {offsets = [13, 0], sizes = [1, 256], strides = [1, 1]} : vector<64x256xf32> to vector<1x256xf32>
    %swap3A_411 = arith.constant 14 : index
    %swap3A_412 = arith.constant 13 : index
    %swap3A_413 = arith.constant 0 : index
    %swap3A_414 = vector.load %arg5[%swap3A_411, %swap3A_412, %swap3A_413] : memref<65x64x256xf32, #tpu.memory_space<vmem>>, vector<1x1x256xf32>
    %swap3A_415 = vector.shape_cast %swap3A_414 : vector<1x1x256xf32> to vector<1x256xf32>
    %swap3A_416 = vector.shape_cast %slice3A_410 : vector<1x256xf32> to vector<1x1x256xf32>
    tpu.vector_store %arg5[%swap3A_411, %swap3A_412, %swap3A_413], %swap3A_416 {strides = array<i32>} : memref<65x64x256xf32, #tpu.memory_space<vmem>>, vector<1x1x256xf32>,
    %slice3A_417 = vector.extract_strided_slice %reshape3A {offsets = [13, 0, 0], sizes = [1, 16, 256], strides = [1, 1, 1]} : vector<64x16x256xf32> to vector<1x16x256xf32>
    %squeeze3A_418 = vector.shape_cast %slice3A_417 : vector<1x16x256xf32> to vector<16x256xf32>
    %slice3A_419 = vector.extract_strided_slice %reshape3A {offsets = [14, 0, 0], sizes = [50, 16, 256], strides = [1, 1, 1]} : vector<64x16x256xf32> to vector<50x16x256xf32>
    %broadcast_in_dim3A_420 = vector.shape_cast %squeeze3A_418 : vector<16x256xf32> to vector<1x16x256xf32>
    %mul3A_421 = vector.broadcast %broadcast_in_dim3A_420 : vector<1x16x256xf32> to vector<50x16x256xf32>
    %mul3A_422 = arith.mulf %slice3A_419, %mul3A_421 : vector<50x16x256xf32>
    %reduce_sum3A_423 = arith.constant dense<0.000000e+00> : vector<50x256xf32>
    %reduce_sum3A_424 = vector.multi_reduction <add>, %mul3A_422, %reduce_sum3A_423 [1] : vector<50x16x256xf32> to vector<50x256xf32>
    %swap3A_425 = arith.constant 14 : index
    %swap3A_426 = arith.constant 14 : index
    %swap3A_427 = arith.constant 0 : index
    %swap3A_428 = vector.load %arg5[%swap3A_425, %swap3A_426, %swap3A_427] : memref<65x64x256xf32, #tpu.memory_space<vmem>>, vector<1x50x256xf32>
    %swap3A_429 = vector.shape_cast %swap3A_428 : vector<1x50x256xf32> to vector<50x256xf32>
    %swap3A_430 = vector.shape_cast %reduce_sum3A_424 : vector<50x256xf32> to vector<1x50x256xf32>
    tpu.vector_store %arg5[%swap3A_425, %swap3A_426, %swap3A_427], %swap3A_430 {strides = array<i32>} : memref<65x64x256xf32, #tpu.memory_space<vmem>>, vector<1x50x256xf32>,
    %broadcast_in_dim3A_431 = arith.constant 0.000000e+00 : f32
    %broadcast_in_dim3A_432 = vector.broadcast %broadcast_in_dim3A_431 : f32 to vector<14x256xf32>
    %swap3A_433 = arith.constant 15 : index
    %swap3A_434 = arith.constant 0 : index
    %swap3A_435 = arith.constant 0 : index
    %swap3A_436 = vector.load %arg5[%swap3A_433, %swap3A_434, %swap3A_435] : memref<65x64x256xf32, #tpu.memory_space<vmem>>, vector<1x14x256xf32>
    %swap3A_437 = vector.shape_cast %swap3A_436 : vector<1x14x256xf32> to vector<14x256xf32>
    %swap3A_438 = vector.shape_cast %broadcast_in_dim3A_432 : vector<14x256xf32> to vector<1x14x256xf32>
    tpu.vector_store %arg5[%swap3A_433, %swap3A_434, %swap3A_435], %swap3A_438 {strides = array<i32>} : memref<65x64x256xf32, #tpu.memory_space<vmem>>, vector<1x14x256xf32>,
    %slice3A_439 = vector.extract_strided_slice %select_n3A {offsets = [14, 0], sizes = [1, 256], strides = [1, 1]} : vector<64x256xf32> to vector<1x256xf32>
    %swap3A_440 = arith.constant 15 : index
    %swap3A_441 = arith.constant 14 : index
    %swap3A_442 = arith.constant 0 : index
    %swap3A_443 = vector.load %arg5[%swap3A_440, %swap3A_441, %swap3A_442] : memref<65x64x256xf32, #tpu.memory_space<vmem>>, vector<1x1x256xf32>
    %swap3A_444 = vector.shape_cast %swap3A_443 : vector<1x1x256xf32> to vector<1x256xf32>
    %swap3A_445 = vector.shape_cast %slice3A_439 : vector<1x256xf32> to vector<1x1x256xf32>
    tpu.vector_store %arg5[%swap3A_440, %swap3A_441, %swap3A_442], %swap3A_445 {strides = array<i32>} : memref<65x64x256xf32, #tpu.memory_space<vmem>>, vector<1x1x256xf32>,
    %slice3A_446 = vector.extract_strided_slice %reshape3A {offsets = [14, 0, 0], sizes = [1, 16, 256], strides = [1, 1, 1]} : vector<64x16x256xf32> to vector<1x16x256xf32>
    %squeeze3A_447 = vector.shape_cast %slice3A_446 : vector<1x16x256xf32> to vector<16x256xf32>
    %slice3A_448 = vector.extract_strided_slice %reshape3A {offsets = [15, 0, 0], sizes = [49, 16, 256], strides = [1, 1, 1]} : vector<64x16x256xf32> to vector<49x16x256xf32>
    %broadcast_in_dim3A_449 = vector.shape_cast %squeeze3A_447 : vector<16x256xf32> to vector<1x16x256xf32>
    %mul3A_450 = vector.broadcast %broadcast_in_dim3A_449 : vector<1x16x256xf32> to vector<49x16x256xf32>
    %mul3A_451 = arith.mulf %slice3A_448, %mul3A_450 : vector<49x16x256xf32>
    %reduce_sum3A_452 = arith.constant dense<0.000000e+00> : vector<49x256xf32>
    %reduce_sum3A_453 = vector.multi_reduction <add>, %mul3A_451, %reduce_sum3A_452 [1] : vector<49x16x256xf32> to vector<49x256xf32>
    %swap3A_454 = arith.constant 15 : index
    %swap3A_455 = arith.constant 15 : index
    %swap3A_456 = arith.constant 0 : index
    %swap3A_457 = vector.load %arg5[%swap3A_454, %swap3A_455, %swap3A_456] : memref<65x64x256xf32, #tpu.memory_space<vmem>>, vector<1x49x256xf32>
    %swap3A_458 = vector.shape_cast %swap3A_457 : vector<1x49x256xf32> to vector<49x256xf32>
    %swap3A_459 = vector.shape_cast %reduce_sum3A_453 : vector<49x256xf32> to vector<1x49x256xf32>
    tpu.vector_store %arg5[%swap3A_454, %swap3A_455, %swap3A_456], %swap3A_459 {strides = array<i32>} : memref<65x64x256xf32, #tpu.memory_space<vmem>>, vector<1x49x256xf32>,
    %broadcast_in_dim3A_460 = arith.constant 0.000000e+00 : f32
    %broadcast_in_dim3A_461 = vector.broadcast %broadcast_in_dim3A_460 : f32 to vector<15x256xf32>
    %swap3A_462 = arith.constant 16 : index
    %swap3A_463 = arith.constant 0 : index
    %swap3A_464 = arith.constant 0 : index
    %swap3A_465 = vector.load %arg5[%swap3A_462, %swap3A_463, %swap3A_464] : memref<65x64x256xf32, #tpu.memory_space<vmem>>, vector<1x15x256xf32>
    %swap3A_466 = vector.shape_cast %swap3A_465 : vector<1x15x256xf32> to vector<15x256xf32>
    %swap3A_467 = vector.shape_cast %broadcast_in_dim3A_461 : vector<15x256xf32> to vector<1x15x256xf32>
    tpu.vector_store %arg5[%swap3A_462, %swap3A_463, %swap3A_464], %swap3A_467 {strides = array<i32>} : memref<65x64x256xf32, #tpu.memory_space<vmem>>, vector<1x15x256xf32>,
    %slice3A_468 = vector.extract_strided_slice %select_n3A {offsets = [15, 0], sizes = [1, 256], strides = [1, 1]} : vector<64x256xf32> to vector<1x256xf32>
    %swap3A_469 = arith.constant 16 : index
    %swap3A_470 = arith.constant 15 : index
    %swap3A_471 = arith.constant 0 : index
    %swap3A_472 = vector.load %arg5[%swap3A_469, %swap3A_470, %swap3A_471] : memref<65x64x256xf32, #tpu.memory_space<vmem>>, vector<1x1x256xf32>
    %swap3A_473 = vector.shape_cast %swap3A_472 : vector<1x1x256xf32> to vector<1x256xf32>
    %swap3A_474 = vector.shape_cast %slice3A_468 : vector<1x256xf32> to vector<1x1x256xf32>
    tpu.vector_store %arg5[%swap3A_469, %swap3A_470, %swap3A_471], %swap3A_474 {strides = array<i32>} : memref<65x64x256xf32, #tpu.memory_space<vmem>>, vector<1x1x256xf32>,
    %slice3A_475 = vector.extract_strided_slice %reshape3A {offsets = [15, 0, 0], sizes = [1, 16, 256], strides = [1, 1, 1]} : vector<64x16x256xf32> to vector<1x16x256xf32>
    %squeeze3A_476 = vector.shape_cast %slice3A_475 : vector<1x16x256xf32> to vector<16x256xf32>
    %slice3A_477 = vector.extract_strided_slice %reshape3A {offsets = [16, 0, 0], sizes = [48, 16, 256], strides = [1, 1, 1]} : vector<64x16x256xf32> to vector<48x16x256xf32>
    %broadcast_in_dim3A_478 = vector.shape_cast %squeeze3A_476 : vector<16x256xf32> to vector<1x16x256xf32>
    %mul3A_479 = vector.broadcast %broadcast_in_dim3A_478 : vector<1x16x256xf32> to vector<48x16x256xf32>
    %mul3A_480 = arith.mulf %slice3A_477, %mul3A_479 : vector<48x16x256xf32>
    %reduce_sum3A_481 = arith.constant dense<0.000000e+00> : vector<48x256xf32>
    %reduce_sum3A_482 = vector.multi_reduction <add>, %mul3A_480, %reduce_sum3A_481 [1] : vector<48x16x256xf32> to vector<48x256xf32>
    %swap3A_483 = arith.constant 16 : index
    %swap3A_484 = arith.constant 16 : index
    %swap3A_485 = arith.constant 0 : index
    %swap3A_486 = vector.load %arg5[%swap3A_483, %swap3A_484, %swap3A_485] : memref<65x64x256xf32, #tpu.memory_space<vmem>>, vector<1x48x256xf32>
    %swap3A_487 = vector.shape_cast %swap3A_486 : vector<1x48x256xf32> to vector<48x256xf32>
    %swap3A_488 = vector.shape_cast %reduce_sum3A_482 : vector<48x256xf32> to vector<1x48x256xf32>
    tpu.vector_store %arg5[%swap3A_483, %swap3A_484, %swap3A_485], %swap3A_488 {strides = array<i32>} : memref<65x64x256xf32, #tpu.memory_space<vmem>>, vector<1x48x256xf32>,
    %broadcast_in_dim3A_489 = arith.constant 0.000000e+00 : f32
    %broadcast_in_dim3A_490 = vector.broadcast %broadcast_in_dim3A_489 : f32 to vector<16x256xf32>
    %swap3A_491 = arith.constant 17 : index
    %swap3A_492 = arith.constant 0 : index
    %swap3A_493 = arith.constant 0 : index
    %swap3A_494 = vector.load %arg5[%swap3A_491, %swap3A_492, %swap3A_493] : memref<65x64x256xf32, #tpu.memory_space<vmem>>, vector<1x16x256xf32>
    %swap3A_495 = vector.shape_cast %swap3A_494 : vector<1x16x256xf32> to vector<16x256xf32>
    %swap3A_496 = vector.shape_cast %broadcast_in_dim3A_490 : vector<16x256xf32> to vector<1x16x256xf32>
    tpu.vector_store %arg5[%swap3A_491, %swap3A_492, %swap3A_493], %swap3A_496 {strides = array<i32>} : memref<65x64x256xf32, #tpu.memory_space<vmem>>, vector<1x16x256xf32>,
    %slice3A_497 = vector.extract_strided_slice %select_n3A {offsets = [16, 0], sizes = [1, 256], strides = [1, 1]} : vector<64x256xf32> to vector<1x256xf32>
    %swap3A_498 = arith.constant 17 : index
    %swap3A_499 = arith.constant 16 : index
    %swap3A_500 = arith.constant 0 : index
    %swap3A_501 = vector.load %arg5[%swap3A_498, %swap3A_499, %swap3A_500] : memref<65x64x256xf32, #tpu.memory_space<vmem>>, vector<1x1x256xf32>
    %swap3A_502 = vector.shape_cast %swap3A_501 : vector<1x1x256xf32> to vector<1x256xf32>
    %swap3A_503 = vector.shape_cast %slice3A_497 : vector<1x256xf32> to vector<1x1x256xf32>
    tpu.vector_store %arg5[%swap3A_498, %swap3A_499, %swap3A_500], %swap3A_503 {strides = array<i32>} : memref<65x64x256xf32, #tpu.memory_space<vmem>>, vector<1x1x256xf32>,
    %slice3A_504 = vector.extract_strided_slice %reshape3A {offsets = [16, 0, 0], sizes = [1, 16, 256], strides = [1, 1, 1]} : vector<64x16x256xf32> to vector<1x16x256xf32>
    %squeeze3A_505 = vector.shape_cast %slice3A_504 : vector<1x16x256xf32> to vector<16x256xf32>
    %slice3A_506 = vector.extract_strided_slice %reshape3A {offsets = [17, 0, 0], sizes = [47, 16, 256], strides = [1, 1, 1]} : vector<64x16x256xf32> to vector<47x16x256xf32>
    %broadcast_in_dim3A_507 = vector.shape_cast %squeeze3A_505 : vector<16x256xf32> to vector<1x16x256xf32>
    %mul3A_508 = vector.broadcast %broadcast_in_dim3A_507 : vector<1x16x256xf32> to vector<47x16x256xf32>
    %mul3A_509 = arith.mulf %slice3A_506, %mul3A_508 : vector<47x16x256xf32>
    %reduce_sum3A_510 = arith.constant dense<0.000000e+00> : vector<47x256xf32>
    %reduce_sum3A_511 = vector.multi_reduction <add>, %mul3A_509, %reduce_sum3A_510 [1] : vector<47x16x256xf32> to vector<47x256xf32>
    %swap3A_512 = arith.constant 17 : index
    %swap3A_513 = arith.constant 17 : index
    %swap3A_514 = arith.constant 0 : index
    %swap3A_515 = vector.load %arg5[%swap3A_512, %swap3A_513, %swap3A_514] : memref<65x64x256xf32, #tpu.memory_space<vmem>>, vector<1x47x256xf32>
    %swap3A_516 = vector.shape_cast %swap3A_515 : vector<1x47x256xf32> to vector<47x256xf32>
    %swap3A_517 = vector.shape_cast %reduce_sum3A_511 : vector<47x256xf32> to vector<1x47x256xf32>
    tpu.vector_store %arg5[%swap3A_512, %swap3A_513, %swap3A_514], %swap3A_517 {strides = array<i32>} : memref<65x64x256xf32, #tpu.memory_space<vmem>>, vector<1x47x256xf32>,
    %broadcast_in_dim3A_518 = arith.constant 0.000000e+00 : f32
    %broadcast_in_dim3A_519 = vector.broadcast %broadcast_in_dim3A_518 : f32 to vector<17x256xf32>
    %swap3A_520 = arith.constant 18 : index
    %swap3A_521 = arith.constant 0 : index
    %swap3A_522 = arith.constant 0 : index
    %swap3A_523 = vector.load %arg5[%swap3A_520, %swap3A_521, %swap3A_522] : memref<65x64x256xf32, #tpu.memory_space<vmem>>, vector<1x17x256xf32>
    %swap3A_524 = vector.shape_cast %swap3A_523 : vector<1x17x256xf32> to vector<17x256xf32>
    %swap3A_525 = vector.shape_cast %broadcast_in_dim3A_519 : vector<17x256xf32> to vector<1x17x256xf32>
    tpu.vector_store %arg5[%swap3A_520, %swap3A_521, %swap3A_522], %swap3A_525 {strides = array<i32>} : memref<65x64x256xf32, #tpu.memory_space<vmem>>, vector<1x17x256xf32>,
    %slice3A_526 = vector.extract_strided_slice %select_n3A {offsets = [17, 0], sizes = [1, 256], strides = [1, 1]} : vector<64x256xf32> to vector<1x256xf32>
    %swap3A_527 = arith.constant 18 : index
    %swap3A_528 = arith.constant 17 : index
    %swap3A_529 = arith.constant 0 : index
    %swap3A_530 = vector.load %arg5[%swap3A_527, %swap3A_528, %swap3A_529] : memref<65x64x256xf32, #tpu.memory_space<vmem>>, vector<1x1x256xf32>
    %swap3A_531 = vector.shape_cast %swap3A_530 : vector<1x1x256xf32> to vector<1x256xf32>
    %swap3A_532 = vector.shape_cast %slice3A_526 : vector<1x256xf32> to vector<1x1x256xf32>
    tpu.vector_store %arg5[%swap3A_527, %swap3A_528, %swap3A_529], %swap3A_532 {strides = array<i32>} : memref<65x64x256xf32, #tpu.memory_space<vmem>>, vector<1x1x256xf32>,
    %slice3A_533 = vector.extract_strided_slice %reshape3A {offsets = [17, 0, 0], sizes = [1, 16, 256], strides = [1, 1, 1]} : vector<64x16x256xf32> to vector<1x16x256xf32>
    %squeeze3A_534 = vector.shape_cast %slice3A_533 : vector<1x16x256xf32> to vector<16x256xf32>
    %slice3A_535 = vector.extract_strided_slice %reshape3A {offsets = [18, 0, 0], sizes = [46, 16, 256], strides = [1, 1, 1]} : vector<64x16x256xf32> to vector<46x16x256xf32>
    %broadcast_in_dim3A_536 = vector.shape_cast %squeeze3A_534 : vector<16x256xf32> to vector<1x16x256xf32>
    %mul3A_537 = vector.broadcast %broadcast_in_dim3A_536 : vector<1x16x256xf32> to vector<46x16x256xf32>
    %mul3A_538 = arith.mulf %slice3A_535, %mul3A_537 : vector<46x16x256xf32>
    %reduce_sum3A_539 = arith.constant dense<0.000000e+00> : vector<46x256xf32>
    %reduce_sum3A_540 = vector.multi_reduction <add>, %mul3A_538, %reduce_sum3A_539 [1] : vector<46x16x256xf32> to vector<46x256xf32>
    %swap3A_541 = arith.constant 18 : index
    %swap3A_542 = arith.constant 18 : index
    %swap3A_543 = arith.constant 0 : index
    %swap3A_544 = vector.load %arg5[%swap3A_541, %swap3A_542, %swap3A_543] : memref<65x64x256xf32, #tpu.memory_space<vmem>>, vector<1x46x256xf32>
    %swap3A_545 = vector.shape_cast %swap3A_544 : vector<1x46x256xf32> to vector<46x256xf32>
    %swap3A_546 = vector.shape_cast %reduce_sum3A_540 : vector<46x256xf32> to vector<1x46x256xf32>
    tpu.vector_store %arg5[%swap3A_541, %swap3A_542, %swap3A_543], %swap3A_546 {strides = array<i32>} : memref<65x64x256xf32, #tpu.memory_space<vmem>>, vector<1x46x256xf32>,
    %broadcast_in_dim3A_547 = arith.constant 0.000000e+00 : f32
    %broadcast_in_dim3A_548 = vector.broadcast %broadcast_in_dim3A_547 : f32 to vector<18x256xf32>
    %swap3A_549 = arith.constant 19 : index
    %swap3A_550 = arith.constant 0 : index
    %swap3A_551 = arith.constant 0 : index
    %swap3A_552 = vector.load %arg5[%swap3A_549, %swap3A_550, %swap3A_551] : memref<65x64x256xf32, #tpu.memory_space<vmem>>, vector<1x18x256xf32>
    %swap3A_553 = vector.shape_cast %swap3A_552 : vector<1x18x256xf32> to vector<18x256xf32>
    %swap3A_554 = vector.shape_cast %broadcast_in_dim3A_548 : vector<18x256xf32> to vector<1x18x256xf32>
    tpu.vector_store %arg5[%swap3A_549, %swap3A_550, %swap3A_551], %swap3A_554 {strides = array<i32>} : memref<65x64x256xf32, #tpu.memory_space<vmem>>, vector<1x18x256xf32>,
    %slice3A_555 = vector.extract_strided_slice %select_n3A {offsets = [18, 0], sizes = [1, 256], strides = [1, 1]} : vector<64x256xf32> to vector<1x256xf32>
    %swap3A_556 = arith.constant 19 : index
    %swap3A_557 = arith.constant 18 : index
    %swap3A_558 = arith.constant 0 : index
    %swap3A_559 = vector.load %arg5[%swap3A_556, %swap3A_557, %swap3A_558] : memref<65x64x256xf32, #tpu.memory_space<vmem>>, vector<1x1x256xf32>
    %swap3A_560 = vector.shape_cast %swap3A_559 : vector<1x1x256xf32> to vector<1x256xf32>
    %swap3A_561 = vector.shape_cast %slice3A_555 : vector<1x256xf32> to vector<1x1x256xf32>
    tpu.vector_store %arg5[%swap3A_556, %swap3A_557, %swap3A_558], %swap3A_561 {strides = array<i32>} : memref<65x64x256xf32, #tpu.memory_space<vmem>>, vector<1x1x256xf32>,
    %slice3A_562 = vector.extract_strided_slice %reshape3A {offsets = [18, 0, 0], sizes = [1, 16, 256], strides = [1, 1, 1]} : vector<64x16x256xf32> to vector<1x16x256xf32>
    %squeeze3A_563 = vector.shape_cast %slice3A_562 : vector<1x16x256xf32> to vector<16x256xf32>
    %slice3A_564 = vector.extract_strided_slice %reshape3A {offsets = [19, 0, 0], sizes = [45, 16, 256], strides = [1, 1, 1]} : vector<64x16x256xf32> to vector<45x16x256xf32>
    %broadcast_in_dim3A_565 = vector.shape_cast %squeeze3A_563 : vector<16x256xf32> to vector<1x16x256xf32>
    %mul3A_566 = vector.broadcast %broadcast_in_dim3A_565 : vector<1x16x256xf32> to vector<45x16x256xf32>
    %mul3A_567 = arith.mulf %slice3A_564, %mul3A_566 : vector<45x16x256xf32>
    %reduce_sum3A_568 = arith.constant dense<0.000000e+00> : vector<45x256xf32>
    %reduce_sum3A_569 = vector.multi_reduction <add>, %mul3A_567, %reduce_sum3A_568 [1] : vector<45x16x256xf32> to vector<45x256xf32>
    %swap3A_570 = arith.constant 19 : index
    %swap3A_571 = arith.constant 19 : index
    %swap3A_572 = arith.constant 0 : index
    %swap3A_573 = vector.load %arg5[%swap3A_570, %swap3A_571, %swap3A_572] : memref<65x64x256xf32, #tpu.memory_space<vmem>>, vector<1x45x256xf32>
    %swap3A_574 = vector.shape_cast %swap3A_573 : vector<1x45x256xf32> to vector<45x256xf32>
    %swap3A_575 = vector.shape_cast %reduce_sum3A_569 : vector<45x256xf32> to vector<1x45x256xf32>
    tpu.vector_store %arg5[%swap3A_570, %swap3A_571, %swap3A_572], %swap3A_575 {strides = array<i32>} : memref<65x64x256xf32, #tpu.memory_space<vmem>>, vector<1x45x256xf32>,
    %broadcast_in_dim3A_576 = arith.constant 0.000000e+00 : f32
    %broadcast_in_dim3A_577 = vector.broadcast %broadcast_in_dim3A_576 : f32 to vector<19x256xf32>
    %swap3A_578 = arith.constant 20 : index
    %swap3A_579 = arith.constant 0 : index
    %swap3A_580 = arith.constant 0 : index
    %swap3A_581 = vector.load %arg5[%swap3A_578, %swap3A_579, %swap3A_580] : memref<65x64x256xf32, #tpu.memory_space<vmem>>, vector<1x19x256xf32>
    %swap3A_582 = vector.shape_cast %swap3A_581 : vector<1x19x256xf32> to vector<19x256xf32>
    %swap3A_583 = vector.shape_cast %broadcast_in_dim3A_577 : vector<19x256xf32> to vector<1x19x256xf32>
    tpu.vector_store %arg5[%swap3A_578, %swap3A_579, %swap3A_580], %swap3A_583 {strides = array<i32>} : memref<65x64x256xf32, #tpu.memory_space<vmem>>, vector<1x19x256xf32>,
    %slice3A_584 = vector.extract_strided_slice %select_n3A {offsets = [19, 0], sizes = [1, 256], strides = [1, 1]} : vector<64x256xf32> to vector<1x256xf32>
    %swap3A_585 = arith.constant 20 : index
    %swap3A_586 = arith.constant 19 : index
    %swap3A_587 = arith.constant 0 : index
    %swap3A_588 = vector.load %arg5[%swap3A_585, %swap3A_586, %swap3A_587] : memref<65x64x256xf32, #tpu.memory_space<vmem>>, vector<1x1x256xf32>
    %swap3A_589 = vector.shape_cast %swap3A_588 : vector<1x1x256xf32> to vector<1x256xf32>
    %swap3A_590 = vector.shape_cast %slice3A_584 : vector<1x256xf32> to vector<1x1x256xf32>
    tpu.vector_store %arg5[%swap3A_585, %swap3A_586, %swap3A_587], %swap3A_590 {strides = array<i32>} : memref<65x64x256xf32, #tpu.memory_space<vmem>>, vector<1x1x256xf32>,
    %slice3A_591 = vector.extract_strided_slice %reshape3A {offsets = [19, 0, 0], sizes = [1, 16, 256], strides = [1, 1, 1]} : vector<64x16x256xf32> to vector<1x16x256xf32>
    %squeeze3A_592 = vector.shape_cast %slice3A_591 : vector<1x16x256xf32> to vector<16x256xf32>
    %slice3A_593 = vector.extract_strided_slice %reshape3A {offsets = [20, 0, 0], sizes = [44, 16, 256], strides = [1, 1, 1]} : vector<64x16x256xf32> to vector<44x16x256xf32>
    %broadcast_in_dim3A_594 = vector.shape_cast %squeeze3A_592 : vector<16x256xf32> to vector<1x16x256xf32>
    %mul3A_595 = vector.broadcast %broadcast_in_dim3A_594 : vector<1x16x256xf32> to vector<44x16x256xf32>
    %mul3A_596 = arith.mulf %slice3A_593, %mul3A_595 : vector<44x16x256xf32>
    %reduce_sum3A_597 = arith.constant dense<0.000000e+00> : vector<44x256xf32>
    %reduce_sum3A_598 = vector.multi_reduction <add>, %mul3A_596, %reduce_sum3A_597 [1] : vector<44x16x256xf32> to vector<44x256xf32>
    %swap3A_599 = arith.constant 20 : index
    %swap3A_600 = arith.constant 20 : index
    %swap3A_601 = arith.constant 0 : index
    %swap3A_602 = vector.load %arg5[%swap3A_599, %swap3A_600, %swap3A_601] : memref<65x64x256xf32, #tpu.memory_space<vmem>>, vector<1x44x256xf32>
    %swap3A_603 = vector.shape_cast %swap3A_602 : vector<1x44x256xf32> to vector<44x256xf32>
    %swap3A_604 = vector.shape_cast %reduce_sum3A_598 : vector<44x256xf32> to vector<1x44x256xf32>
    tpu.vector_store %arg5[%swap3A_599, %swap3A_600, %swap3A_601], %swap3A_604 {strides = array<i32>} : memref<65x64x256xf32, #tpu.memory_space<vmem>>, vector<1x44x256xf32>,
    %broadcast_in_dim3A_605 = arith.constant 0.000000e+00 : f32
    %broadcast_in_dim3A_606 = vector.broadcast %broadcast_in_dim3A_605 : f32 to vector<20x256xf32>
    %swap3A_607 = arith.constant 21 : index
    %swap3A_608 = arith.constant 0 : index
    %swap3A_609 = arith.constant 0 : index
    %swap3A_610 = vector.load %arg5[%swap3A_607, %swap3A_608, %swap3A_609] : memref<65x64x256xf32, #tpu.memory_space<vmem>>, vector<1x20x256xf32>
    %swap3A_611 = vector.shape_cast %swap3A_610 : vector<1x20x256xf32> to vector<20x256xf32>
    %swap3A_612 = vector.shape_cast %broadcast_in_dim3A_606 : vector<20x256xf32> to vector<1x20x256xf32>
    tpu.vector_store %arg5[%swap3A_607, %swap3A_608, %swap3A_609], %swap3A_612 {strides = array<i32>} : memref<65x64x256xf32, #tpu.memory_space<vmem>>, vector<1x20x256xf32>,
    %slice3A_613 = vector.extract_strided_slice %select_n3A {offsets = [20, 0], sizes = [1, 256], strides = [1, 1]} : vector<64x256xf32> to vector<1x256xf32>
    %swap3A_614 = arith.constant 21 : index
    %swap3A_615 = arith.constant 20 : index
    %swap3A_616 = arith.constant 0 : index
    %swap3A_617 = vector.load %arg5[%swap3A_614, %swap3A_615, %swap3A_616] : memref<65x64x256xf32, #tpu.memory_space<vmem>>, vector<1x1x256xf32>
    %swap3A_618 = vector.shape_cast %swap3A_617 : vector<1x1x256xf32> to vector<1x256xf32>
    %swap3A_619 = vector.shape_cast %slice3A_613 : vector<1x256xf32> to vector<1x1x256xf32>
    tpu.vector_store %arg5[%swap3A_614, %swap3A_615, %swap3A_616], %swap3A_619 {strides = array<i32>} : memref<65x64x256xf32, #tpu.memory_space<vmem>>, vector<1x1x256xf32>,
    %slice3A_620 = vector.extract_strided_slice %reshape3A {offsets = [20, 0, 0], sizes = [1, 16, 256], strides = [1, 1, 1]} : vector<64x16x256xf32> to vector<1x16x256xf32>
    %squeeze3A_621 = vector.shape_cast %slice3A_620 : vector<1x16x256xf32> to vector<16x256xf32>
    %slice3A_622 = vector.extract_strided_slice %reshape3A {offsets = [21, 0, 0], sizes = [43, 16, 256], strides = [1, 1, 1]} : vector<64x16x256xf32> to vector<43x16x256xf32>
    %broadcast_in_dim3A_623 = vector.shape_cast %squeeze3A_621 : vector<16x256xf32> to vector<1x16x256xf32>
    %mul3A_624 = vector.broadcast %broadcast_in_dim3A_623 : vector<1x16x256xf32> to vector<43x16x256xf32>
    %mul3A_625 = arith.mulf %slice3A_622, %mul3A_624 : vector<43x16x256xf32>
    %reduce_sum3A_626 = arith.constant dense<0.000000e+00> : vector<43x256xf32>
    %reduce_sum3A_627 = vector.multi_reduction <add>, %mul3A_625, %reduce_sum3A_626 [1] : vector<43x16x256xf32> to vector<43x256xf32>
    %swap3A_628 = arith.constant 21 : index
    %swap3A_629 = arith.constant 21 : index
    %swap3A_630 = arith.constant 0 : index
    %swap3A_631 = vector.load %arg5[%swap3A_628, %swap3A_629, %swap3A_630] : memref<65x64x256xf32, #tpu.memory_space<vmem>>, vector<1x43x256xf32>
    %swap3A_632 = vector.shape_cast %swap3A_631 : vector<1x43x256xf32> to vector<43x256xf32>
    %swap3A_633 = vector.shape_cast %reduce_sum3A_627 : vector<43x256xf32> to vector<1x43x256xf32>
    tpu.vector_store %arg5[%swap3A_628, %swap3A_629, %swap3A_630], %swap3A_633 {strides = array<i32>} : memref<65x64x256xf32, #tpu.memory_space<vmem>>, vector<1x43x256xf32>,
    %broadcast_in_dim3A_634 = arith.constant 0.000000e+00 : f32
    %broadcast_in_dim3A_635 = vector.broadcast %broadcast_in_dim3A_634 : f32 to vector<21x256xf32>
    %swap3A_636 = arith.constant 22 : index
    %swap3A_637 = arith.constant 0 : index
    %swap3A_638 = arith.constant 0 : index
    %swap3A_639 = vector.load %arg5[%swap3A_636, %swap3A_637, %swap3A_638] : memref<65x64x256xf32, #tpu.memory_space<vmem>>, vector<1x21x256xf32>
    %swap3A_640 = vector.shape_cast %swap3A_639 : vector<1x21x256xf32> to vector<21x256xf32>
    %swap3A_641 = vector.shape_cast %broadcast_in_dim3A_635 : vector<21x256xf32> to vector<1x21x256xf32>
    tpu.vector_store %arg5[%swap3A_636, %swap3A_637, %swap3A_638], %swap3A_641 {strides = array<i32>} : memref<65x64x256xf32, #tpu.memory_space<vmem>>, vector<1x21x256xf32>,
    %slice3A_642 = vector.extract_strided_slice %select_n3A {offsets = [21, 0], sizes = [1, 256], strides = [1, 1]} : vector<64x256xf32> to vector<1x256xf32>
    %swap3A_643 = arith.constant 22 : index
    %swap3A_644 = arith.constant 21 : index
    %swap3A_645 = arith.constant 0 : index
    %swap3A_646 = vector.load %arg5[%swap3A_643, %swap3A_644, %swap3A_645] : memref<65x64x256xf32, #tpu.memory_space<vmem>>, vector<1x1x256xf32>
    %swap3A_647 = vector.shape_cast %swap3A_646 : vector<1x1x256xf32> to vector<1x256xf32>
    %swap3A_648 = vector.shape_cast %slice3A_642 : vector<1x256xf32> to vector<1x1x256xf32>
    tpu.vector_store %arg5[%swap3A_643, %swap3A_644, %swap3A_645], %swap3A_648 {strides = array<i32>} : memref<65x64x256xf32, #tpu.memory_space<vmem>>, vector<1x1x256xf32>,
    %slice3A_649 = vector.extract_strided_slice %reshape3A {offsets = [21, 0, 0], sizes = [1, 16, 256], strides = [1, 1, 1]} : vector<64x16x256xf32> to vector<1x16x256xf32>
    %squeeze3A_650 = vector.shape_cast %slice3A_649 : vector<1x16x256xf32> to vector<16x256xf32>
    %slice3A_651 = vector.extract_strided_slice %reshape3A {offsets = [22, 0, 0], sizes = [42, 16, 256], strides = [1, 1, 1]} : vector<64x16x256xf32> to vector<42x16x256xf32>
    %broadcast_in_dim3A_652 = vector.shape_cast %squeeze3A_650 : vector<16x256xf32> to vector<1x16x256xf32>
    %mul3A_653 = vector.broadcast %broadcast_in_dim3A_652 : vector<1x16x256xf32> to vector<42x16x256xf32>
    %mul3A_654 = arith.mulf %slice3A_651, %mul3A_653 : vector<42x16x256xf32>
    %reduce_sum3A_655 = arith.constant dense<0.000000e+00> : vector<42x256xf32>
    %reduce_sum3A_656 = vector.multi_reduction <add>, %mul3A_654, %reduce_sum3A_655 [1] : vector<42x16x256xf32> to vector<42x256xf32>
    %swap3A_657 = arith.constant 22 : index
    %swap3A_658 = arith.constant 22 : index
    %swap3A_659 = arith.constant 0 : index
    %swap3A_660 = vector.load %arg5[%swap3A_657, %swap3A_658, %swap3A_659] : memref<65x64x256xf32, #tpu.memory_space<vmem>>, vector<1x42x256xf32>
    %swap3A_661 = vector.shape_cast %swap3A_660 : vector<1x42x256xf32> to vector<42x256xf32>
    %swap3A_662 = vector.shape_cast %reduce_sum3A_656 : vector<42x256xf32> to vector<1x42x256xf32>
    tpu.vector_store %arg5[%swap3A_657, %swap3A_658, %swap3A_659], %swap3A_662 {strides = array<i32>} : memref<65x64x256xf32, #tpu.memory_space<vmem>>, vector<1x42x256xf32>,
    %broadcast_in_dim3A_663 = arith.constant 0.000000e+00 : f32
    %broadcast_in_dim3A_664 = vector.broadcast %broadcast_in_dim3A_663 : f32 to vector<22x256xf32>
    %swap3A_665 = arith.constant 23 : index
    %swap3A_666 = arith.constant 0 : index
    %swap3A_667 = arith.constant 0 : index
    %swap3A_668 = vector.load %arg5[%swap3A_665, %swap3A_666, %swap3A_667] : memref<65x64x256xf32, #tpu.memory_space<vmem>>, vector<1x22x256xf32>
    %swap3A_669 = vector.shape_cast %swap3A_668 : vector<1x22x256xf32> to vector<22x256xf32>
    %swap3A_670 = vector.shape_cast %broadcast_in_dim3A_664 : vector<22x256xf32> to vector<1x22x256xf32>
    tpu.vector_store %arg5[%swap3A_665, %swap3A_666, %swap3A_667], %swap3A_670 {strides = array<i32>} : memref<65x64x256xf32, #tpu.memory_space<vmem>>, vector<1x22x256xf32>,
    %slice3A_671 = vector.extract_strided_slice %select_n3A {offsets = [22, 0], sizes = [1, 256], strides = [1, 1]} : vector<64x256xf32> to vector<1x256xf32>
    %swap3A_672 = arith.constant 23 : index
    %swap3A_673 = arith.constant 22 : index
    %swap3A_674 = arith.constant 0 : index
    %swap3A_675 = vector.load %arg5[%swap3A_672, %swap3A_673, %swap3A_674] : memref<65x64x256xf32, #tpu.memory_space<vmem>>, vector<1x1x256xf32>
    %swap3A_676 = vector.shape_cast %swap3A_675 : vector<1x1x256xf32> to vector<1x256xf32>
    %swap3A_677 = vector.shape_cast %slice3A_671 : vector<1x256xf32> to vector<1x1x256xf32>
    tpu.vector_store %arg5[%swap3A_672, %swap3A_673, %swap3A_674], %swap3A_677 {strides = array<i32>} : memref<65x64x256xf32, #tpu.memory_space<vmem>>, vector<1x1x256xf32>,
    %slice3A_678 = vector.extract_strided_slice %reshape3A {offsets = [22, 0, 0], sizes = [1, 16, 256], strides = [1, 1, 1]} : vector<64x16x256xf32> to vector<1x16x256xf32>
    %squeeze3A_679 = vector.shape_cast %slice3A_678 : vector<1x16x256xf32> to vector<16x256xf32>
    %slice3A_680 = vector.extract_strided_slice %reshape3A {offsets = [23, 0, 0], sizes = [41, 16, 256], strides = [1, 1, 1]} : vector<64x16x256xf32> to vector<41x16x256xf32>
    %broadcast_in_dim3A_681 = vector.shape_cast %squeeze3A_679 : vector<16x256xf32> to vector<1x16x256xf32>
    %mul3A_682 = vector.broadcast %broadcast_in_dim3A_681 : vector<1x16x256xf32> to vector<41x16x256xf32>
    %mul3A_683 = arith.mulf %slice3A_680, %mul3A_682 : vector<41x16x256xf32>
    %reduce_sum3A_684 = arith.constant dense<0.000000e+00> : vector<41x256xf32>
    %reduce_sum3A_685 = vector.multi_reduction <add>, %mul3A_683, %reduce_sum3A_684 [1] : vector<41x16x256xf32> to vector<41x256xf32>
    %swap3A_686 = arith.constant 23 : index
    %swap3A_687 = arith.constant 23 : index
    %swap3A_688 = arith.constant 0 : index
    %swap3A_689 = vector.load %arg5[%swap3A_686, %swap3A_687, %swap3A_688] : memref<65x64x256xf32, #tpu.memory_space<vmem>>, vector<1x41x256xf32>
    %swap3A_690 = vector.shape_cast %swap3A_689 : vector<1x41x256xf32> to vector<41x256xf32>
    %swap3A_691 = vector.shape_cast %reduce_sum3A_685 : vector<41x256xf32> to vector<1x41x256xf32>
    tpu.vector_store %arg5[%swap3A_686, %swap3A_687, %swap3A_688], %swap3A_691 {strides = array<i32>} : memref<65x64x256xf32, #tpu.memory_space<vmem>>, vector<1x41x256xf32>,
    %broadcast_in_dim3A_692 = arith.constant 0.000000e+00 : f32
    %broadcast_in_dim3A_693 = vector.broadcast %broadcast_in_dim3A_692 : f32 to vector<23x256xf32>
    %swap3A_694 = arith.constant 24 : index
    %swap3A_695 = arith.constant 0 : index
    %swap3A_696 = arith.constant 0 : index
    %swap3A_697 = vector.load %arg5[%swap3A_694, %swap3A_695, %swap3A_696] : memref<65x64x256xf32, #tpu.memory_space<vmem>>, vector<1x23x256xf32>
    %swap3A_698 = vector.shape_cast %swap3A_697 : vector<1x23x256xf32> to vector<23x256xf32>
    %swap3A_699 = vector.shape_cast %broadcast_in_dim3A_693 : vector<23x256xf32> to vector<1x23x256xf32>
    tpu.vector_store %arg5[%swap3A_694, %swap3A_695, %swap3A_696], %swap3A_699 {strides = array<i32>} : memref<65x64x256xf32, #tpu.memory_space<vmem>>, vector<1x23x256xf32>,
    %slice3A_700 = vector.extract_strided_slice %select_n3A {offsets = [23, 0], sizes = [1, 256], strides = [1, 1]} : vector<64x256xf32> to vector<1x256xf32>
    %swap3A_701 = arith.constant 24 : index
    %swap3A_702 = arith.constant 23 : index
    %swap3A_703 = arith.constant 0 : index
    %swap3A_704 = vector.load %arg5[%swap3A_701, %swap3A_702, %swap3A_703] : memref<65x64x256xf32, #tpu.memory_space<vmem>>, vector<1x1x256xf32>
    %swap3A_705 = vector.shape_cast %swap3A_704 : vector<1x1x256xf32> to vector<1x256xf32>
    %swap3A_706 = vector.shape_cast %slice3A_700 : vector<1x256xf32> to vector<1x1x256xf32>
    tpu.vector_store %arg5[%swap3A_701, %swap3A_702, %swap3A_703], %swap3A_706 {strides = array<i32>} : memref<65x64x256xf32, #tpu.memory_space<vmem>>, vector<1x1x256xf32>,
    %slice3A_707 = vector.extract_strided_slice %reshape3A {offsets = [23, 0, 0], sizes = [1, 16, 256], strides = [1, 1, 1]} : vector<64x16x256xf32> to vector<1x16x256xf32>
    %squeeze3A_708 = vector.shape_cast %slice3A_707 : vector<1x16x256xf32> to vector<16x256xf32>
    %slice3A_709 = vector.extract_strided_slice %reshape3A {offsets = [24, 0, 0], sizes = [40, 16, 256], strides = [1, 1, 1]} : vector<64x16x256xf32> to vector<40x16x256xf32>
    %broadcast_in_dim3A_710 = vector.shape_cast %squeeze3A_708 : vector<16x256xf32> to vector<1x16x256xf32>
    %mul3A_711 = vector.broadcast %broadcast_in_dim3A_710 : vector<1x16x256xf32> to vector<40x16x256xf32>
    %mul3A_712 = arith.mulf %slice3A_709, %mul3A_711 : vector<40x16x256xf32>
    %reduce_sum3A_713 = arith.constant dense<0.000000e+00> : vector<40x256xf32>
    %reduce_sum3A_714 = vector.multi_reduction <add>, %mul3A_712, %reduce_sum3A_713 [1] : vector<40x16x256xf32> to vector<40x256xf32>
    %swap3A_715 = arith.constant 24 : index
    %swap3A_716 = arith.constant 24 : index
    %swap3A_717 = arith.constant 0 : index
    %swap3A_718 = vector.load %arg5[%swap3A_715, %swap3A_716, %swap3A_717] : memref<65x64x256xf32, #tpu.memory_space<vmem>>, vector<1x40x256xf32>
    %swap3A_719 = vector.shape_cast %swap3A_718 : vector<1x40x256xf32> to vector<40x256xf32>
    %swap3A_720 = vector.shape_cast %reduce_sum3A_714 : vector<40x256xf32> to vector<1x40x256xf32>
    tpu.vector_store %arg5[%swap3A_715, %swap3A_716, %swap3A_717], %swap3A_720 {strides = array<i32>} : memref<65x64x256xf32, #tpu.memory_space<vmem>>, vector<1x40x256xf32>,
    %broadcast_in_dim3A_721 = arith.constant 0.000000e+00 : f32
    %broadcast_in_dim3A_722 = vector.broadcast %broadcast_in_dim3A_721 : f32 to vector<24x256xf32>
    %swap3A_723 = arith.constant 25 : index
    %swap3A_724 = arith.constant 0 : index
    %swap3A_725 = arith.constant 0 : index
    %swap3A_726 = vector.load %arg5[%swap3A_723, %swap3A_724, %swap3A_725] : memref<65x64x256xf32, #tpu.memory_space<vmem>>, vector<1x24x256xf32>
    %swap3A_727 = vector.shape_cast %swap3A_726 : vector<1x24x256xf32> to vector<24x256xf32>
    %swap3A_728 = vector.shape_cast %broadcast_in_dim3A_722 : vector<24x256xf32> to vector<1x24x256xf32>
    tpu.vector_store %arg5[%swap3A_723, %swap3A_724, %swap3A_725], %swap3A_728 {strides = array<i32>} : memref<65x64x256xf32, #tpu.memory_space<vmem>>, vector<1x24x256xf32>,
    %slice3A_729 = vector.extract_strided_slice %select_n3A {offsets = [24, 0], sizes = [1, 256], strides = [1, 1]} : vector<64x256xf32> to vector<1x256xf32>
    %swap3A_730 = arith.constant 25 : index
    %swap3A_731 = arith.constant 24 : index
    %swap3A_732 = arith.constant 0 : index
    %swap3A_733 = vector.load %arg5[%swap3A_730, %swap3A_731, %swap3A_732] : memref<65x64x256xf32, #tpu.memory_space<vmem>>, vector<1x1x256xf32>
    %swap3A_734 = vector.shape_cast %swap3A_733 : vector<1x1x256xf32> to vector<1x256xf32>
    %swap3A_735 = vector.shape_cast %slice3A_729 : vector<1x256xf32> to vector<1x1x256xf32>
    tpu.vector_store %arg5[%swap3A_730, %swap3A_731, %swap3A_732], %swap3A_735 {strides = array<i32>} : memref<65x64x256xf32, #tpu.memory_space<vmem>>, vector<1x1x256xf32>,
    %slice3A_736 = vector.extract_strided_slice %reshape3A {offsets = [24, 0, 0], sizes = [1, 16, 256], strides = [1, 1, 1]} : vector<64x16x256xf32> to vector<1x16x256xf32>
    %squeeze3A_737 = vector.shape_cast %slice3A_736 : vector<1x16x256xf32> to vector<16x256xf32>
    %slice3A_738 = vector.extract_strided_slice %reshape3A {offsets = [25, 0, 0], sizes = [39, 16, 256], strides = [1, 1, 1]} : vector<64x16x256xf32> to vector<39x16x256xf32>
    %broadcast_in_dim3A_739 = vector.shape_cast %squeeze3A_737 : vector<16x256xf32> to vector<1x16x256xf32>
    %mul3A_740 = vector.broadcast %broadcast_in_dim3A_739 : vector<1x16x256xf32> to vector<39x16x256xf32>
    %mul3A_741 = arith.mulf %slice3A_738, %mul3A_740 : vector<39x16x256xf32>
    %reduce_sum3A_742 = arith.constant dense<0.000000e+00> : vector<39x256xf32>
    %reduce_sum3A_743 = vector.multi_reduction <add>, %mul3A_741, %reduce_sum3A_742 [1] : vector<39x16x256xf32> to vector<39x256xf32>
    %swap3A_744 = arith.constant 25 : index
    %swap3A_745 = arith.constant 25 : index
    %swap3A_746 = arith.constant 0 : index
    %swap3A_747 = vector.load %arg5[%swap3A_744, %swap3A_745, %swap3A_746] : memref<65x64x256xf32, #tpu.memory_space<vmem>>, vector<1x39x256xf32>
    %swap3A_748 = vector.shape_cast %swap3A_747 : vector<1x39x256xf32> to vector<39x256xf32>
    %swap3A_749 = vector.shape_cast %reduce_sum3A_743 : vector<39x256xf32> to vector<1x39x256xf32>
    tpu.vector_store %arg5[%swap3A_744, %swap3A_745, %swap3A_746], %swap3A_749 {strides = array<i32>} : memref<65x64x256xf32, #tpu.memory_space<vmem>>, vector<1x39x256xf32>,
    %broadcast_in_dim3A_750 = arith.constant 0.000000e+00 : f32
    %broadcast_in_dim3A_751 = vector.broadcast %broadcast_in_dim3A_750 : f32 to vector<25x256xf32>
    %swap3A_752 = arith.constant 26 : index
    %swap3A_753 = arith.constant 0 : index
    %swap3A_754 = arith.constant 0 : index
    %swap3A_755 = vector.load %arg5[%swap3A_752, %swap3A_753, %swap3A_754] : memref<65x64x256xf32, #tpu.memory_space<vmem>>, vector<1x25x256xf32>
    %swap3A_756 = vector.shape_cast %swap3A_755 : vector<1x25x256xf32> to vector<25x256xf32>
    %swap3A_757 = vector.shape_cast %broadcast_in_dim3A_751 : vector<25x256xf32> to vector<1x25x256xf32>
    tpu.vector_store %arg5[%swap3A_752, %swap3A_753, %swap3A_754], %swap3A_757 {strides = array<i32>} : memref<65x64x256xf32, #tpu.memory_space<vmem>>, vector<1x25x256xf32>,
    %slice3A_758 = vector.extract_strided_slice %select_n3A {offsets = [25, 0], sizes = [1, 256], strides = [1, 1]} : vector<64x256xf32> to vector<1x256xf32>
    %swap3A_759 = arith.constant 26 : index
    %swap3A_760 = arith.constant 25 : index
    %swap3A_761 = arith.constant 0 : index
    %swap3A_762 = vector.load %arg5[%swap3A_759, %swap3A_760, %swap3A_761] : memref<65x64x256xf32, #tpu.memory_space<vmem>>, vector<1x1x256xf32>
    %swap3A_763 = vector.shape_cast %swap3A_762 : vector<1x1x256xf32> to vector<1x256xf32>
    %swap3A_764 = vector.shape_cast %slice3A_758 : vector<1x256xf32> to vector<1x1x256xf32>
    tpu.vector_store %arg5[%swap3A_759, %swap3A_760, %swap3A_761], %swap3A_764 {strides = array<i32>} : memref<65x64x256xf32, #tpu.memory_space<vmem>>, vector<1x1x256xf32>,
    %slice3A_765 = vector.extract_strided_slice %reshape3A {offsets = [25, 0, 0], sizes = [1, 16, 256], strides = [1, 1, 1]} : vector<64x16x256xf32> to vector<1x16x256xf32>
    %squeeze3A_766 = vector.shape_cast %slice3A_765 : vector<1x16x256xf32> to vector<16x256xf32>
    %slice3A_767 = vector.extract_strided_slice %reshape3A {offsets = [26, 0, 0], sizes = [38, 16, 256], strides = [1, 1, 1]} : vector<64x16x256xf32> to vector<38x16x256xf32>
    %broadcast_in_dim3A_768 = vector.shape_cast %squeeze3A_766 : vector<16x256xf32> to vector<1x16x256xf32>
    %mul3A_769 = vector.broadcast %broadcast_in_dim3A_768 : vector<1x16x256xf32> to vector<38x16x256xf32>
    %mul3A_770 = arith.mulf %slice3A_767, %mul3A_769 : vector<38x16x256xf32>
    %reduce_sum3A_771 = arith.constant dense<0.000000e+00> : vector<38x256xf32>
    %reduce_sum3A_772 = vector.multi_reduction <add>, %mul3A_770, %reduce_sum3A_771 [1] : vector<38x16x256xf32> to vector<38x256xf32>
    %swap3A_773 = arith.constant 26 : index
    %swap3A_774 = arith.constant 26 : index
    %swap3A_775 = arith.constant 0 : index
    %swap3A_776 = vector.load %arg5[%swap3A_773, %swap3A_774, %swap3A_775] : memref<65x64x256xf32, #tpu.memory_space<vmem>>, vector<1x38x256xf32>
    %swap3A_777 = vector.shape_cast %swap3A_776 : vector<1x38x256xf32> to vector<38x256xf32>
    %swap3A_778 = vector.shape_cast %reduce_sum3A_772 : vector<38x256xf32> to vector<1x38x256xf32>
    tpu.vector_store %arg5[%swap3A_773, %swap3A_774, %swap3A_775], %swap3A_778 {strides = array<i32>} : memref<65x64x256xf32, #tpu.memory_space<vmem>>, vector<1x38x256xf32>,
    %broadcast_in_dim3A_779 = arith.constant 0.000000e+00 : f32
    %broadcast_in_dim3A_780 = vector.broadcast %broadcast_in_dim3A_779 : f32 to vector<26x256xf32>
    %swap3A_781 = arith.constant 27 : index
    %swap3A_782 = arith.constant 0 : index
    %swap3A_783 = arith.constant 0 : index
    %swap3A_784 = vector.load %arg5[%swap3A_781, %swap3A_782, %swap3A_783] : memref<65x64x256xf32, #tpu.memory_space<vmem>>, vector<1x26x256xf32>
    %swap3A_785 = vector.shape_cast %swap3A_784 : vector<1x26x256xf32> to vector<26x256xf32>
    %swap3A_786 = vector.shape_cast %broadcast_in_dim3A_780 : vector<26x256xf32> to vector<1x26x256xf32>
    tpu.vector_store %arg5[%swap3A_781, %swap3A_782, %swap3A_783], %swap3A_786 {strides = array<i32>} : memref<65x64x256xf32, #tpu.memory_space<vmem>>, vector<1x26x256xf32>,
    %slice3A_787 = vector.extract_strided_slice %select_n3A {offsets = [26, 0], sizes = [1, 256], strides = [1, 1]} : vector<64x256xf32> to vector<1x256xf32>
    %swap3A_788 = arith.constant 27 : index
    %swap3A_789 = arith.constant 26 : index
    %swap3A_790 = arith.constant 0 : index
    %swap3A_791 = vector.load %arg5[%swap3A_788, %swap3A_789, %swap3A_790] : memref<65x64x256xf32, #tpu.memory_space<vmem>>, vector<1x1x256xf32>
    %swap3A_792 = vector.shape_cast %swap3A_791 : vector<1x1x256xf32> to vector<1x256xf32>
    %swap3A_793 = vector.shape_cast %slice3A_787 : vector<1x256xf32> to vector<1x1x256xf32>
    tpu.vector_store %arg5[%swap3A_788, %swap3A_789, %swap3A_790], %swap3A_793 {strides = array<i32>} : memref<65x64x256xf32, #tpu.memory_space<vmem>>, vector<1x1x256xf32>,
    %slice3A_794 = vector.extract_strided_slice %reshape3A {offsets = [26, 0, 0], sizes = [1, 16, 256], strides = [1, 1, 1]} : vector<64x16x256xf32> to vector<1x16x256xf32>
    %squeeze3A_795 = vector.shape_cast %slice3A_794 : vector<1x16x256xf32> to vector<16x256xf32>
    %slice3A_796 = vector.extract_strided_slice %reshape3A {offsets = [27, 0, 0], sizes = [37, 16, 256], strides = [1, 1, 1]} : vector<64x16x256xf32> to vector<37x16x256xf32>
    %broadcast_in_dim3A_797 = vector.shape_cast %squeeze3A_795 : vector<16x256xf32> to vector<1x16x256xf32>
    %mul3A_798 = vector.broadcast %broadcast_in_dim3A_797 : vector<1x16x256xf32> to vector<37x16x256xf32>
    %mul3A_799 = arith.mulf %slice3A_796, %mul3A_798 : vector<37x16x256xf32>
    %reduce_sum3A_800 = arith.constant dense<0.000000e+00> : vector<37x256xf32>
    %reduce_sum3A_801 = vector.multi_reduction <add>, %mul3A_799, %reduce_sum3A_800 [1] : vector<37x16x256xf32> to vector<37x256xf32>
    %swap3A_802 = arith.constant 27 : index
    %swap3A_803 = arith.constant 27 : index
    %swap3A_804 = arith.constant 0 : index
    %swap3A_805 = vector.load %arg5[%swap3A_802, %swap3A_803, %swap3A_804] : memref<65x64x256xf32, #tpu.memory_space<vmem>>, vector<1x37x256xf32>
    %swap3A_806 = vector.shape_cast %swap3A_805 : vector<1x37x256xf32> to vector<37x256xf32>
    %swap3A_807 = vector.shape_cast %reduce_sum3A_801 : vector<37x256xf32> to vector<1x37x256xf32>
    tpu.vector_store %arg5[%swap3A_802, %swap3A_803, %swap3A_804], %swap3A_807 {strides = array<i32>} : memref<65x64x256xf32, #tpu.memory_space<vmem>>, vector<1x37x256xf32>,
    %broadcast_in_dim3A_808 = arith.constant 0.000000e+00 : f32
    %broadcast_in_dim3A_809 = vector.broadcast %broadcast_in_dim3A_808 : f32 to vector<27x256xf32>
    %swap3A_810 = arith.constant 28 : index
    %swap3A_811 = arith.constant 0 : index
    %swap3A_812 = arith.constant 0 : index
    %swap3A_813 = vector.load %arg5[%swap3A_810, %swap3A_811, %swap3A_812] : memref<65x64x256xf32, #tpu.memory_space<vmem>>, vector<1x27x256xf32>
    %swap3A_814 = vector.shape_cast %swap3A_813 : vector<1x27x256xf32> to vector<27x256xf32>
    %swap3A_815 = vector.shape_cast %broadcast_in_dim3A_809 : vector<27x256xf32> to vector<1x27x256xf32>
    tpu.vector_store %arg5[%swap3A_810, %swap3A_811, %swap3A_812], %swap3A_815 {strides = array<i32>} : memref<65x64x256xf32, #tpu.memory_space<vmem>>, vector<1x27x256xf32>,
    %slice3A_816 = vector.extract_strided_slice %select_n3A {offsets = [27, 0], sizes = [1, 256], strides = [1, 1]} : vector<64x256xf32> to vector<1x256xf32>
    %swap3A_817 = arith.constant 28 : index
    %swap3A_818 = arith.constant 27 : index
    %swap3A_819 = arith.constant 0 : index
    %swap3A_820 = vector.load %arg5[%swap3A_817, %swap3A_818, %swap3A_819] : memref<65x64x256xf32, #tpu.memory_space<vmem>>, vector<1x1x256xf32>
    %swap3A_821 = vector.shape_cast %swap3A_820 : vector<1x1x256xf32> to vector<1x256xf32>
    %swap3A_822 = vector.shape_cast %slice3A_816 : vector<1x256xf32> to vector<1x1x256xf32>
    tpu.vector_store %arg5[%swap3A_817, %swap3A_818, %swap3A_819], %swap3A_822 {strides = array<i32>} : memref<65x64x256xf32, #tpu.memory_space<vmem>>, vector<1x1x256xf32>,
    %slice3A_823 = vector.extract_strided_slice %reshape3A {offsets = [27, 0, 0], sizes = [1, 16, 256], strides = [1, 1, 1]} : vector<64x16x256xf32> to vector<1x16x256xf32>
    %squeeze3A_824 = vector.shape_cast %slice3A_823 : vector<1x16x256xf32> to vector<16x256xf32>
    %slice3A_825 = vector.extract_strided_slice %reshape3A {offsets = [28, 0, 0], sizes = [36, 16, 256], strides = [1, 1, 1]} : vector<64x16x256xf32> to vector<36x16x256xf32>
    %broadcast_in_dim3A_826 = vector.shape_cast %squeeze3A_824 : vector<16x256xf32> to vector<1x16x256xf32>
    %mul3A_827 = vector.broadcast %broadcast_in_dim3A_826 : vector<1x16x256xf32> to vector<36x16x256xf32>
    %mul3A_828 = arith.mulf %slice3A_825, %mul3A_827 : vector<36x16x256xf32>
    %reduce_sum3A_829 = arith.constant dense<0.000000e+00> : vector<36x256xf32>
    %reduce_sum3A_830 = vector.multi_reduction <add>, %mul3A_828, %reduce_sum3A_829 [1] : vector<36x16x256xf32> to vector<36x256xf32>
    %swap3A_831 = arith.constant 28 : index
    %swap3A_832 = arith.constant 28 : index
    %swap3A_833 = arith.constant 0 : index
    %swap3A_834 = vector.load %arg5[%swap3A_831, %swap3A_832, %swap3A_833] : memref<65x64x256xf32, #tpu.memory_space<vmem>>, vector<1x36x256xf32>
    %swap3A_835 = vector.shape_cast %swap3A_834 : vector<1x36x256xf32> to vector<36x256xf32>
    %swap3A_836 = vector.shape_cast %reduce_sum3A_830 : vector<36x256xf32> to vector<1x36x256xf32>
    tpu.vector_store %arg5[%swap3A_831, %swap3A_832, %swap3A_833], %swap3A_836 {strides = array<i32>} : memref<65x64x256xf32, #tpu.memory_space<vmem>>, vector<1x36x256xf32>,
    %broadcast_in_dim3A_837 = arith.constant 0.000000e+00 : f32
    %broadcast_in_dim3A_838 = vector.broadcast %broadcast_in_dim3A_837 : f32 to vector<28x256xf32>
    %swap3A_839 = arith.constant 29 : index
    %swap3A_840 = arith.constant 0 : index
    %swap3A_841 = arith.constant 0 : index
    %swap3A_842 = vector.load %arg5[%swap3A_839, %swap3A_840, %swap3A_841] : memref<65x64x256xf32, #tpu.memory_space<vmem>>, vector<1x28x256xf32>
    %swap3A_843 = vector.shape_cast %swap3A_842 : vector<1x28x256xf32> to vector<28x256xf32>
    %swap3A_844 = vector.shape_cast %broadcast_in_dim3A_838 : vector<28x256xf32> to vector<1x28x256xf32>
    tpu.vector_store %arg5[%swap3A_839, %swap3A_840, %swap3A_841], %swap3A_844 {strides = array<i32>} : memref<65x64x256xf32, #tpu.memory_space<vmem>>, vector<1x28x256xf32>,
    %slice3A_845 = vector.extract_strided_slice %select_n3A {offsets = [28, 0], sizes = [1, 256], strides = [1, 1]} : vector<64x256xf32> to vector<1x256xf32>
    %swap3A_846 = arith.constant 29 : index
    %swap3A_847 = arith.constant 28 : index
    %swap3A_848 = arith.constant 0 : index
    %swap3A_849 = vector.load %arg5[%swap3A_846, %swap3A_847, %swap3A_848] : memref<65x64x256xf32, #tpu.memory_space<vmem>>, vector<1x1x256xf32>
    %swap3A_850 = vector.shape_cast %swap3A_849 : vector<1x1x256xf32> to vector<1x256xf32>
    %swap3A_851 = vector.shape_cast %slice3A_845 : vector<1x256xf32> to vector<1x1x256xf32>
    tpu.vector_store %arg5[%swap3A_846, %swap3A_847, %swap3A_848], %swap3A_851 {strides = array<i32>} : memref<65x64x256xf32, #tpu.memory_space<vmem>>, vector<1x1x256xf32>,
    %slice3A_852 = vector.extract_strided_slice %reshape3A {offsets = [28, 0, 0], sizes = [1, 16, 256], strides = [1, 1, 1]} : vector<64x16x256xf32> to vector<1x16x256xf32>
    %squeeze3A_853 = vector.shape_cast %slice3A_852 : vector<1x16x256xf32> to vector<16x256xf32>
    %slice3A_854 = vector.extract_strided_slice %reshape3A {offsets = [29, 0, 0], sizes = [35, 16, 256], strides = [1, 1, 1]} : vector<64x16x256xf32> to vector<35x16x256xf32>
    %broadcast_in_dim3A_855 = vector.shape_cast %squeeze3A_853 : vector<16x256xf32> to vector<1x16x256xf32>
    %mul3A_856 = vector.broadcast %broadcast_in_dim3A_855 : vector<1x16x256xf32> to vector<35x16x256xf32>
    %mul3A_857 = arith.mulf %slice3A_854, %mul3A_856 : vector<35x16x256xf32>
    %reduce_sum3A_858 = arith.constant dense<0.000000e+00> : vector<35x256xf32>
    %reduce_sum3A_859 = vector.multi_reduction <add>, %mul3A_857, %reduce_sum3A_858 [1] : vector<35x16x256xf32> to vector<35x256xf32>
    %swap3A_860 = arith.constant 29 : index
    %swap3A_861 = arith.constant 29 : index
    %swap3A_862 = arith.constant 0 : index
    %swap3A_863 = vector.load %arg5[%swap3A_860, %swap3A_861, %swap3A_862] : memref<65x64x256xf32, #tpu.memory_space<vmem>>, vector<1x35x256xf32>
    %swap3A_864 = vector.shape_cast %swap3A_863 : vector<1x35x256xf32> to vector<35x256xf32>
    %swap3A_865 = vector.shape_cast %reduce_sum3A_859 : vector<35x256xf32> to vector<1x35x256xf32>
    tpu.vector_store %arg5[%swap3A_860, %swap3A_861, %swap3A_862], %swap3A_865 {strides = array<i32>} : memref<65x64x256xf32, #tpu.memory_space<vmem>>, vector<1x35x256xf32>,
    %broadcast_in_dim3A_866 = arith.constant 0.000000e+00 : f32
    %broadcast_in_dim3A_867 = vector.broadcast %broadcast_in_dim3A_866 : f32 to vector<29x256xf32>
    %swap3A_868 = arith.constant 30 : index
    %swap3A_869 = arith.constant 0 : index
    %swap3A_870 = arith.constant 0 : index
    %swap3A_871 = vector.load %arg5[%swap3A_868, %swap3A_869, %swap3A_870] : memref<65x64x256xf32, #tpu.memory_space<vmem>>, vector<1x29x256xf32>
    %swap3A_872 = vector.shape_cast %swap3A_871 : vector<1x29x256xf32> to vector<29x256xf32>
    %swap3A_873 = vector.shape_cast %broadcast_in_dim3A_867 : vector<29x256xf32> to vector<1x29x256xf32>
    tpu.vector_store %arg5[%swap3A_868, %swap3A_869, %swap3A_870], %swap3A_873 {strides = array<i32>} : memref<65x64x256xf32, #tpu.memory_space<vmem>>, vector<1x29x256xf32>,
    %slice3A_874 = vector.extract_strided_slice %select_n3A {offsets = [29, 0], sizes = [1, 256], strides = [1, 1]} : vector<64x256xf32> to vector<1x256xf32>
    %swap3A_875 = arith.constant 30 : index
    %swap3A_876 = arith.constant 29 : index
    %swap3A_877 = arith.constant 0 : index
    %swap3A_878 = vector.load %arg5[%swap3A_875, %swap3A_876, %swap3A_877] : memref<65x64x256xf32, #tpu.memory_space<vmem>>, vector<1x1x256xf32>
    %swap3A_879 = vector.shape_cast %swap3A_878 : vector<1x1x256xf32> to vector<1x256xf32>
    %swap3A_880 = vector.shape_cast %slice3A_874 : vector<1x256xf32> to vector<1x1x256xf32>
    tpu.vector_store %arg5[%swap3A_875, %swap3A_876, %swap3A_877], %swap3A_880 {strides = array<i32>} : memref<65x64x256xf32, #tpu.memory_space<vmem>>, vector<1x1x256xf32>,
    %slice3A_881 = vector.extract_strided_slice %reshape3A {offsets = [29, 0, 0], sizes = [1, 16, 256], strides = [1, 1, 1]} : vector<64x16x256xf32> to vector<1x16x256xf32>
    %squeeze3A_882 = vector.shape_cast %slice3A_881 : vector<1x16x256xf32> to vector<16x256xf32>
    %slice3A_883 = vector.extract_strided_slice %reshape3A {offsets = [30, 0, 0], sizes = [34, 16, 256], strides = [1, 1, 1]} : vector<64x16x256xf32> to vector<34x16x256xf32>
    %broadcast_in_dim3A_884 = vector.shape_cast %squeeze3A_882 : vector<16x256xf32> to vector<1x16x256xf32>
    %mul3A_885 = vector.broadcast %broadcast_in_dim3A_884 : vector<1x16x256xf32> to vector<34x16x256xf32>
    %mul3A_886 = arith.mulf %slice3A_883, %mul3A_885 : vector<34x16x256xf32>
    %reduce_sum3A_887 = arith.constant dense<0.000000e+00> : vector<34x256xf32>
    %reduce_sum3A_888 = vector.multi_reduction <add>, %mul3A_886, %reduce_sum3A_887 [1] : vector<34x16x256xf32> to vector<34x256xf32>
    %swap3A_889 = arith.constant 30 : index
    %swap3A_890 = arith.constant 30 : index
    %swap3A_891 = arith.constant 0 : index
    %swap3A_892 = vector.load %arg5[%swap3A_889, %swap3A_890, %swap3A_891] : memref<65x64x256xf32, #tpu.memory_space<vmem>>, vector<1x34x256xf32>
    %swap3A_893 = vector.shape_cast %swap3A_892 : vector<1x34x256xf32> to vector<34x256xf32>
    %swap3A_894 = vector.shape_cast %reduce_sum3A_888 : vector<34x256xf32> to vector<1x34x256xf32>
    tpu.vector_store %arg5[%swap3A_889, %swap3A_890, %swap3A_891], %swap3A_894 {strides = array<i32>} : memref<65x64x256xf32, #tpu.memory_space<vmem>>, vector<1x34x256xf32>,
    %broadcast_in_dim3A_895 = arith.constant 0.000000e+00 : f32
    %broadcast_in_dim3A_896 = vector.broadcast %broadcast_in_dim3A_895 : f32 to vector<30x256xf32>
    %swap3A_897 = arith.constant 31 : index
    %swap3A_898 = arith.constant 0 : index
    %swap3A_899 = arith.constant 0 : index
    %swap3A_900 = vector.load %arg5[%swap3A_897, %swap3A_898, %swap3A_899] : memref<65x64x256xf32, #tpu.memory_space<vmem>>, vector<1x30x256xf32>
    %swap3A_901 = vector.shape_cast %swap3A_900 : vector<1x30x256xf32> to vector<30x256xf32>
    %swap3A_902 = vector.shape_cast %broadcast_in_dim3A_896 : vector<30x256xf32> to vector<1x30x256xf32>
    tpu.vector_store %arg5[%swap3A_897, %swap3A_898, %swap3A_899], %swap3A_902 {strides = array<i32>} : memref<65x64x256xf32, #tpu.memory_space<vmem>>, vector<1x30x256xf32>,
    %slice3A_903 = vector.extract_strided_slice %select_n3A {offsets = [30, 0], sizes = [1, 256], strides = [1, 1]} : vector<64x256xf32> to vector<1x256xf32>
    %swap3A_904 = arith.constant 31 : index
    %swap3A_905 = arith.constant 30 : index
    %swap3A_906 = arith.constant 0 : index
    %swap3A_907 = vector.load %arg5[%swap3A_904, %swap3A_905, %swap3A_906] : memref<65x64x256xf32, #tpu.memory_space<vmem>>, vector<1x1x256xf32>
    %swap3A_908 = vector.shape_cast %swap3A_907 : vector<1x1x256xf32> to vector<1x256xf32>
    %swap3A_909 = vector.shape_cast %slice3A_903 : vector<1x256xf32> to vector<1x1x256xf32>
    tpu.vector_store %arg5[%swap3A_904, %swap3A_905, %swap3A_906], %swap3A_909 {strides = array<i32>} : memref<65x64x256xf32, #tpu.memory_space<vmem>>, vector<1x1x256xf32>,
    %slice3A_910 = vector.extract_strided_slice %reshape3A {offsets = [30, 0, 0], sizes = [1, 16, 256], strides = [1, 1, 1]} : vector<64x16x256xf32> to vector<1x16x256xf32>
    %squeeze3A_911 = vector.shape_cast %slice3A_910 : vector<1x16x256xf32> to vector<16x256xf32>
    %slice3A_912 = vector.extract_strided_slice %reshape3A {offsets = [31, 0, 0], sizes = [33, 16, 256], strides = [1, 1, 1]} : vector<64x16x256xf32> to vector<33x16x256xf32>
    %broadcast_in_dim3A_913 = vector.shape_cast %squeeze3A_911 : vector<16x256xf32> to vector<1x16x256xf32>
    %mul3A_914 = vector.broadcast %broadcast_in_dim3A_913 : vector<1x16x256xf32> to vector<33x16x256xf32>
    %mul3A_915 = arith.mulf %slice3A_912, %mul3A_914 : vector<33x16x256xf32>
    %reduce_sum3A_916 = arith.constant dense<0.000000e+00> : vector<33x256xf32>
    %reduce_sum3A_917 = vector.multi_reduction <add>, %mul3A_915, %reduce_sum3A_916 [1] : vector<33x16x256xf32> to vector<33x256xf32>
    %swap3A_918 = arith.constant 31 : index
    %swap3A_919 = arith.constant 31 : index
    %swap3A_920 = arith.constant 0 : index
    %swap3A_921 = vector.load %arg5[%swap3A_918, %swap3A_919, %swap3A_920] : memref<65x64x256xf32, #tpu.memory_space<vmem>>, vector<1x33x256xf32>
    %swap3A_922 = vector.shape_cast %swap3A_921 : vector<1x33x256xf32> to vector<33x256xf32>
    %swap3A_923 = vector.shape_cast %reduce_sum3A_917 : vector<33x256xf32> to vector<1x33x256xf32>
    tpu.vector_store %arg5[%swap3A_918, %swap3A_919, %swap3A_920], %swap3A_923 {strides = array<i32>} : memref<65x64x256xf32, #tpu.memory_space<vmem>>, vector<1x33x256xf32>,
    %broadcast_in_dim3A_924 = arith.constant 0.000000e+00 : f32
    %broadcast_in_dim3A_925 = vector.broadcast %broadcast_in_dim3A_924 : f32 to vector<31x256xf32>
    %swap3A_926 = arith.constant 32 : index
    %swap3A_927 = arith.constant 0 : index
    %swap3A_928 = arith.constant 0 : index
    %swap3A_929 = vector.load %arg5[%swap3A_926, %swap3A_927, %swap3A_928] : memref<65x64x256xf32, #tpu.memory_space<vmem>>, vector<1x31x256xf32>
    %swap3A_930 = vector.shape_cast %swap3A_929 : vector<1x31x256xf32> to vector<31x256xf32>
    %swap3A_931 = vector.shape_cast %broadcast_in_dim3A_925 : vector<31x256xf32> to vector<1x31x256xf32>
    tpu.vector_store %arg5[%swap3A_926, %swap3A_927, %swap3A_928], %swap3A_931 {strides = array<i32>} : memref<65x64x256xf32, #tpu.memory_space<vmem>>, vector<1x31x256xf32>,
    %slice3A_932 = vector.extract_strided_slice %select_n3A {offsets = [31, 0], sizes = [1, 256], strides = [1, 1]} : vector<64x256xf32> to vector<1x256xf32>
    %swap3A_933 = arith.constant 32 : index
    %swap3A_934 = arith.constant 31 : index
    %swap3A_935 = arith.constant 0 : index
    %swap3A_936 = vector.load %arg5[%swap3A_933, %swap3A_934, %swap3A_935] : memref<65x64x256xf32, #tpu.memory_space<vmem>>, vector<1x1x256xf32>
    %swap3A_937 = vector.shape_cast %swap3A_936 : vector<1x1x256xf32> to vector<1x256xf32>
    %swap3A_938 = vector.shape_cast %slice3A_932 : vector<1x256xf32> to vector<1x1x256xf32>
    tpu.vector_store %arg5[%swap3A_933, %swap3A_934, %swap3A_935], %swap3A_938 {strides = array<i32>} : memref<65x64x256xf32, #tpu.memory_space<vmem>>, vector<1x1x256xf32>,
    %slice3A_939 = vector.extract_strided_slice %reshape3A {offsets = [31, 0, 0], sizes = [1, 16, 256], strides = [1, 1, 1]} : vector<64x16x256xf32> to vector<1x16x256xf32>
    %squeeze3A_940 = vector.shape_cast %slice3A_939 : vector<1x16x256xf32> to vector<16x256xf32>
    %slice3A_941 = vector.extract_strided_slice %reshape3A {offsets = [32, 0, 0], sizes = [32, 16, 256], strides = [1, 1, 1]} : vector<64x16x256xf32> to vector<32x16x256xf32>
    %broadcast_in_dim3A_942 = vector.shape_cast %squeeze3A_940 : vector<16x256xf32> to vector<1x16x256xf32>
    %mul3A_943 = vector.broadcast %broadcast_in_dim3A_942 : vector<1x16x256xf32> to vector<32x16x256xf32>
    %mul3A_944 = arith.mulf %slice3A_941, %mul3A_943 : vector<32x16x256xf32>
    %reduce_sum3A_945 = arith.constant dense<0.000000e+00> : vector<32x256xf32>
    %reduce_sum3A_946 = vector.multi_reduction <add>, %mul3A_944, %reduce_sum3A_945 [1] : vector<32x16x256xf32> to vector<32x256xf32>
    %swap3A_947 = arith.constant 32 : index
    %swap3A_948 = arith.constant 32 : index
    %swap3A_949 = arith.constant 0 : index
    %swap3A_950 = vector.load %arg5[%swap3A_947, %swap3A_948, %swap3A_949] : memref<65x64x256xf32, #tpu.memory_space<vmem>>, vector<1x32x256xf32>
    %swap3A_951 = vector.shape_cast %swap3A_950 : vector<1x32x256xf32> to vector<32x256xf32>
    %swap3A_952 = vector.shape_cast %reduce_sum3A_946 : vector<32x256xf32> to vector<1x32x256xf32>
    tpu.vector_store %arg5[%swap3A_947, %swap3A_948, %swap3A_949], %swap3A_952 {strides = array<i32>} : memref<65x64x256xf32, #tpu.memory_space<vmem>>, vector<1x32x256xf32>,
    %broadcast_in_dim3A_953 = arith.constant 0.000000e+00 : f32
    %broadcast_in_dim3A_954 = vector.broadcast %broadcast_in_dim3A_953 : f32 to vector<32x256xf32>
    %swap3A_955 = arith.constant 33 : index
    %swap3A_956 = arith.constant 0 : index
    %swap3A_957 = arith.constant 0 : index
    %swap3A_958 = vector.load %arg5[%swap3A_955, %swap3A_956, %swap3A_957] : memref<65x64x256xf32, #tpu.memory_space<vmem>>, vector<1x32x256xf32>
    %swap3A_959 = vector.shape_cast %swap3A_958 : vector<1x32x256xf32> to vector<32x256xf32>
    %swap3A_960 = vector.shape_cast %broadcast_in_dim3A_954 : vector<32x256xf32> to vector<1x32x256xf32>
    tpu.vector_store %arg5[%swap3A_955, %swap3A_956, %swap3A_957], %swap3A_960 {strides = array<i32>} : memref<65x64x256xf32, #tpu.memory_space<vmem>>, vector<1x32x256xf32>,
    %slice3A_961 = vector.extract_strided_slice %select_n3A {offsets = [32, 0], sizes = [1, 256], strides = [1, 1]} : vector<64x256xf32> to vector<1x256xf32>
    %swap3A_962 = arith.constant 33 : index
    %swap3A_963 = arith.constant 32 : index
    %swap3A_964 = arith.constant 0 : index
    %swap3A_965 = vector.load %arg5[%swap3A_962, %swap3A_963, %swap3A_964] : memref<65x64x256xf32, #tpu.memory_space<vmem>>, vector<1x1x256xf32>
    %swap3A_966 = vector.shape_cast %swap3A_965 : vector<1x1x256xf32> to vector<1x256xf32>
    %swap3A_967 = vector.shape_cast %slice3A_961 : vector<1x256xf32> to vector<1x1x256xf32>
    tpu.vector_store %arg5[%swap3A_962, %swap3A_963, %swap3A_964], %swap3A_967 {strides = array<i32>} : memref<65x64x256xf32, #tpu.memory_space<vmem>>, vector<1x1x256xf32>,
    %slice3A_968 = vector.extract_strided_slice %reshape3A {offsets = [32, 0, 0], sizes = [1, 16, 256], strides = [1, 1, 1]} : vector<64x16x256xf32> to vector<1x16x256xf32>
    %squeeze3A_969 = vector.shape_cast %slice3A_968 : vector<1x16x256xf32> to vector<16x256xf32>
    %slice3A_970 = vector.extract_strided_slice %reshape3A {offsets = [33, 0, 0], sizes = [31, 16, 256], strides = [1, 1, 1]} : vector<64x16x256xf32> to vector<31x16x256xf32>
    %broadcast_in_dim3A_971 = vector.shape_cast %squeeze3A_969 : vector<16x256xf32> to vector<1x16x256xf32>
    %mul3A_972 = vector.broadcast %broadcast_in_dim3A_971 : vector<1x16x256xf32> to vector<31x16x256xf32>
    %mul3A_973 = arith.mulf %slice3A_970, %mul3A_972 : vector<31x16x256xf32>
    %reduce_sum3A_974 = arith.constant dense<0.000000e+00> : vector<31x256xf32>
    %reduce_sum3A_975 = vector.multi_reduction <add>, %mul3A_973, %reduce_sum3A_974 [1] : vector<31x16x256xf32> to vector<31x256xf32>
    %swap3A_976 = arith.constant 33 : index
    %swap3A_977 = arith.constant 33 : index
    %swap3A_978 = arith.constant 0 : index
    %swap3A_979 = vector.load %arg5[%swap3A_976, %swap3A_977, %swap3A_978] : memref<65x64x256xf32, #tpu.memory_space<vmem>>, vector<1x31x256xf32>
    %swap3A_980 = vector.shape_cast %swap3A_979 : vector<1x31x256xf32> to vector<31x256xf32>
    %swap3A_981 = vector.shape_cast %reduce_sum3A_975 : vector<31x256xf32> to vector<1x31x256xf32>
    tpu.vector_store %arg5[%swap3A_976, %swap3A_977, %swap3A_978], %swap3A_981 {strides = array<i32>} : memref<65x64x256xf32, #tpu.memory_space<vmem>>, vector<1x31x256xf32>,
    %broadcast_in_dim3A_982 = arith.constant 0.000000e+00 : f32
    %broadcast_in_dim3A_983 = vector.broadcast %broadcast_in_dim3A_982 : f32 to vector<33x256xf32>
    %swap3A_984 = arith.constant 34 : index
    %swap3A_985 = arith.constant 0 : index
    %swap3A_986 = arith.constant 0 : index
    %swap3A_987 = vector.load %arg5[%swap3A_984, %swap3A_985, %swap3A_986] : memref<65x64x256xf32, #tpu.memory_space<vmem>>, vector<1x33x256xf32>
    %swap3A_988 = vector.shape_cast %swap3A_987 : vector<1x33x256xf32> to vector<33x256xf32>
    %swap3A_989 = vector.shape_cast %broadcast_in_dim3A_983 : vector<33x256xf32> to vector<1x33x256xf32>
    tpu.vector_store %arg5[%swap3A_984, %swap3A_985, %swap3A_986], %swap3A_989 {strides = array<i32>} : memref<65x64x256xf32, #tpu.memory_space<vmem>>, vector<1x33x256xf32>,
    %slice3A_990 = vector.extract_strided_slice %select_n3A {offsets = [33, 0], sizes = [1, 256], strides = [1, 1]} : vector<64x256xf32> to vector<1x256xf32>
    %swap3A_991 = arith.constant 34 : index
    %swap3A_992 = arith.constant 33 : index
    %swap3A_993 = arith.constant 0 : index
    %swap3A_994 = vector.load %arg5[%swap3A_991, %swap3A_992, %swap3A_993] : memref<65x64x256xf32, #tpu.memory_space<vmem>>, vector<1x1x256xf32>
    %swap3A_995 = vector.shape_cast %swap3A_994 : vector<1x1x256xf32> to vector<1x256xf32>
    %swap3A_996 = vector.shape_cast %slice3A_990 : vector<1x256xf32> to vector<1x1x256xf32>
    tpu.vector_store %arg5[%swap3A_991, %swap3A_992, %swap3A_993], %swap3A_996 {strides = array<i32>} : memref<65x64x256xf32, #tpu.memory_space<vmem>>, vector<1x1x256xf32>,
    %slice3A_997 = vector.extract_strided_slice %reshape3A {offsets = [33, 0, 0], sizes = [1, 16, 256], strides = [1, 1, 1]} : vector<64x16x256xf32> to vector<1x16x256xf32>
    %squeeze3A_998 = vector.shape_cast %slice3A_997 : vector<1x16x256xf32> to vector<16x256xf32>
    %slice3A_999 = vector.extract_strided_slice %reshape3A {offsets = [34, 0, 0], sizes = [30, 16, 256], strides = [1, 1, 1]} : vector<64x16x256xf32> to vector<30x16x256xf32>
    %broadcast_in_dim3A_1000 = vector.shape_cast %squeeze3A_998 : vector<16x256xf32> to vector<1x16x256xf32>
    %mul3A_1001 = vector.broadcast %broadcast_in_dim3A_1000 : vector<1x16x256xf32> to vector<30x16x256xf32>
    %mul3A_1002 = arith.mulf %slice3A_999, %mul3A_1001 : vector<30x16x256xf32>
    %reduce_sum3A_1003 = arith.constant dense<0.000000e+00> : vector<30x256xf32>
    %reduce_sum3A_1004 = vector.multi_reduction <add>, %mul3A_1002, %reduce_sum3A_1003 [1] : vector<30x16x256xf32> to vector<30x256xf32>
    %swap3A_1005 = arith.constant 34 : index
    %swap3A_1006 = arith.constant 34 : index
    %swap3A_1007 = arith.constant 0 : index
    %swap3A_1008 = vector.load %arg5[%swap3A_1005, %swap3A_1006, %swap3A_1007] : memref<65x64x256xf32, #tpu.memory_space<vmem>>, vector<1x30x256xf32>
    %swap3A_1009 = vector.shape_cast %swap3A_1008 : vector<1x30x256xf32> to vector<30x256xf32>
    %swap3A_1010 = vector.shape_cast %reduce_sum3A_1004 : vector<30x256xf32> to vector<1x30x256xf32>
    tpu.vector_store %arg5[%swap3A_1005, %swap3A_1006, %swap3A_1007], %swap3A_1010 {strides = array<i32>} : memref<65x64x256xf32, #tpu.memory_space<vmem>>, vector<1x30x256xf32>,
    %broadcast_in_dim3A_1011 = arith.constant 0.000000e+00 : f32
    %broadcast_in_dim3A_1012 = vector.broadcast %broadcast_in_dim3A_1011 : f32 to vector<34x256xf32>
    %swap3A_1013 = arith.constant 35 : index
    %swap3A_1014 = arith.constant 0 : index
    %swap3A_1015 = arith.constant 0 : index
    %swap3A_1016 = vector.load %arg5[%swap3A_1013, %swap3A_1014, %swap3A_1015] : memref<65x64x256xf32, #tpu.memory_space<vmem>>, vector<1x34x256xf32>
    %swap3A_1017 = vector.shape_cast %swap3A_1016 : vector<1x34x256xf32> to vector<34x256xf32>
    %swap3A_1018 = vector.shape_cast %broadcast_in_dim3A_1012 : vector<34x256xf32> to vector<1x34x256xf32>
    tpu.vector_store %arg5[%swap3A_1013, %swap3A_1014, %swap3A_1015], %swap3A_1018 {strides = array<i32>} : memref<65x64x256xf32, #tpu.memory_space<vmem>>, vector<1x34x256xf32>,
    %slice3A_1019 = vector.extract_strided_slice %select_n3A {offsets = [34, 0], sizes = [1, 256], strides = [1, 1]} : vector<64x256xf32> to vector<1x256xf32>
    %swap3A_1020 = arith.constant 35 : index
    %swap3A_1021 = arith.constant 34 : index
    %swap3A_1022 = arith.constant 0 : index
    %swap3A_1023 = vector.load %arg5[%swap3A_1020, %swap3A_1021, %swap3A_1022] : memref<65x64x256xf32, #tpu.memory_space<vmem>>, vector<1x1x256xf32>
    %swap3A_1024 = vector.shape_cast %swap3A_1023 : vector<1x1x256xf32> to vector<1x256xf32>
    %swap3A_1025 = vector.shape_cast %slice3A_1019 : vector<1x256xf32> to vector<1x1x256xf32>
    tpu.vector_store %arg5[%swap3A_1020, %swap3A_1021, %swap3A_1022], %swap3A_1025 {strides = array<i32>} : memref<65x64x256xf32, #tpu.memory_space<vmem>>, vector<1x1x256xf32>,
    %slice3A_1026 = vector.extract_strided_slice %reshape3A {offsets = [34, 0, 0], sizes = [1, 16, 256], strides = [1, 1, 1]} : vector<64x16x256xf32> to vector<1x16x256xf32>
    %squeeze3A_1027 = vector.shape_cast %slice3A_1026 : vector<1x16x256xf32> to vector<16x256xf32>
    %slice3A_1028 = vector.extract_strided_slice %reshape3A {offsets = [35, 0, 0], sizes = [29, 16, 256], strides = [1, 1, 1]} : vector<64x16x256xf32> to vector<29x16x256xf32>
    %broadcast_in_dim3A_1029 = vector.shape_cast %squeeze3A_1027 : vector<16x256xf32> to vector<1x16x256xf32>
    %mul3A_1030 = vector.broadcast %broadcast_in_dim3A_1029 : vector<1x16x256xf32> to vector<29x16x256xf32>
    %mul3A_1031 = arith.mulf %slice3A_1028, %mul3A_1030 : vector<29x16x256xf32>
    %reduce_sum3A_1032 = arith.constant dense<0.000000e+00> : vector<29x256xf32>
    %reduce_sum3A_1033 = vector.multi_reduction <add>, %mul3A_1031, %reduce_sum3A_1032 [1] : vector<29x16x256xf32> to vector<29x256xf32>
    %swap3A_1034 = arith.constant 35 : index
    %swap3A_1035 = arith.constant 35 : index
    %swap3A_1036 = arith.constant 0 : index
    %swap3A_1037 = vector.load %arg5[%swap3A_1034, %swap3A_1035, %swap3A_1036] : memref<65x64x256xf32, #tpu.memory_space<vmem>>, vector<1x29x256xf32>
    %swap3A_1038 = vector.shape_cast %swap3A_1037 : vector<1x29x256xf32> to vector<29x256xf32>
    %swap3A_1039 = vector.shape_cast %reduce_sum3A_1033 : vector<29x256xf32> to vector<1x29x256xf32>
    tpu.vector_store %arg5[%swap3A_1034, %swap3A_1035, %swap3A_1036], %swap3A_1039 {strides = array<i32>} : memref<65x64x256xf32, #tpu.memory_space<vmem>>, vector<1x29x256xf32>,
    %broadcast_in_dim3A_1040 = arith.constant 0.000000e+00 : f32
    %broadcast_in_dim3A_1041 = vector.broadcast %broadcast_in_dim3A_1040 : f32 to vector<35x256xf32>
    %swap3A_1042 = arith.constant 36 : index
    %swap3A_1043 = arith.constant 0 : index
    %swap3A_1044 = arith.constant 0 : index
    %swap3A_1045 = vector.load %arg5[%swap3A_1042, %swap3A_1043, %swap3A_1044] : memref<65x64x256xf32, #tpu.memory_space<vmem>>, vector<1x35x256xf32>
    %swap3A_1046 = vector.shape_cast %swap3A_1045 : vector<1x35x256xf32> to vector<35x256xf32>
    %swap3A_1047 = vector.shape_cast %broadcast_in_dim3A_1041 : vector<35x256xf32> to vector<1x35x256xf32>
    tpu.vector_store %arg5[%swap3A_1042, %swap3A_1043, %swap3A_1044], %swap3A_1047 {strides = array<i32>} : memref<65x64x256xf32, #tpu.memory_space<vmem>>, vector<1x35x256xf32>,
    %slice3A_1048 = vector.extract_strided_slice %select_n3A {offsets = [35, 0], sizes = [1, 256], strides = [1, 1]} : vector<64x256xf32> to vector<1x256xf32>
    %swap3A_1049 = arith.constant 36 : index
    %swap3A_1050 = arith.constant 35 : index
    %swap3A_1051 = arith.constant 0 : index
    %swap3A_1052 = vector.load %arg5[%swap3A_1049, %swap3A_1050, %swap3A_1051] : memref<65x64x256xf32, #tpu.memory_space<vmem>>, vector<1x1x256xf32>
    %swap3A_1053 = vector.shape_cast %swap3A_1052 : vector<1x1x256xf32> to vector<1x256xf32>
    %swap3A_1054 = vector.shape_cast %slice3A_1048 : vector<1x256xf32> to vector<1x1x256xf32>
    tpu.vector_store %arg5[%swap3A_1049, %swap3A_1050, %swap3A_1051], %swap3A_1054 {strides = array<i32>} : memref<65x64x256xf32, #tpu.memory_space<vmem>>, vector<1x1x256xf32>,
    %slice3A_1055 = vector.extract_strided_slice %reshape3A {offsets = [35, 0, 0], sizes = [1, 16, 256], strides = [1, 1, 1]} : vector<64x16x256xf32> to vector<1x16x256xf32>
    %squeeze3A_1056 = vector.shape_cast %slice3A_1055 : vector<1x16x256xf32> to vector<16x256xf32>
    %slice3A_1057 = vector.extract_strided_slice %reshape3A {offsets = [36, 0, 0], sizes = [28, 16, 256], strides = [1, 1, 1]} : vector<64x16x256xf32> to vector<28x16x256xf32>
    %broadcast_in_dim3A_1058 = vector.shape_cast %squeeze3A_1056 : vector<16x256xf32> to vector<1x16x256xf32>
    %mul3A_1059 = vector.broadcast %broadcast_in_dim3A_1058 : vector<1x16x256xf32> to vector<28x16x256xf32>
    %mul3A_1060 = arith.mulf %slice3A_1057, %mul3A_1059 : vector<28x16x256xf32>
    %reduce_sum3A_1061 = arith.constant dense<0.000000e+00> : vector<28x256xf32>
    %reduce_sum3A_1062 = vector.multi_reduction <add>, %mul3A_1060, %reduce_sum3A_1061 [1] : vector<28x16x256xf32> to vector<28x256xf32>
    %swap3A_1063 = arith.constant 36 : index
    %swap3A_1064 = arith.constant 36 : index
    %swap3A_1065 = arith.constant 0 : index
    %swap3A_1066 = vector.load %arg5[%swap3A_1063, %swap3A_1064, %swap3A_1065] : memref<65x64x256xf32, #tpu.memory_space<vmem>>, vector<1x28x256xf32>
    %swap3A_1067 = vector.shape_cast %swap3A_1066 : vector<1x28x256xf32> to vector<28x256xf32>
    %swap3A_1068 = vector.shape_cast %reduce_sum3A_1062 : vector<28x256xf32> to vector<1x28x256xf32>
    tpu.vector_store %arg5[%swap3A_1063, %swap3A_1064, %swap3A_1065], %swap3A_1068 {strides = array<i32>} : memref<65x64x256xf32, #tpu.memory_space<vmem>>, vector<1x28x256xf32>,
    %broadcast_in_dim3A_1069 = arith.constant 0.000000e+00 : f32
    %broadcast_in_dim3A_1070 = vector.broadcast %broadcast_in_dim3A_1069 : f32 to vector<36x256xf32>
    %swap3A_1071 = arith.constant 37 : index
    %swap3A_1072 = arith.constant 0 : index
    %swap3A_1073 = arith.constant 0 : index
    %swap3A_1074 = vector.load %arg5[%swap3A_1071, %swap3A_1072, %swap3A_1073] : memref<65x64x256xf32, #tpu.memory_space<vmem>>, vector<1x36x256xf32>
    %swap3A_1075 = vector.shape_cast %swap3A_1074 : vector<1x36x256xf32> to vector<36x256xf32>
    %swap3A_1076 = vector.shape_cast %broadcast_in_dim3A_1070 : vector<36x256xf32> to vector<1x36x256xf32>
    tpu.vector_store %arg5[%swap3A_1071, %swap3A_1072, %swap3A_1073], %swap3A_1076 {strides = array<i32>} : memref<65x64x256xf32, #tpu.memory_space<vmem>>, vector<1x36x256xf32>,
    %slice3A_1077 = vector.extract_strided_slice %select_n3A {offsets = [36, 0], sizes = [1, 256], strides = [1, 1]} : vector<64x256xf32> to vector<1x256xf32>
    %swap3A_1078 = arith.constant 37 : index
    %swap3A_1079 = arith.constant 36 : index
    %swap3A_1080 = arith.constant 0 : index
    %swap3A_1081 = vector.load %arg5[%swap3A_1078, %swap3A_1079, %swap3A_1080] : memref<65x64x256xf32, #tpu.memory_space<vmem>>, vector<1x1x256xf32>
    %swap3A_1082 = vector.shape_cast %swap3A_1081 : vector<1x1x256xf32> to vector<1x256xf32>
    %swap3A_1083 = vector.shape_cast %slice3A_1077 : vector<1x256xf32> to vector<1x1x256xf32>
    tpu.vector_store %arg5[%swap3A_1078, %swap3A_1079, %swap3A_1080], %swap3A_1083 {strides = array<i32>} : memref<65x64x256xf32, #tpu.memory_space<vmem>>, vector<1x1x256xf32>,
    %slice3A_1084 = vector.extract_strided_slice %reshape3A {offsets = [36, 0, 0], sizes = [1, 16, 256], strides = [1, 1, 1]} : vector<64x16x256xf32> to vector<1x16x256xf32>
    %squeeze3A_1085 = vector.shape_cast %slice3A_1084 : vector<1x16x256xf32> to vector<16x256xf32>
    %slice3A_1086 = vector.extract_strided_slice %reshape3A {offsets = [37, 0, 0], sizes = [27, 16, 256], strides = [1, 1, 1]} : vector<64x16x256xf32> to vector<27x16x256xf32>
    %broadcast_in_dim3A_1087 = vector.shape_cast %squeeze3A_1085 : vector<16x256xf32> to vector<1x16x256xf32>
    %mul3A_1088 = vector.broadcast %broadcast_in_dim3A_1087 : vector<1x16x256xf32> to vector<27x16x256xf32>
    %mul3A_1089 = arith.mulf %slice3A_1086, %mul3A_1088 : vector<27x16x256xf32>
    %reduce_sum3A_1090 = arith.constant dense<0.000000e+00> : vector<27x256xf32>
    %reduce_sum3A_1091 = vector.multi_reduction <add>, %mul3A_1089, %reduce_sum3A_1090 [1] : vector<27x16x256xf32> to vector<27x256xf32>
    %swap3A_1092 = arith.constant 37 : index
    %swap3A_1093 = arith.constant 37 : index
    %swap3A_1094 = arith.constant 0 : index
    %swap3A_1095 = vector.load %arg5[%swap3A_1092, %swap3A_1093, %swap3A_1094] : memref<65x64x256xf32, #tpu.memory_space<vmem>>, vector<1x27x256xf32>
    %swap3A_1096 = vector.shape_cast %swap3A_1095 : vector<1x27x256xf32> to vector<27x256xf32>
    %swap3A_1097 = vector.shape_cast %reduce_sum3A_1091 : vector<27x256xf32> to vector<1x27x256xf32>
    tpu.vector_store %arg5[%swap3A_1092, %swap3A_1093, %swap3A_1094], %swap3A_1097 {strides = array<i32>} : memref<65x64x256xf32, #tpu.memory_space<vmem>>, vector<1x27x256xf32>,
    %broadcast_in_dim3A_1098 = arith.constant 0.000000e+00 : f32
    %broadcast_in_dim3A_1099 = vector.broadcast %broadcast_in_dim3A_1098 : f32 to vector<37x256xf32>
    %swap3A_1100 = arith.constant 38 : index
    %swap3A_1101 = arith.constant 0 : index
    %swap3A_1102 = arith.constant 0 : index
    %swap3A_1103 = vector.load %arg5[%swap3A_1100, %swap3A_1101, %swap3A_1102] : memref<65x64x256xf32, #tpu.memory_space<vmem>>, vector<1x37x256xf32>
    %swap3A_1104 = vector.shape_cast %swap3A_1103 : vector<1x37x256xf32> to vector<37x256xf32>
    %swap3A_1105 = vector.shape_cast %broadcast_in_dim3A_1099 : vector<37x256xf32> to vector<1x37x256xf32>
    tpu.vector_store %arg5[%swap3A_1100, %swap3A_1101, %swap3A_1102], %swap3A_1105 {strides = array<i32>} : memref<65x64x256xf32, #tpu.memory_space<vmem>>, vector<1x37x256xf32>,
    %slice3A_1106 = vector.extract_strided_slice %select_n3A {offsets = [37, 0], sizes = [1, 256], strides = [1, 1]} : vector<64x256xf32> to vector<1x256xf32>
    %swap3A_1107 = arith.constant 38 : index
    %swap3A_1108 = arith.constant 37 : index
    %swap3A_1109 = arith.constant 0 : index
    %swap3A_1110 = vector.load %arg5[%swap3A_1107, %swap3A_1108, %swap3A_1109] : memref<65x64x256xf32, #tpu.memory_space<vmem>>, vector<1x1x256xf32>
    %swap3A_1111 = vector.shape_cast %swap3A_1110 : vector<1x1x256xf32> to vector<1x256xf32>
    %swap3A_1112 = vector.shape_cast %slice3A_1106 : vector<1x256xf32> to vector<1x1x256xf32>
    tpu.vector_store %arg5[%swap3A_1107, %swap3A_1108, %swap3A_1109], %swap3A_1112 {strides = array<i32>} : memref<65x64x256xf32, #tpu.memory_space<vmem>>, vector<1x1x256xf32>,
    %slice3A_1113 = vector.extract_strided_slice %reshape3A {offsets = [37, 0, 0], sizes = [1, 16, 256], strides = [1, 1, 1]} : vector<64x16x256xf32> to vector<1x16x256xf32>
    %squeeze3A_1114 = vector.shape_cast %slice3A_1113 : vector<1x16x256xf32> to vector<16x256xf32>
    %slice3A_1115 = vector.extract_strided_slice %reshape3A {offsets = [38, 0, 0], sizes = [26, 16, 256], strides = [1, 1, 1]} : vector<64x16x256xf32> to vector<26x16x256xf32>
    %broadcast_in_dim3A_1116 = vector.shape_cast %squeeze3A_1114 : vector<16x256xf32> to vector<1x16x256xf32>
    %mul3A_1117 = vector.broadcast %broadcast_in_dim3A_1116 : vector<1x16x256xf32> to vector<26x16x256xf32>
    %mul3A_1118 = arith.mulf %slice3A_1115, %mul3A_1117 : vector<26x16x256xf32>
    %reduce_sum3A_1119 = arith.constant dense<0.000000e+00> : vector<26x256xf32>
    %reduce_sum3A_1120 = vector.multi_reduction <add>, %mul3A_1118, %reduce_sum3A_1119 [1] : vector<26x16x256xf32> to vector<26x256xf32>
    %swap3A_1121 = arith.constant 38 : index
    %swap3A_1122 = arith.constant 38 : index
    %swap3A_1123 = arith.constant 0 : index
    %swap3A_1124 = vector.load %arg5[%swap3A_1121, %swap3A_1122, %swap3A_1123] : memref<65x64x256xf32, #tpu.memory_space<vmem>>, vector<1x26x256xf32>
    %swap3A_1125 = vector.shape_cast %swap3A_1124 : vector<1x26x256xf32> to vector<26x256xf32>
    %swap3A_1126 = vector.shape_cast %reduce_sum3A_1120 : vector<26x256xf32> to vector<1x26x256xf32>
    tpu.vector_store %arg5[%swap3A_1121, %swap3A_1122, %swap3A_1123], %swap3A_1126 {strides = array<i32>} : memref<65x64x256xf32, #tpu.memory_space<vmem>>, vector<1x26x256xf32>,
    %broadcast_in_dim3A_1127 = arith.constant 0.000000e+00 : f32
    %broadcast_in_dim3A_1128 = vector.broadcast %broadcast_in_dim3A_1127 : f32 to vector<38x256xf32>
    %swap3A_1129 = arith.constant 39 : index
    %swap3A_1130 = arith.constant 0 : index
    %swap3A_1131 = arith.constant 0 : index
    %swap3A_1132 = vector.load %arg5[%swap3A_1129, %swap3A_1130, %swap3A_1131] : memref<65x64x256xf32, #tpu.memory_space<vmem>>, vector<1x38x256xf32>
    %swap3A_1133 = vector.shape_cast %swap3A_1132 : vector<1x38x256xf32> to vector<38x256xf32>
    %swap3A_1134 = vector.shape_cast %broadcast_in_dim3A_1128 : vector<38x256xf32> to vector<1x38x256xf32>
    tpu.vector_store %arg5[%swap3A_1129, %swap3A_1130, %swap3A_1131], %swap3A_1134 {strides = array<i32>} : memref<65x64x256xf32, #tpu.memory_space<vmem>>, vector<1x38x256xf32>,
    %slice3A_1135 = vector.extract_strided_slice %select_n3A {offsets = [38, 0], sizes = [1, 256], strides = [1, 1]} : vector<64x256xf32> to vector<1x256xf32>
    %swap3A_1136 = arith.constant 39 : index
    %swap3A_1137 = arith.constant 38 : index
    %swap3A_1138 = arith.constant 0 : index
    %swap3A_1139 = vector.load %arg5[%swap3A_1136, %swap3A_1137, %swap3A_1138] : memref<65x64x256xf32, #tpu.memory_space<vmem>>, vector<1x1x256xf32>
    %swap3A_1140 = vector.shape_cast %swap3A_1139 : vector<1x1x256xf32> to vector<1x256xf32>
    %swap3A_1141 = vector.shape_cast %slice3A_1135 : vector<1x256xf32> to vector<1x1x256xf32>
    tpu.vector_store %arg5[%swap3A_1136, %swap3A_1137, %swap3A_1138], %swap3A_1141 {strides = array<i32>} : memref<65x64x256xf32, #tpu.memory_space<vmem>>, vector<1x1x256xf32>,
    %slice3A_1142 = vector.extract_strided_slice %reshape3A {offsets = [38, 0, 0], sizes = [1, 16, 256], strides = [1, 1, 1]} : vector<64x16x256xf32> to vector<1x16x256xf32>
    %squeeze3A_1143 = vector.shape_cast %slice3A_1142 : vector<1x16x256xf32> to vector<16x256xf32>
    %slice3A_1144 = vector.extract_strided_slice %reshape3A {offsets = [39, 0, 0], sizes = [25, 16, 256], strides = [1, 1, 1]} : vector<64x16x256xf32> to vector<25x16x256xf32>
    %broadcast_in_dim3A_1145 = vector.shape_cast %squeeze3A_1143 : vector<16x256xf32> to vector<1x16x256xf32>
    %mul3A_1146 = vector.broadcast %broadcast_in_dim3A_1145 : vector<1x16x256xf32> to vector<25x16x256xf32>
    %mul3A_1147 = arith.mulf %slice3A_1144, %mul3A_1146 : vector<25x16x256xf32>
    %reduce_sum3A_1148 = arith.constant dense<0.000000e+00> : vector<25x256xf32>
    %reduce_sum3A_1149 = vector.multi_reduction <add>, %mul3A_1147, %reduce_sum3A_1148 [1] : vector<25x16x256xf32> to vector<25x256xf32>
    %swap3A_1150 = arith.constant 39 : index
    %swap3A_1151 = arith.constant 39 : index
    %swap3A_1152 = arith.constant 0 : index
    %swap3A_1153 = vector.load %arg5[%swap3A_1150, %swap3A_1151, %swap3A_1152] : memref<65x64x256xf32, #tpu.memory_space<vmem>>, vector<1x25x256xf32>
    %swap3A_1154 = vector.shape_cast %swap3A_1153 : vector<1x25x256xf32> to vector<25x256xf32>
    %swap3A_1155 = vector.shape_cast %reduce_sum3A_1149 : vector<25x256xf32> to vector<1x25x256xf32>
    tpu.vector_store %arg5[%swap3A_1150, %swap3A_1151, %swap3A_1152], %swap3A_1155 {strides = array<i32>} : memref<65x64x256xf32, #tpu.memory_space<vmem>>, vector<1x25x256xf32>,
    %broadcast_in_dim3A_1156 = arith.constant 0.000000e+00 : f32
    %broadcast_in_dim3A_1157 = vector.broadcast %broadcast_in_dim3A_1156 : f32 to vector<39x256xf32>
    %swap3A_1158 = arith.constant 40 : index
    %swap3A_1159 = arith.constant 0 : index
    %swap3A_1160 = arith.constant 0 : index
    %swap3A_1161 = vector.load %arg5[%swap3A_1158, %swap3A_1159, %swap3A_1160] : memref<65x64x256xf32, #tpu.memory_space<vmem>>, vector<1x39x256xf32>
    %swap3A_1162 = vector.shape_cast %swap3A_1161 : vector<1x39x256xf32> to vector<39x256xf32>
    %swap3A_1163 = vector.shape_cast %broadcast_in_dim3A_1157 : vector<39x256xf32> to vector<1x39x256xf32>
    tpu.vector_store %arg5[%swap3A_1158, %swap3A_1159, %swap3A_1160], %swap3A_1163 {strides = array<i32>} : memref<65x64x256xf32, #tpu.memory_space<vmem>>, vector<1x39x256xf32>,
    %slice3A_1164 = vector.extract_strided_slice %select_n3A {offsets = [39, 0], sizes = [1, 256], strides = [1, 1]} : vector<64x256xf32> to vector<1x256xf32>
    %swap3A_1165 = arith.constant 40 : index
    %swap3A_1166 = arith.constant 39 : index
    %swap3A_1167 = arith.constant 0 : index
    %swap3A_1168 = vector.load %arg5[%swap3A_1165, %swap3A_1166, %swap3A_1167] : memref<65x64x256xf32, #tpu.memory_space<vmem>>, vector<1x1x256xf32>
    %swap3A_1169 = vector.shape_cast %swap3A_1168 : vector<1x1x256xf32> to vector<1x256xf32>
    %swap3A_1170 = vector.shape_cast %slice3A_1164 : vector<1x256xf32> to vector<1x1x256xf32>
    tpu.vector_store %arg5[%swap3A_1165, %swap3A_1166, %swap3A_1167], %swap3A_1170 {strides = array<i32>} : memref<65x64x256xf32, #tpu.memory_space<vmem>>, vector<1x1x256xf32>,
    %slice3A_1171 = vector.extract_strided_slice %reshape3A {offsets = [39, 0, 0], sizes = [1, 16, 256], strides = [1, 1, 1]} : vector<64x16x256xf32> to vector<1x16x256xf32>
    %squeeze3A_1172 = vector.shape_cast %slice3A_1171 : vector<1x16x256xf32> to vector<16x256xf32>
    %slice3A_1173 = vector.extract_strided_slice %reshape3A {offsets = [40, 0, 0], sizes = [24, 16, 256], strides = [1, 1, 1]} : vector<64x16x256xf32> to vector<24x16x256xf32>
    %broadcast_in_dim3A_1174 = vector.shape_cast %squeeze3A_1172 : vector<16x256xf32> to vector<1x16x256xf32>
    %mul3A_1175 = vector.broadcast %broadcast_in_dim3A_1174 : vector<1x16x256xf32> to vector<24x16x256xf32>
    %mul3A_1176 = arith.mulf %slice3A_1173, %mul3A_1175 : vector<24x16x256xf32>
    %reduce_sum3A_1177 = arith.constant dense<0.000000e+00> : vector<24x256xf32>
    %reduce_sum3A_1178 = vector.multi_reduction <add>, %mul3A_1176, %reduce_sum3A_1177 [1] : vector<24x16x256xf32> to vector<24x256xf32>
    %swap3A_1179 = arith.constant 40 : index
    %swap3A_1180 = arith.constant 40 : index
    %swap3A_1181 = arith.constant 0 : index
    %swap3A_1182 = vector.load %arg5[%swap3A_1179, %swap3A_1180, %swap3A_1181] : memref<65x64x256xf32, #tpu.memory_space<vmem>>, vector<1x24x256xf32>
    %swap3A_1183 = vector.shape_cast %swap3A_1182 : vector<1x24x256xf32> to vector<24x256xf32>
    %swap3A_1184 = vector.shape_cast %reduce_sum3A_1178 : vector<24x256xf32> to vector<1x24x256xf32>
    tpu.vector_store %arg5[%swap3A_1179, %swap3A_1180, %swap3A_1181], %swap3A_1184 {strides = array<i32>} : memref<65x64x256xf32, #tpu.memory_space<vmem>>, vector<1x24x256xf32>,
    %broadcast_in_dim3A_1185 = arith.constant 0.000000e+00 : f32
    %broadcast_in_dim3A_1186 = vector.broadcast %broadcast_in_dim3A_1185 : f32 to vector<40x256xf32>
    %swap3A_1187 = arith.constant 41 : index
    %swap3A_1188 = arith.constant 0 : index
    %swap3A_1189 = arith.constant 0 : index
    %swap3A_1190 = vector.load %arg5[%swap3A_1187, %swap3A_1188, %swap3A_1189] : memref<65x64x256xf32, #tpu.memory_space<vmem>>, vector<1x40x256xf32>
    %swap3A_1191 = vector.shape_cast %swap3A_1190 : vector<1x40x256xf32> to vector<40x256xf32>
    %swap3A_1192 = vector.shape_cast %broadcast_in_dim3A_1186 : vector<40x256xf32> to vector<1x40x256xf32>
    tpu.vector_store %arg5[%swap3A_1187, %swap3A_1188, %swap3A_1189], %swap3A_1192 {strides = array<i32>} : memref<65x64x256xf32, #tpu.memory_space<vmem>>, vector<1x40x256xf32>,
    %slice3A_1193 = vector.extract_strided_slice %select_n3A {offsets = [40, 0], sizes = [1, 256], strides = [1, 1]} : vector<64x256xf32> to vector<1x256xf32>
    %swap3A_1194 = arith.constant 41 : index
    %swap3A_1195 = arith.constant 40 : index
    %swap3A_1196 = arith.constant 0 : index
    %swap3A_1197 = vector.load %arg5[%swap3A_1194, %swap3A_1195, %swap3A_1196] : memref<65x64x256xf32, #tpu.memory_space<vmem>>, vector<1x1x256xf32>
    %swap3A_1198 = vector.shape_cast %swap3A_1197 : vector<1x1x256xf32> to vector<1x256xf32>
    %swap3A_1199 = vector.shape_cast %slice3A_1193 : vector<1x256xf32> to vector<1x1x256xf32>
    tpu.vector_store %arg5[%swap3A_1194, %swap3A_1195, %swap3A_1196], %swap3A_1199 {strides = array<i32>} : memref<65x64x256xf32, #tpu.memory_space<vmem>>, vector<1x1x256xf32>,
    %slice3A_1200 = vector.extract_strided_slice %reshape3A {offsets = [40, 0, 0], sizes = [1, 16, 256], strides = [1, 1, 1]} : vector<64x16x256xf32> to vector<1x16x256xf32>
    %squeeze3A_1201 = vector.shape_cast %slice3A_1200 : vector<1x16x256xf32> to vector<16x256xf32>
    %slice3A_1202 = vector.extract_strided_slice %reshape3A {offsets = [41, 0, 0], sizes = [23, 16, 256], strides = [1, 1, 1]} : vector<64x16x256xf32> to vector<23x16x256xf32>
    %broadcast_in_dim3A_1203 = vector.shape_cast %squeeze3A_1201 : vector<16x256xf32> to vector<1x16x256xf32>
    %mul3A_1204 = vector.broadcast %broadcast_in_dim3A_1203 : vector<1x16x256xf32> to vector<23x16x256xf32>
    %mul3A_1205 = arith.mulf %slice3A_1202, %mul3A_1204 : vector<23x16x256xf32>
    %reduce_sum3A_1206 = arith.constant dense<0.000000e+00> : vector<23x256xf32>
    %reduce_sum3A_1207 = vector.multi_reduction <add>, %mul3A_1205, %reduce_sum3A_1206 [1] : vector<23x16x256xf32> to vector<23x256xf32>
    %swap3A_1208 = arith.constant 41 : index
    %swap3A_1209 = arith.constant 41 : index
    %swap3A_1210 = arith.constant 0 : index
    %swap3A_1211 = vector.load %arg5[%swap3A_1208, %swap3A_1209, %swap3A_1210] : memref<65x64x256xf32, #tpu.memory_space<vmem>>, vector<1x23x256xf32>
    %swap3A_1212 = vector.shape_cast %swap3A_1211 : vector<1x23x256xf32> to vector<23x256xf32>
    %swap3A_1213 = vector.shape_cast %reduce_sum3A_1207 : vector<23x256xf32> to vector<1x23x256xf32>
    tpu.vector_store %arg5[%swap3A_1208, %swap3A_1209, %swap3A_1210], %swap3A_1213 {strides = array<i32>} : memref<65x64x256xf32, #tpu.memory_space<vmem>>, vector<1x23x256xf32>,
    %broadcast_in_dim3A_1214 = arith.constant 0.000000e+00 : f32
    %broadcast_in_dim3A_1215 = vector.broadcast %broadcast_in_dim3A_1214 : f32 to vector<41x256xf32>
    %swap3A_1216 = arith.constant 42 : index
    %swap3A_1217 = arith.constant 0 : index
    %swap3A_1218 = arith.constant 0 : index
    %swap3A_1219 = vector.load %arg5[%swap3A_1216, %swap3A_1217, %swap3A_1218] : memref<65x64x256xf32, #tpu.memory_space<vmem>>, vector<1x41x256xf32>
    %swap3A_1220 = vector.shape_cast %swap3A_1219 : vector<1x41x256xf32> to vector<41x256xf32>
    %swap3A_1221 = vector.shape_cast %broadcast_in_dim3A_1215 : vector<41x256xf32> to vector<1x41x256xf32>
    tpu.vector_store %arg5[%swap3A_1216, %swap3A_1217, %swap3A_1218], %swap3A_1221 {strides = array<i32>} : memref<65x64x256xf32, #tpu.memory_space<vmem>>, vector<1x41x256xf32>,
    %slice3A_1222 = vector.extract_strided_slice %select_n3A {offsets = [41, 0], sizes = [1, 256], strides = [1, 1]} : vector<64x256xf32> to vector<1x256xf32>
    %swap3A_1223 = arith.constant 42 : index
    %swap3A_1224 = arith.constant 41 : index
    %swap3A_1225 = arith.constant 0 : index
    %swap3A_1226 = vector.load %arg5[%swap3A_1223, %swap3A_1224, %swap3A_1225] : memref<65x64x256xf32, #tpu.memory_space<vmem>>, vector<1x1x256xf32>
    %swap3A_1227 = vector.shape_cast %swap3A_1226 : vector<1x1x256xf32> to vector<1x256xf32>
    %swap3A_1228 = vector.shape_cast %slice3A_1222 : vector<1x256xf32> to vector<1x1x256xf32>
    tpu.vector_store %arg5[%swap3A_1223, %swap3A_1224, %swap3A_1225], %swap3A_1228 {strides = array<i32>} : memref<65x64x256xf32, #tpu.memory_space<vmem>>, vector<1x1x256xf32>,
    %slice3A_1229 = vector.extract_strided_slice %reshape3A {offsets = [41, 0, 0], sizes = [1, 16, 256], strides = [1, 1, 1]} : vector<64x16x256xf32> to vector<1x16x256xf32>
    %squeeze3A_1230 = vector.shape_cast %slice3A_1229 : vector<1x16x256xf32> to vector<16x256xf32>
    %slice3A_1231 = vector.extract_strided_slice %reshape3A {offsets = [42, 0, 0], sizes = [22, 16, 256], strides = [1, 1, 1]} : vector<64x16x256xf32> to vector<22x16x256xf32>
    %broadcast_in_dim3A_1232 = vector.shape_cast %squeeze3A_1230 : vector<16x256xf32> to vector<1x16x256xf32>
    %mul3A_1233 = vector.broadcast %broadcast_in_dim3A_1232 : vector<1x16x256xf32> to vector<22x16x256xf32>
    %mul3A_1234 = arith.mulf %slice3A_1231, %mul3A_1233 : vector<22x16x256xf32>
    %reduce_sum3A_1235 = arith.constant dense<0.000000e+00> : vector<22x256xf32>
    %reduce_sum3A_1236 = vector.multi_reduction <add>, %mul3A_1234, %reduce_sum3A_1235 [1] : vector<22x16x256xf32> to vector<22x256xf32>
    %swap3A_1237 = arith.constant 42 : index
    %swap3A_1238 = arith.constant 42 : index
    %swap3A_1239 = arith.constant 0 : index
    %swap3A_1240 = vector.load %arg5[%swap3A_1237, %swap3A_1238, %swap3A_1239] : memref<65x64x256xf32, #tpu.memory_space<vmem>>, vector<1x22x256xf32>
    %swap3A_1241 = vector.shape_cast %swap3A_1240 : vector<1x22x256xf32> to vector<22x256xf32>
    %swap3A_1242 = vector.shape_cast %reduce_sum3A_1236 : vector<22x256xf32> to vector<1x22x256xf32>
    tpu.vector_store %arg5[%swap3A_1237, %swap3A_1238, %swap3A_1239], %swap3A_1242 {strides = array<i32>} : memref<65x64x256xf32, #tpu.memory_space<vmem>>, vector<1x22x256xf32>,
    %broadcast_in_dim3A_1243 = arith.constant 0.000000e+00 : f32
    %broadcast_in_dim3A_1244 = vector.broadcast %broadcast_in_dim3A_1243 : f32 to vector<42x256xf32>
    %swap3A_1245 = arith.constant 43 : index
    %swap3A_1246 = arith.constant 0 : index
    %swap3A_1247 = arith.constant 0 : index
    %swap3A_1248 = vector.load %arg5[%swap3A_1245, %swap3A_1246, %swap3A_1247] : memref<65x64x256xf32, #tpu.memory_space<vmem>>, vector<1x42x256xf32>
    %swap3A_1249 = vector.shape_cast %swap3A_1248 : vector<1x42x256xf32> to vector<42x256xf32>
    %swap3A_1250 = vector.shape_cast %broadcast_in_dim3A_1244 : vector<42x256xf32> to vector<1x42x256xf32>
    tpu.vector_store %arg5[%swap3A_1245, %swap3A_1246, %swap3A_1247], %swap3A_1250 {strides = array<i32>} : memref<65x64x256xf32, #tpu.memory_space<vmem>>, vector<1x42x256xf32>,
    %slice3A_1251 = vector.extract_strided_slice %select_n3A {offsets = [42, 0], sizes = [1, 256], strides = [1, 1]} : vector<64x256xf32> to vector<1x256xf32>
    %swap3A_1252 = arith.constant 43 : index
    %swap3A_1253 = arith.constant 42 : index
    %swap3A_1254 = arith.constant 0 : index
    %swap3A_1255 = vector.load %arg5[%swap3A_1252, %swap3A_1253, %swap3A_1254] : memref<65x64x256xf32, #tpu.memory_space<vmem>>, vector<1x1x256xf32>
    %swap3A_1256 = vector.shape_cast %swap3A_1255 : vector<1x1x256xf32> to vector<1x256xf32>
    %swap3A_1257 = vector.shape_cast %slice3A_1251 : vector<1x256xf32> to vector<1x1x256xf32>
    tpu.vector_store %arg5[%swap3A_1252, %swap3A_1253, %swap3A_1254], %swap3A_1257 {strides = array<i32>} : memref<65x64x256xf32, #tpu.memory_space<vmem>>, vector<1x1x256xf32>,
    %slice3A_1258 = vector.extract_strided_slice %reshape3A {offsets = [42, 0, 0], sizes = [1, 16, 256], strides = [1, 1, 1]} : vector<64x16x256xf32> to vector<1x16x256xf32>
    %squeeze3A_1259 = vector.shape_cast %slice3A_1258 : vector<1x16x256xf32> to vector<16x256xf32>
    %slice3A_1260 = vector.extract_strided_slice %reshape3A {offsets = [43, 0, 0], sizes = [21, 16, 256], strides = [1, 1, 1]} : vector<64x16x256xf32> to vector<21x16x256xf32>
    %broadcast_in_dim3A_1261 = vector.shape_cast %squeeze3A_1259 : vector<16x256xf32> to vector<1x16x256xf32>
    %mul3A_1262 = vector.broadcast %broadcast_in_dim3A_1261 : vector<1x16x256xf32> to vector<21x16x256xf32>
    %mul3A_1263 = arith.mulf %slice3A_1260, %mul3A_1262 : vector<21x16x256xf32>
    %reduce_sum3A_1264 = arith.constant dense<0.000000e+00> : vector<21x256xf32>
    %reduce_sum3A_1265 = vector.multi_reduction <add>, %mul3A_1263, %reduce_sum3A_1264 [1] : vector<21x16x256xf32> to vector<21x256xf32>
    %swap3A_1266 = arith.constant 43 : index
    %swap3A_1267 = arith.constant 43 : index
    %swap3A_1268 = arith.constant 0 : index
    %swap3A_1269 = vector.load %arg5[%swap3A_1266, %swap3A_1267, %swap3A_1268] : memref<65x64x256xf32, #tpu.memory_space<vmem>>, vector<1x21x256xf32>
    %swap3A_1270 = vector.shape_cast %swap3A_1269 : vector<1x21x256xf32> to vector<21x256xf32>
    %swap3A_1271 = vector.shape_cast %reduce_sum3A_1265 : vector<21x256xf32> to vector<1x21x256xf32>
    tpu.vector_store %arg5[%swap3A_1266, %swap3A_1267, %swap3A_1268], %swap3A_1271 {strides = array<i32>} : memref<65x64x256xf32, #tpu.memory_space<vmem>>, vector<1x21x256xf32>,
    %broadcast_in_dim3A_1272 = arith.constant 0.000000e+00 : f32
    %broadcast_in_dim3A_1273 = vector.broadcast %broadcast_in_dim3A_1272 : f32 to vector<43x256xf32>
    %swap3A_1274 = arith.constant 44 : index
    %swap3A_1275 = arith.constant 0 : index
    %swap3A_1276 = arith.constant 0 : index
    %swap3A_1277 = vector.load %arg5[%swap3A_1274, %swap3A_1275, %swap3A_1276] : memref<65x64x256xf32, #tpu.memory_space<vmem>>, vector<1x43x256xf32>
    %swap3A_1278 = vector.shape_cast %swap3A_1277 : vector<1x43x256xf32> to vector<43x256xf32>
    %swap3A_1279 = vector.shape_cast %broadcast_in_dim3A_1273 : vector<43x256xf32> to vector<1x43x256xf32>
    tpu.vector_store %arg5[%swap3A_1274, %swap3A_1275, %swap3A_1276], %swap3A_1279 {strides = array<i32>} : memref<65x64x256xf32, #tpu.memory_space<vmem>>, vector<1x43x256xf32>,
    %slice3A_1280 = vector.extract_strided_slice %select_n3A {offsets = [43, 0], sizes = [1, 256], strides = [1, 1]} : vector<64x256xf32> to vector<1x256xf32>
    %swap3A_1281 = arith.constant 44 : index
    %swap3A_1282 = arith.constant 43 : index
    %swap3A_1283 = arith.constant 0 : index
    %swap3A_1284 = vector.load %arg5[%swap3A_1281, %swap3A_1282, %swap3A_1283] : memref<65x64x256xf32, #tpu.memory_space<vmem>>, vector<1x1x256xf32>
    %swap3A_1285 = vector.shape_cast %swap3A_1284 : vector<1x1x256xf32> to vector<1x256xf32>
    %swap3A_1286 = vector.shape_cast %slice3A_1280 : vector<1x256xf32> to vector<1x1x256xf32>
    tpu.vector_store %arg5[%swap3A_1281, %swap3A_1282, %swap3A_1283], %swap3A_1286 {strides = array<i32>} : memref<65x64x256xf32, #tpu.memory_space<vmem>>, vector<1x1x256xf32>,
    %slice3A_1287 = vector.extract_strided_slice %reshape3A {offsets = [43, 0, 0], sizes = [1, 16, 256], strides = [1, 1, 1]} : vector<64x16x256xf32> to vector<1x16x256xf32>
    %squeeze3A_1288 = vector.shape_cast %slice3A_1287 : vector<1x16x256xf32> to vector<16x256xf32>
    %slice3A_1289 = vector.extract_strided_slice %reshape3A {offsets = [44, 0, 0], sizes = [20, 16, 256], strides = [1, 1, 1]} : vector<64x16x256xf32> to vector<20x16x256xf32>
    %broadcast_in_dim3A_1290 = vector.shape_cast %squeeze3A_1288 : vector<16x256xf32> to vector<1x16x256xf32>
    %mul3A_1291 = vector.broadcast %broadcast_in_dim3A_1290 : vector<1x16x256xf32> to vector<20x16x256xf32>
    %mul3A_1292 = arith.mulf %slice3A_1289, %mul3A_1291 : vector<20x16x256xf32>
    %reduce_sum3A_1293 = arith.constant dense<0.000000e+00> : vector<20x256xf32>
    %reduce_sum3A_1294 = vector.multi_reduction <add>, %mul3A_1292, %reduce_sum3A_1293 [1] : vector<20x16x256xf32> to vector<20x256xf32>
    %swap3A_1295 = arith.constant 44 : index
    %swap3A_1296 = arith.constant 44 : index
    %swap3A_1297 = arith.constant 0 : index
    %swap3A_1298 = vector.load %arg5[%swap3A_1295, %swap3A_1296, %swap3A_1297] : memref<65x64x256xf32, #tpu.memory_space<vmem>>, vector<1x20x256xf32>
    %swap3A_1299 = vector.shape_cast %swap3A_1298 : vector<1x20x256xf32> to vector<20x256xf32>
    %swap3A_1300 = vector.shape_cast %reduce_sum3A_1294 : vector<20x256xf32> to vector<1x20x256xf32>
    tpu.vector_store %arg5[%swap3A_1295, %swap3A_1296, %swap3A_1297], %swap3A_1300 {strides = array<i32>} : memref<65x64x256xf32, #tpu.memory_space<vmem>>, vector<1x20x256xf32>,
    %broadcast_in_dim3A_1301 = arith.constant 0.000000e+00 : f32
    %broadcast_in_dim3A_1302 = vector.broadcast %broadcast_in_dim3A_1301 : f32 to vector<44x256xf32>
    %swap3A_1303 = arith.constant 45 : index
    %swap3A_1304 = arith.constant 0 : index
    %swap3A_1305 = arith.constant 0 : index
    %swap3A_1306 = vector.load %arg5[%swap3A_1303, %swap3A_1304, %swap3A_1305] : memref<65x64x256xf32, #tpu.memory_space<vmem>>, vector<1x44x256xf32>
    %swap3A_1307 = vector.shape_cast %swap3A_1306 : vector<1x44x256xf32> to vector<44x256xf32>
    %swap3A_1308 = vector.shape_cast %broadcast_in_dim3A_1302 : vector<44x256xf32> to vector<1x44x256xf32>
    tpu.vector_store %arg5[%swap3A_1303, %swap3A_1304, %swap3A_1305], %swap3A_1308 {strides = array<i32>} : memref<65x64x256xf32, #tpu.memory_space<vmem>>, vector<1x44x256xf32>,
    %slice3A_1309 = vector.extract_strided_slice %select_n3A {offsets = [44, 0], sizes = [1, 256], strides = [1, 1]} : vector<64x256xf32> to vector<1x256xf32>
    %swap3A_1310 = arith.constant 45 : index
    %swap3A_1311 = arith.constant 44 : index
    %swap3A_1312 = arith.constant 0 : index
    %swap3A_1313 = vector.load %arg5[%swap3A_1310, %swap3A_1311, %swap3A_1312] : memref<65x64x256xf32, #tpu.memory_space<vmem>>, vector<1x1x256xf32>
    %swap3A_1314 = vector.shape_cast %swap3A_1313 : vector<1x1x256xf32> to vector<1x256xf32>
    %swap3A_1315 = vector.shape_cast %slice3A_1309 : vector<1x256xf32> to vector<1x1x256xf32>
    tpu.vector_store %arg5[%swap3A_1310, %swap3A_1311, %swap3A_1312], %swap3A_1315 {strides = array<i32>} : memref<65x64x256xf32, #tpu.memory_space<vmem>>, vector<1x1x256xf32>,
    %slice3A_1316 = vector.extract_strided_slice %reshape3A {offsets = [44, 0, 0], sizes = [1, 16, 256], strides = [1, 1, 1]} : vector<64x16x256xf32> to vector<1x16x256xf32>
    %squeeze3A_1317 = vector.shape_cast %slice3A_1316 : vector<1x16x256xf32> to vector<16x256xf32>
    %slice3A_1318 = vector.extract_strided_slice %reshape3A {offsets = [45, 0, 0], sizes = [19, 16, 256], strides = [1, 1, 1]} : vector<64x16x256xf32> to vector<19x16x256xf32>
    %broadcast_in_dim3A_1319 = vector.shape_cast %squeeze3A_1317 : vector<16x256xf32> to vector<1x16x256xf32>
    %mul3A_1320 = vector.broadcast %broadcast_in_dim3A_1319 : vector<1x16x256xf32> to vector<19x16x256xf32>
    %mul3A_1321 = arith.mulf %slice3A_1318, %mul3A_1320 : vector<19x16x256xf32>
    %reduce_sum3A_1322 = arith.constant dense<0.000000e+00> : vector<19x256xf32>
    %reduce_sum3A_1323 = vector.multi_reduction <add>, %mul3A_1321, %reduce_sum3A_1322 [1] : vector<19x16x256xf32> to vector<19x256xf32>
    %swap3A_1324 = arith.constant 45 : index
    %swap3A_1325 = arith.constant 45 : index
    %swap3A_1326 = arith.constant 0 : index
    %swap3A_1327 = vector.load %arg5[%swap3A_1324, %swap3A_1325, %swap3A_1326] : memref<65x64x256xf32, #tpu.memory_space<vmem>>, vector<1x19x256xf32>
    %swap3A_1328 = vector.shape_cast %swap3A_1327 : vector<1x19x256xf32> to vector<19x256xf32>
    %swap3A_1329 = vector.shape_cast %reduce_sum3A_1323 : vector<19x256xf32> to vector<1x19x256xf32>
    tpu.vector_store %arg5[%swap3A_1324, %swap3A_1325, %swap3A_1326], %swap3A_1329 {strides = array<i32>} : memref<65x64x256xf32, #tpu.memory_space<vmem>>, vector<1x19x256xf32>,
    %broadcast_in_dim3A_1330 = arith.constant 0.000000e+00 : f32
    %broadcast_in_dim3A_1331 = vector.broadcast %broadcast_in_dim3A_1330 : f32 to vector<45x256xf32>
    %swap3A_1332 = arith.constant 46 : index
    %swap3A_1333 = arith.constant 0 : index
    %swap3A_1334 = arith.constant 0 : index
    %swap3A_1335 = vector.load %arg5[%swap3A_1332, %swap3A_1333, %swap3A_1334] : memref<65x64x256xf32, #tpu.memory_space<vmem>>, vector<1x45x256xf32>
    %swap3A_1336 = vector.shape_cast %swap3A_1335 : vector<1x45x256xf32> to vector<45x256xf32>
    %swap3A_1337 = vector.shape_cast %broadcast_in_dim3A_1331 : vector<45x256xf32> to vector<1x45x256xf32>
    tpu.vector_store %arg5[%swap3A_1332, %swap3A_1333, %swap3A_1334], %swap3A_1337 {strides = array<i32>} : memref<65x64x256xf32, #tpu.memory_space<vmem>>, vector<1x45x256xf32>,
    %slice3A_1338 = vector.extract_strided_slice %select_n3A {offsets = [45, 0], sizes = [1, 256], strides = [1, 1]} : vector<64x256xf32> to vector<1x256xf32>
    %swap3A_1339 = arith.constant 46 : index
    %swap3A_1340 = arith.constant 45 : index
    %swap3A_1341 = arith.constant 0 : index
    %swap3A_1342 = vector.load %arg5[%swap3A_1339, %swap3A_1340, %swap3A_1341] : memref<65x64x256xf32, #tpu.memory_space<vmem>>, vector<1x1x256xf32>
    %swap3A_1343 = vector.shape_cast %swap3A_1342 : vector<1x1x256xf32> to vector<1x256xf32>
    %swap3A_1344 = vector.shape_cast %slice3A_1338 : vector<1x256xf32> to vector<1x1x256xf32>
    tpu.vector_store %arg5[%swap3A_1339, %swap3A_1340, %swap3A_1341], %swap3A_1344 {strides = array<i32>} : memref<65x64x256xf32, #tpu.memory_space<vmem>>, vector<1x1x256xf32>,
    %slice3A_1345 = vector.extract_strided_slice %reshape3A {offsets = [45, 0, 0], sizes = [1, 16, 256], strides = [1, 1, 1]} : vector<64x16x256xf32> to vector<1x16x256xf32>
    %squeeze3A_1346 = vector.shape_cast %slice3A_1345 : vector<1x16x256xf32> to vector<16x256xf32>
    %slice3A_1347 = vector.extract_strided_slice %reshape3A {offsets = [46, 0, 0], sizes = [18, 16, 256], strides = [1, 1, 1]} : vector<64x16x256xf32> to vector<18x16x256xf32>
    %broadcast_in_dim3A_1348 = vector.shape_cast %squeeze3A_1346 : vector<16x256xf32> to vector<1x16x256xf32>
    %mul3A_1349 = vector.broadcast %broadcast_in_dim3A_1348 : vector<1x16x256xf32> to vector<18x16x256xf32>
    %mul3A_1350 = arith.mulf %slice3A_1347, %mul3A_1349 : vector<18x16x256xf32>
    %reduce_sum3A_1351 = arith.constant dense<0.000000e+00> : vector<18x256xf32>
    %reduce_sum3A_1352 = vector.multi_reduction <add>, %mul3A_1350, %reduce_sum3A_1351 [1] : vector<18x16x256xf32> to vector<18x256xf32>
    %swap3A_1353 = arith.constant 46 : index
    %swap3A_1354 = arith.constant 46 : index
    %swap3A_1355 = arith.constant 0 : index
    %swap3A_1356 = vector.load %arg5[%swap3A_1353, %swap3A_1354, %swap3A_1355] : memref<65x64x256xf32, #tpu.memory_space<vmem>>, vector<1x18x256xf32>
    %swap3A_1357 = vector.shape_cast %swap3A_1356 : vector<1x18x256xf32> to vector<18x256xf32>
    %swap3A_1358 = vector.shape_cast %reduce_sum3A_1352 : vector<18x256xf32> to vector<1x18x256xf32>
    tpu.vector_store %arg5[%swap3A_1353, %swap3A_1354, %swap3A_1355], %swap3A_1358 {strides = array<i32>} : memref<65x64x256xf32, #tpu.memory_space<vmem>>, vector<1x18x256xf32>,
    %broadcast_in_dim3A_1359 = arith.constant 0.000000e+00 : f32
    %broadcast_in_dim3A_1360 = vector.broadcast %broadcast_in_dim3A_1359 : f32 to vector<46x256xf32>
    %swap3A_1361 = arith.constant 47 : index
    %swap3A_1362 = arith.constant 0 : index
    %swap3A_1363 = arith.constant 0 : index
    %swap3A_1364 = vector.load %arg5[%swap3A_1361, %swap3A_1362, %swap3A_1363] : memref<65x64x256xf32, #tpu.memory_space<vmem>>, vector<1x46x256xf32>
    %swap3A_1365 = vector.shape_cast %swap3A_1364 : vector<1x46x256xf32> to vector<46x256xf32>
    %swap3A_1366 = vector.shape_cast %broadcast_in_dim3A_1360 : vector<46x256xf32> to vector<1x46x256xf32>
    tpu.vector_store %arg5[%swap3A_1361, %swap3A_1362, %swap3A_1363], %swap3A_1366 {strides = array<i32>} : memref<65x64x256xf32, #tpu.memory_space<vmem>>, vector<1x46x256xf32>,
    %slice3A_1367 = vector.extract_strided_slice %select_n3A {offsets = [46, 0], sizes = [1, 256], strides = [1, 1]} : vector<64x256xf32> to vector<1x256xf32>
    %swap3A_1368 = arith.constant 47 : index
    %swap3A_1369 = arith.constant 46 : index
    %swap3A_1370 = arith.constant 0 : index
    %swap3A_1371 = vector.load %arg5[%swap3A_1368, %swap3A_1369, %swap3A_1370] : memref<65x64x256xf32, #tpu.memory_space<vmem>>, vector<1x1x256xf32>
    %swap3A_1372 = vector.shape_cast %swap3A_1371 : vector<1x1x256xf32> to vector<1x256xf32>
    %swap3A_1373 = vector.shape_cast %slice3A_1367 : vector<1x256xf32> to vector<1x1x256xf32>
    tpu.vector_store %arg5[%swap3A_1368, %swap3A_1369, %swap3A_1370], %swap3A_1373 {strides = array<i32>} : memref<65x64x256xf32, #tpu.memory_space<vmem>>, vector<1x1x256xf32>,
    %slice3A_1374 = vector.extract_strided_slice %reshape3A {offsets = [46, 0, 0], sizes = [1, 16, 256], strides = [1, 1, 1]} : vector<64x16x256xf32> to vector<1x16x256xf32>
    %squeeze3A_1375 = vector.shape_cast %slice3A_1374 : vector<1x16x256xf32> to vector<16x256xf32>
    %slice3A_1376 = vector.extract_strided_slice %reshape3A {offsets = [47, 0, 0], sizes = [17, 16, 256], strides = [1, 1, 1]} : vector<64x16x256xf32> to vector<17x16x256xf32>
    %broadcast_in_dim3A_1377 = vector.shape_cast %squeeze3A_1375 : vector<16x256xf32> to vector<1x16x256xf32>
    %mul3A_1378 = vector.broadcast %broadcast_in_dim3A_1377 : vector<1x16x256xf32> to vector<17x16x256xf32>
    %mul3A_1379 = arith.mulf %slice3A_1376, %mul3A_1378 : vector<17x16x256xf32>
    %reduce_sum3A_1380 = arith.constant dense<0.000000e+00> : vector<17x256xf32>
    %reduce_sum3A_1381 = vector.multi_reduction <add>, %mul3A_1379, %reduce_sum3A_1380 [1] : vector<17x16x256xf32> to vector<17x256xf32>
    %swap3A_1382 = arith.constant 47 : index
    %swap3A_1383 = arith.constant 47 : index
    %swap3A_1384 = arith.constant 0 : index
    %swap3A_1385 = vector.load %arg5[%swap3A_1382, %swap3A_1383, %swap3A_1384] : memref<65x64x256xf32, #tpu.memory_space<vmem>>, vector<1x17x256xf32>
    %swap3A_1386 = vector.shape_cast %swap3A_1385 : vector<1x17x256xf32> to vector<17x256xf32>
    %swap3A_1387 = vector.shape_cast %reduce_sum3A_1381 : vector<17x256xf32> to vector<1x17x256xf32>
    tpu.vector_store %arg5[%swap3A_1382, %swap3A_1383, %swap3A_1384], %swap3A_1387 {strides = array<i32>} : memref<65x64x256xf32, #tpu.memory_space<vmem>>, vector<1x17x256xf32>,
    %broadcast_in_dim3A_1388 = arith.constant 0.000000e+00 : f32
    %broadcast_in_dim3A_1389 = vector.broadcast %broadcast_in_dim3A_1388 : f32 to vector<47x256xf32>
    %swap3A_1390 = arith.constant 48 : index
    %swap3A_1391 = arith.constant 0 : index
    %swap3A_1392 = arith.constant 0 : index
    %swap3A_1393 = vector.load %arg5[%swap3A_1390, %swap3A_1391, %swap3A_1392] : memref<65x64x256xf32, #tpu.memory_space<vmem>>, vector<1x47x256xf32>
    %swap3A_1394 = vector.shape_cast %swap3A_1393 : vector<1x47x256xf32> to vector<47x256xf32>
    %swap3A_1395 = vector.shape_cast %broadcast_in_dim3A_1389 : vector<47x256xf32> to vector<1x47x256xf32>
    tpu.vector_store %arg5[%swap3A_1390, %swap3A_1391, %swap3A_1392], %swap3A_1395 {strides = array<i32>} : memref<65x64x256xf32, #tpu.memory_space<vmem>>, vector<1x47x256xf32>,
    %slice3A_1396 = vector.extract_strided_slice %select_n3A {offsets = [47, 0], sizes = [1, 256], strides = [1, 1]} : vector<64x256xf32> to vector<1x256xf32>
    %swap3A_1397 = arith.constant 48 : index
    %swap3A_1398 = arith.constant 47 : index
    %swap3A_1399 = arith.constant 0 : index
    %swap3A_1400 = vector.load %arg5[%swap3A_1397, %swap3A_1398, %swap3A_1399] : memref<65x64x256xf32, #tpu.memory_space<vmem>>, vector<1x1x256xf32>
    %swap3A_1401 = vector.shape_cast %swap3A_1400 : vector<1x1x256xf32> to vector<1x256xf32>
    %swap3A_1402 = vector.shape_cast %slice3A_1396 : vector<1x256xf32> to vector<1x1x256xf32>
    tpu.vector_store %arg5[%swap3A_1397, %swap3A_1398, %swap3A_1399], %swap3A_1402 {strides = array<i32>} : memref<65x64x256xf32, #tpu.memory_space<vmem>>, vector<1x1x256xf32>,
    %slice3A_1403 = vector.extract_strided_slice %reshape3A {offsets = [47, 0, 0], sizes = [1, 16, 256], strides = [1, 1, 1]} : vector<64x16x256xf32> to vector<1x16x256xf32>
    %squeeze3A_1404 = vector.shape_cast %slice3A_1403 : vector<1x16x256xf32> to vector<16x256xf32>
    %slice3A_1405 = vector.extract_strided_slice %reshape3A {offsets = [48, 0, 0], sizes = [16, 16, 256], strides = [1, 1, 1]} : vector<64x16x256xf32> to vector<16x16x256xf32>
    %broadcast_in_dim3A_1406 = vector.shape_cast %squeeze3A_1404 : vector<16x256xf32> to vector<1x16x256xf32>
    %mul3A_1407 = vector.broadcast %broadcast_in_dim3A_1406 : vector<1x16x256xf32> to vector<16x16x256xf32>
    %mul3A_1408 = arith.mulf %slice3A_1405, %mul3A_1407 : vector<16x16x256xf32>
    %reduce_sum3A_1409 = arith.constant dense<0.000000e+00> : vector<16x256xf32>
    %reduce_sum3A_1410 = vector.multi_reduction <add>, %mul3A_1408, %reduce_sum3A_1409 [1] : vector<16x16x256xf32> to vector<16x256xf32>
    %swap3A_1411 = arith.constant 48 : index
    %swap3A_1412 = arith.constant 48 : index
    %swap3A_1413 = arith.constant 0 : index
    %swap3A_1414 = vector.load %arg5[%swap3A_1411, %swap3A_1412, %swap3A_1413] : memref<65x64x256xf32, #tpu.memory_space<vmem>>, vector<1x16x256xf32>
    %swap3A_1415 = vector.shape_cast %swap3A_1414 : vector<1x16x256xf32> to vector<16x256xf32>
    %swap3A_1416 = vector.shape_cast %reduce_sum3A_1410 : vector<16x256xf32> to vector<1x16x256xf32>
    tpu.vector_store %arg5[%swap3A_1411, %swap3A_1412, %swap3A_1413], %swap3A_1416 {strides = array<i32>} : memref<65x64x256xf32, #tpu.memory_space<vmem>>, vector<1x16x256xf32>,
    %broadcast_in_dim3A_1417 = arith.constant 0.000000e+00 : f32
    %broadcast_in_dim3A_1418 = vector.broadcast %broadcast_in_dim3A_1417 : f32 to vector<48x256xf32>
    %swap3A_1419 = arith.constant 49 : index
    %swap3A_1420 = arith.constant 0 : index
    %swap3A_1421 = arith.constant 0 : index
    %swap3A_1422 = vector.load %arg5[%swap3A_1419, %swap3A_1420, %swap3A_1421] : memref<65x64x256xf32, #tpu.memory_space<vmem>>, vector<1x48x256xf32>
    %swap3A_1423 = vector.shape_cast %swap3A_1422 : vector<1x48x256xf32> to vector<48x256xf32>
    %swap3A_1424 = vector.shape_cast %broadcast_in_dim3A_1418 : vector<48x256xf32> to vector<1x48x256xf32>
    tpu.vector_store %arg5[%swap3A_1419, %swap3A_1420, %swap3A_1421], %swap3A_1424 {strides = array<i32>} : memref<65x64x256xf32, #tpu.memory_space<vmem>>, vector<1x48x256xf32>,
    %slice3A_1425 = vector.extract_strided_slice %select_n3A {offsets = [48, 0], sizes = [1, 256], strides = [1, 1]} : vector<64x256xf32> to vector<1x256xf32>
    %swap3A_1426 = arith.constant 49 : index
    %swap3A_1427 = arith.constant 48 : index
    %swap3A_1428 = arith.constant 0 : index
    %swap3A_1429 = vector.load %arg5[%swap3A_1426, %swap3A_1427, %swap3A_1428] : memref<65x64x256xf32, #tpu.memory_space<vmem>>, vector<1x1x256xf32>
    %swap3A_1430 = vector.shape_cast %swap3A_1429 : vector<1x1x256xf32> to vector<1x256xf32>
    %swap3A_1431 = vector.shape_cast %slice3A_1425 : vector<1x256xf32> to vector<1x1x256xf32>
    tpu.vector_store %arg5[%swap3A_1426, %swap3A_1427, %swap3A_1428], %swap3A_1431 {strides = array<i32>} : memref<65x64x256xf32, #tpu.memory_space<vmem>>, vector<1x1x256xf32>,
    %slice3A_1432 = vector.extract_strided_slice %reshape3A {offsets = [48, 0, 0], sizes = [1, 16, 256], strides = [1, 1, 1]} : vector<64x16x256xf32> to vector<1x16x256xf32>
    %squeeze3A_1433 = vector.shape_cast %slice3A_1432 : vector<1x16x256xf32> to vector<16x256xf32>
    %slice3A_1434 = vector.extract_strided_slice %reshape3A {offsets = [49, 0, 0], sizes = [15, 16, 256], strides = [1, 1, 1]} : vector<64x16x256xf32> to vector<15x16x256xf32>
    %broadcast_in_dim3A_1435 = vector.shape_cast %squeeze3A_1433 : vector<16x256xf32> to vector<1x16x256xf32>
    %mul3A_1436 = vector.broadcast %broadcast_in_dim3A_1435 : vector<1x16x256xf32> to vector<15x16x256xf32>
    %mul3A_1437 = arith.mulf %slice3A_1434, %mul3A_1436 : vector<15x16x256xf32>
    %reduce_sum3A_1438 = arith.constant dense<0.000000e+00> : vector<15x256xf32>
    %reduce_sum3A_1439 = vector.multi_reduction <add>, %mul3A_1437, %reduce_sum3A_1438 [1] : vector<15x16x256xf32> to vector<15x256xf32>
    %swap3A_1440 = arith.constant 49 : index
    %swap3A_1441 = arith.constant 49 : index
    %swap3A_1442 = arith.constant 0 : index
    %swap3A_1443 = vector.load %arg5[%swap3A_1440, %swap3A_1441, %swap3A_1442] : memref<65x64x256xf32, #tpu.memory_space<vmem>>, vector<1x15x256xf32>
    %swap3A_1444 = vector.shape_cast %swap3A_1443 : vector<1x15x256xf32> to vector<15x256xf32>
    %swap3A_1445 = vector.shape_cast %reduce_sum3A_1439 : vector<15x256xf32> to vector<1x15x256xf32>
    tpu.vector_store %arg5[%swap3A_1440, %swap3A_1441, %swap3A_1442], %swap3A_1445 {strides = array<i32>} : memref<65x64x256xf32, #tpu.memory_space<vmem>>, vector<1x15x256xf32>,
    %broadcast_in_dim3A_1446 = arith.constant 0.000000e+00 : f32
    %broadcast_in_dim3A_1447 = vector.broadcast %broadcast_in_dim3A_1446 : f32 to vector<49x256xf32>
    %swap3A_1448 = arith.constant 50 : index
    %swap3A_1449 = arith.constant 0 : index
    %swap3A_1450 = arith.constant 0 : index
    %swap3A_1451 = vector.load %arg5[%swap3A_1448, %swap3A_1449, %swap3A_1450] : memref<65x64x256xf32, #tpu.memory_space<vmem>>, vector<1x49x256xf32>
    %swap3A_1452 = vector.shape_cast %swap3A_1451 : vector<1x49x256xf32> to vector<49x256xf32>
    %swap3A_1453 = vector.shape_cast %broadcast_in_dim3A_1447 : vector<49x256xf32> to vector<1x49x256xf32>
    tpu.vector_store %arg5[%swap3A_1448, %swap3A_1449, %swap3A_1450], %swap3A_1453 {strides = array<i32>} : memref<65x64x256xf32, #tpu.memory_space<vmem>>, vector<1x49x256xf32>,
    %slice3A_1454 = vector.extract_strided_slice %select_n3A {offsets = [49, 0], sizes = [1, 256], strides = [1, 1]} : vector<64x256xf32> to vector<1x256xf32>
    %swap3A_1455 = arith.constant 50 : index
    %swap3A_1456 = arith.constant 49 : index
    %swap3A_1457 = arith.constant 0 : index
    %swap3A_1458 = vector.load %arg5[%swap3A_1455, %swap3A_1456, %swap3A_1457] : memref<65x64x256xf32, #tpu.memory_space<vmem>>, vector<1x1x256xf32>
    %swap3A_1459 = vector.shape_cast %swap3A_1458 : vector<1x1x256xf32> to vector<1x256xf32>
    %swap3A_1460 = vector.shape_cast %slice3A_1454 : vector<1x256xf32> to vector<1x1x256xf32>
    tpu.vector_store %arg5[%swap3A_1455, %swap3A_1456, %swap3A_1457], %swap3A_1460 {strides = array<i32>} : memref<65x64x256xf32, #tpu.memory_space<vmem>>, vector<1x1x256xf32>,
    %slice3A_1461 = vector.extract_strided_slice %reshape3A {offsets = [49, 0, 0], sizes = [1, 16, 256], strides = [1, 1, 1]} : vector<64x16x256xf32> to vector<1x16x256xf32>
    %squeeze3A_1462 = vector.shape_cast %slice3A_1461 : vector<1x16x256xf32> to vector<16x256xf32>
    %slice3A_1463 = vector.extract_strided_slice %reshape3A {offsets = [50, 0, 0], sizes = [14, 16, 256], strides = [1, 1, 1]} : vector<64x16x256xf32> to vector<14x16x256xf32>
    %broadcast_in_dim3A_1464 = vector.shape_cast %squeeze3A_1462 : vector<16x256xf32> to vector<1x16x256xf32>
    %mul3A_1465 = vector.broadcast %broadcast_in_dim3A_1464 : vector<1x16x256xf32> to vector<14x16x256xf32>
    %mul3A_1466 = arith.mulf %slice3A_1463, %mul3A_1465 : vector<14x16x256xf32>
    %reduce_sum3A_1467 = arith.constant dense<0.000000e+00> : vector<14x256xf32>
    %reduce_sum3A_1468 = vector.multi_reduction <add>, %mul3A_1466, %reduce_sum3A_1467 [1] : vector<14x16x256xf32> to vector<14x256xf32>
    %swap3A_1469 = arith.constant 50 : index
    %swap3A_1470 = arith.constant 50 : index
    %swap3A_1471 = arith.constant 0 : index
    %swap3A_1472 = vector.load %arg5[%swap3A_1469, %swap3A_1470, %swap3A_1471] : memref<65x64x256xf32, #tpu.memory_space<vmem>>, vector<1x14x256xf32>
    %swap3A_1473 = vector.shape_cast %swap3A_1472 : vector<1x14x256xf32> to vector<14x256xf32>
    %swap3A_1474 = vector.shape_cast %reduce_sum3A_1468 : vector<14x256xf32> to vector<1x14x256xf32>
    tpu.vector_store %arg5[%swap3A_1469, %swap3A_1470, %swap3A_1471], %swap3A_1474 {strides = array<i32>} : memref<65x64x256xf32, #tpu.memory_space<vmem>>, vector<1x14x256xf32>,
    %broadcast_in_dim3A_1475 = arith.constant 0.000000e+00 : f32
    %broadcast_in_dim3A_1476 = vector.broadcast %broadcast_in_dim3A_1475 : f32 to vector<50x256xf32>
    %swap3A_1477 = arith.constant 51 : index
    %swap3A_1478 = arith.constant 0 : index
    %swap3A_1479 = arith.constant 0 : index
    %swap3A_1480 = vector.load %arg5[%swap3A_1477, %swap3A_1478, %swap3A_1479] : memref<65x64x256xf32, #tpu.memory_space<vmem>>, vector<1x50x256xf32>
    %swap3A_1481 = vector.shape_cast %swap3A_1480 : vector<1x50x256xf32> to vector<50x256xf32>
    %swap3A_1482 = vector.shape_cast %broadcast_in_dim3A_1476 : vector<50x256xf32> to vector<1x50x256xf32>
    tpu.vector_store %arg5[%swap3A_1477, %swap3A_1478, %swap3A_1479], %swap3A_1482 {strides = array<i32>} : memref<65x64x256xf32, #tpu.memory_space<vmem>>, vector<1x50x256xf32>,
    %slice3A_1483 = vector.extract_strided_slice %select_n3A {offsets = [50, 0], sizes = [1, 256], strides = [1, 1]} : vector<64x256xf32> to vector<1x256xf32>
    %swap3A_1484 = arith.constant 51 : index
    %swap3A_1485 = arith.constant 50 : index
    %swap3A_1486 = arith.constant 0 : index
    %swap3A_1487 = vector.load %arg5[%swap3A_1484, %swap3A_1485, %swap3A_1486] : memref<65x64x256xf32, #tpu.memory_space<vmem>>, vector<1x1x256xf32>
    %swap3A_1488 = vector.shape_cast %swap3A_1487 : vector<1x1x256xf32> to vector<1x256xf32>
    %swap3A_1489 = vector.shape_cast %slice3A_1483 : vector<1x256xf32> to vector<1x1x256xf32>
    tpu.vector_store %arg5[%swap3A_1484, %swap3A_1485, %swap3A_1486], %swap3A_1489 {strides = array<i32>} : memref<65x64x256xf32, #tpu.memory_space<vmem>>, vector<1x1x256xf32>,
    %slice3A_1490 = vector.extract_strided_slice %reshape3A {offsets = [50, 0, 0], sizes = [1, 16, 256], strides = [1, 1, 1]} : vector<64x16x256xf32> to vector<1x16x256xf32>
    %squeeze3A_1491 = vector.shape_cast %slice3A_1490 : vector<1x16x256xf32> to vector<16x256xf32>
    %slice3A_1492 = vector.extract_strided_slice %reshape3A {offsets = [51, 0, 0], sizes = [13, 16, 256], strides = [1, 1, 1]} : vector<64x16x256xf32> to vector<13x16x256xf32>
    %broadcast_in_dim3A_1493 = vector.shape_cast %squeeze3A_1491 : vector<16x256xf32> to vector<1x16x256xf32>
    %mul3A_1494 = vector.broadcast %broadcast_in_dim3A_1493 : vector<1x16x256xf32> to vector<13x16x256xf32>
    %mul3A_1495 = arith.mulf %slice3A_1492, %mul3A_1494 : vector<13x16x256xf32>
    %reduce_sum3A_1496 = arith.constant dense<0.000000e+00> : vector<13x256xf32>
    %reduce_sum3A_1497 = vector.multi_reduction <add>, %mul3A_1495, %reduce_sum3A_1496 [1] : vector<13x16x256xf32> to vector<13x256xf32>
    %swap3A_1498 = arith.constant 51 : index
    %swap3A_1499 = arith.constant 51 : index
    %swap3A_1500 = arith.constant 0 : index
    %swap3A_1501 = vector.load %arg5[%swap3A_1498, %swap3A_1499, %swap3A_1500] : memref<65x64x256xf32, #tpu.memory_space<vmem>>, vector<1x13x256xf32>
    %swap3A_1502 = vector.shape_cast %swap3A_1501 : vector<1x13x256xf32> to vector<13x256xf32>
    %swap3A_1503 = vector.shape_cast %reduce_sum3A_1497 : vector<13x256xf32> to vector<1x13x256xf32>
    tpu.vector_store %arg5[%swap3A_1498, %swap3A_1499, %swap3A_1500], %swap3A_1503 {strides = array<i32>} : memref<65x64x256xf32, #tpu.memory_space<vmem>>, vector<1x13x256xf32>,
    %broadcast_in_dim3A_1504 = arith.constant 0.000000e+00 : f32
    %broadcast_in_dim3A_1505 = vector.broadcast %broadcast_in_dim3A_1504 : f32 to vector<51x256xf32>
    %swap3A_1506 = arith.constant 52 : index
    %swap3A_1507 = arith.constant 0 : index
    %swap3A_1508 = arith.constant 0 : index
    %swap3A_1509 = vector.load %arg5[%swap3A_1506, %swap3A_1507, %swap3A_1508] : memref<65x64x256xf32, #tpu.memory_space<vmem>>, vector<1x51x256xf32>
    %swap3A_1510 = vector.shape_cast %swap3A_1509 : vector<1x51x256xf32> to vector<51x256xf32>
    %swap3A_1511 = vector.shape_cast %broadcast_in_dim3A_1505 : vector<51x256xf32> to vector<1x51x256xf32>
    tpu.vector_store %arg5[%swap3A_1506, %swap3A_1507, %swap3A_1508], %swap3A_1511 {strides = array<i32>} : memref<65x64x256xf32, #tpu.memory_space<vmem>>, vector<1x51x256xf32>,
    %slice3A_1512 = vector.extract_strided_slice %select_n3A {offsets = [51, 0], sizes = [1, 256], strides = [1, 1]} : vector<64x256xf32> to vector<1x256xf32>
    %swap3A_1513 = arith.constant 52 : index
    %swap3A_1514 = arith.constant 51 : index
    %swap3A_1515 = arith.constant 0 : index
    %swap3A_1516 = vector.load %arg5[%swap3A_1513, %swap3A_1514, %swap3A_1515] : memref<65x64x256xf32, #tpu.memory_space<vmem>>, vector<1x1x256xf32>
    %swap3A_1517 = vector.shape_cast %swap3A_1516 : vector<1x1x256xf32> to vector<1x256xf32>
    %swap3A_1518 = vector.shape_cast %slice3A_1512 : vector<1x256xf32> to vector<1x1x256xf32>
    tpu.vector_store %arg5[%swap3A_1513, %swap3A_1514, %swap3A_1515], %swap3A_1518 {strides = array<i32>} : memref<65x64x256xf32, #tpu.memory_space<vmem>>, vector<1x1x256xf32>,
    %slice3A_1519 = vector.extract_strided_slice %reshape3A {offsets = [51, 0, 0], sizes = [1, 16, 256], strides = [1, 1, 1]} : vector<64x16x256xf32> to vector<1x16x256xf32>
    %squeeze3A_1520 = vector.shape_cast %slice3A_1519 : vector<1x16x256xf32> to vector<16x256xf32>
    %slice3A_1521 = vector.extract_strided_slice %reshape3A {offsets = [52, 0, 0], sizes = [12, 16, 256], strides = [1, 1, 1]} : vector<64x16x256xf32> to vector<12x16x256xf32>
    %broadcast_in_dim3A_1522 = vector.shape_cast %squeeze3A_1520 : vector<16x256xf32> to vector<1x16x256xf32>
    %mul3A_1523 = vector.broadcast %broadcast_in_dim3A_1522 : vector<1x16x256xf32> to vector<12x16x256xf32>
    %mul3A_1524 = arith.mulf %slice3A_1521, %mul3A_1523 : vector<12x16x256xf32>
    %reduce_sum3A_1525 = arith.constant dense<0.000000e+00> : vector<12x256xf32>
    %reduce_sum3A_1526 = vector.multi_reduction <add>, %mul3A_1524, %reduce_sum3A_1525 [1] : vector<12x16x256xf32> to vector<12x256xf32>
    %swap3A_1527 = arith.constant 52 : index
    %swap3A_1528 = arith.constant 52 : index
    %swap3A_1529 = arith.constant 0 : index
    %swap3A_1530 = vector.load %arg5[%swap3A_1527, %swap3A_1528, %swap3A_1529] : memref<65x64x256xf32, #tpu.memory_space<vmem>>, vector<1x12x256xf32>
    %swap3A_1531 = vector.shape_cast %swap3A_1530 : vector<1x12x256xf32> to vector<12x256xf32>
    %swap3A_1532 = vector.shape_cast %reduce_sum3A_1526 : vector<12x256xf32> to vector<1x12x256xf32>
    tpu.vector_store %arg5[%swap3A_1527, %swap3A_1528, %swap3A_1529], %swap3A_1532 {strides = array<i32>} : memref<65x64x256xf32, #tpu.memory_space<vmem>>, vector<1x12x256xf32>,
    %broadcast_in_dim3A_1533 = arith.constant 0.000000e+00 : f32
    %broadcast_in_dim3A_1534 = vector.broadcast %broadcast_in_dim3A_1533 : f32 to vector<52x256xf32>
    %swap3A_1535 = arith.constant 53 : index
    %swap3A_1536 = arith.constant 0 : index
    %swap3A_1537 = arith.constant 0 : index
    %swap3A_1538 = vector.load %arg5[%swap3A_1535, %swap3A_1536, %swap3A_1537] : memref<65x64x256xf32, #tpu.memory_space<vmem>>, vector<1x52x256xf32>
    %swap3A_1539 = vector.shape_cast %swap3A_1538 : vector<1x52x256xf32> to vector<52x256xf32>
    %swap3A_1540 = vector.shape_cast %broadcast_in_dim3A_1534 : vector<52x256xf32> to vector<1x52x256xf32>
    tpu.vector_store %arg5[%swap3A_1535, %swap3A_1536, %swap3A_1537], %swap3A_1540 {strides = array<i32>} : memref<65x64x256xf32, #tpu.memory_space<vmem>>, vector<1x52x256xf32>,
    %slice3A_1541 = vector.extract_strided_slice %select_n3A {offsets = [52, 0], sizes = [1, 256], strides = [1, 1]} : vector<64x256xf32> to vector<1x256xf32>
    %swap3A_1542 = arith.constant 53 : index
    %swap3A_1543 = arith.constant 52 : index
    %swap3A_1544 = arith.constant 0 : index
    %swap3A_1545 = vector.load %arg5[%swap3A_1542, %swap3A_1543, %swap3A_1544] : memref<65x64x256xf32, #tpu.memory_space<vmem>>, vector<1x1x256xf32>
    %swap3A_1546 = vector.shape_cast %swap3A_1545 : vector<1x1x256xf32> to vector<1x256xf32>
    %swap3A_1547 = vector.shape_cast %slice3A_1541 : vector<1x256xf32> to vector<1x1x256xf32>
    tpu.vector_store %arg5[%swap3A_1542, %swap3A_1543, %swap3A_1544], %swap3A_1547 {strides = array<i32>} : memref<65x64x256xf32, #tpu.memory_space<vmem>>, vector<1x1x256xf32>,
    %slice3A_1548 = vector.extract_strided_slice %reshape3A {offsets = [52, 0, 0], sizes = [1, 16, 256], strides = [1, 1, 1]} : vector<64x16x256xf32> to vector<1x16x256xf32>
    %squeeze3A_1549 = vector.shape_cast %slice3A_1548 : vector<1x16x256xf32> to vector<16x256xf32>
    %slice3A_1550 = vector.extract_strided_slice %reshape3A {offsets = [53, 0, 0], sizes = [11, 16, 256], strides = [1, 1, 1]} : vector<64x16x256xf32> to vector<11x16x256xf32>
    %broadcast_in_dim3A_1551 = vector.shape_cast %squeeze3A_1549 : vector<16x256xf32> to vector<1x16x256xf32>
    %mul3A_1552 = vector.broadcast %broadcast_in_dim3A_1551 : vector<1x16x256xf32> to vector<11x16x256xf32>
    %mul3A_1553 = arith.mulf %slice3A_1550, %mul3A_1552 : vector<11x16x256xf32>
    %reduce_sum3A_1554 = arith.constant dense<0.000000e+00> : vector<11x256xf32>
    %reduce_sum3A_1555 = vector.multi_reduction <add>, %mul3A_1553, %reduce_sum3A_1554 [1] : vector<11x16x256xf32> to vector<11x256xf32>
    %swap3A_1556 = arith.constant 53 : index
    %swap3A_1557 = arith.constant 53 : index
    %swap3A_1558 = arith.constant 0 : index
    %swap3A_1559 = vector.load %arg5[%swap3A_1556, %swap3A_1557, %swap3A_1558] : memref<65x64x256xf32, #tpu.memory_space<vmem>>, vector<1x11x256xf32>
    %swap3A_1560 = vector.shape_cast %swap3A_1559 : vector<1x11x256xf32> to vector<11x256xf32>
    %swap3A_1561 = vector.shape_cast %reduce_sum3A_1555 : vector<11x256xf32> to vector<1x11x256xf32>
    tpu.vector_store %arg5[%swap3A_1556, %swap3A_1557, %swap3A_1558], %swap3A_1561 {strides = array<i32>} : memref<65x64x256xf32, #tpu.memory_space<vmem>>, vector<1x11x256xf32>,
    %broadcast_in_dim3A_1562 = arith.constant 0.000000e+00 : f32
    %broadcast_in_dim3A_1563 = vector.broadcast %broadcast_in_dim3A_1562 : f32 to vector<53x256xf32>
    %swap3A_1564 = arith.constant 54 : index
    %swap3A_1565 = arith.constant 0 : index
    %swap3A_1566 = arith.constant 0 : index
    %swap3A_1567 = vector.load %arg5[%swap3A_1564, %swap3A_1565, %swap3A_1566] : memref<65x64x256xf32, #tpu.memory_space<vmem>>, vector<1x53x256xf32>
    %swap3A_1568 = vector.shape_cast %swap3A_1567 : vector<1x53x256xf32> to vector<53x256xf32>
    %swap3A_1569 = vector.shape_cast %broadcast_in_dim3A_1563 : vector<53x256xf32> to vector<1x53x256xf32>
    tpu.vector_store %arg5[%swap3A_1564, %swap3A_1565, %swap3A_1566], %swap3A_1569 {strides = array<i32>} : memref<65x64x256xf32, #tpu.memory_space<vmem>>, vector<1x53x256xf32>,
    %slice3A_1570 = vector.extract_strided_slice %select_n3A {offsets = [53, 0], sizes = [1, 256], strides = [1, 1]} : vector<64x256xf32> to vector<1x256xf32>
    %swap3A_1571 = arith.constant 54 : index
    %swap3A_1572 = arith.constant 53 : index
    %swap3A_1573 = arith.constant 0 : index
    %swap3A_1574 = vector.load %arg5[%swap3A_1571, %swap3A_1572, %swap3A_1573] : memref<65x64x256xf32, #tpu.memory_space<vmem>>, vector<1x1x256xf32>
    %swap3A_1575 = vector.shape_cast %swap3A_1574 : vector<1x1x256xf32> to vector<1x256xf32>
    %swap3A_1576 = vector.shape_cast %slice3A_1570 : vector<1x256xf32> to vector<1x1x256xf32>
    tpu.vector_store %arg5[%swap3A_1571, %swap3A_1572, %swap3A_1573], %swap3A_1576 {strides = array<i32>} : memref<65x64x256xf32, #tpu.memory_space<vmem>>, vector<1x1x256xf32>,
    %slice3A_1577 = vector.extract_strided_slice %reshape3A {offsets = [53, 0, 0], sizes = [1, 16, 256], strides = [1, 1, 1]} : vector<64x16x256xf32> to vector<1x16x256xf32>
    %squeeze3A_1578 = vector.shape_cast %slice3A_1577 : vector<1x16x256xf32> to vector<16x256xf32>
    %slice3A_1579 = vector.extract_strided_slice %reshape3A {offsets = [54, 0, 0], sizes = [10, 16, 256], strides = [1, 1, 1]} : vector<64x16x256xf32> to vector<10x16x256xf32>
    %broadcast_in_dim3A_1580 = vector.shape_cast %squeeze3A_1578 : vector<16x256xf32> to vector<1x16x256xf32>
    %mul3A_1581 = vector.broadcast %broadcast_in_dim3A_1580 : vector<1x16x256xf32> to vector<10x16x256xf32>
    %mul3A_1582 = arith.mulf %slice3A_1579, %mul3A_1581 : vector<10x16x256xf32>
    %reduce_sum3A_1583 = arith.constant dense<0.000000e+00> : vector<10x256xf32>
    %reduce_sum3A_1584 = vector.multi_reduction <add>, %mul3A_1582, %reduce_sum3A_1583 [1] : vector<10x16x256xf32> to vector<10x256xf32>
    %swap3A_1585 = arith.constant 54 : index
    %swap3A_1586 = arith.constant 54 : index
    %swap3A_1587 = arith.constant 0 : index
    %swap3A_1588 = vector.load %arg5[%swap3A_1585, %swap3A_1586, %swap3A_1587] : memref<65x64x256xf32, #tpu.memory_space<vmem>>, vector<1x10x256xf32>
    %swap3A_1589 = vector.shape_cast %swap3A_1588 : vector<1x10x256xf32> to vector<10x256xf32>
    %swap3A_1590 = vector.shape_cast %reduce_sum3A_1584 : vector<10x256xf32> to vector<1x10x256xf32>
    tpu.vector_store %arg5[%swap3A_1585, %swap3A_1586, %swap3A_1587], %swap3A_1590 {strides = array<i32>} : memref<65x64x256xf32, #tpu.memory_space<vmem>>, vector<1x10x256xf32>,
    %broadcast_in_dim3A_1591 = arith.constant 0.000000e+00 : f32
    %broadcast_in_dim3A_1592 = vector.broadcast %broadcast_in_dim3A_1591 : f32 to vector<54x256xf32>
    %swap3A_1593 = arith.constant 55 : index
    %swap3A_1594 = arith.constant 0 : index
    %swap3A_1595 = arith.constant 0 : index
    %swap3A_1596 = vector.load %arg5[%swap3A_1593, %swap3A_1594, %swap3A_1595] : memref<65x64x256xf32, #tpu.memory_space<vmem>>, vector<1x54x256xf32>
    %swap3A_1597 = vector.shape_cast %swap3A_1596 : vector<1x54x256xf32> to vector<54x256xf32>
    %swap3A_1598 = vector.shape_cast %broadcast_in_dim3A_1592 : vector<54x256xf32> to vector<1x54x256xf32>
    tpu.vector_store %arg5[%swap3A_1593, %swap3A_1594, %swap3A_1595], %swap3A_1598 {strides = array<i32>} : memref<65x64x256xf32, #tpu.memory_space<vmem>>, vector<1x54x256xf32>,
    %slice3A_1599 = vector.extract_strided_slice %select_n3A {offsets = [54, 0], sizes = [1, 256], strides = [1, 1]} : vector<64x256xf32> to vector<1x256xf32>
    %swap3A_1600 = arith.constant 55 : index
    %swap3A_1601 = arith.constant 54 : index
    %swap3A_1602 = arith.constant 0 : index
    %swap3A_1603 = vector.load %arg5[%swap3A_1600, %swap3A_1601, %swap3A_1602] : memref<65x64x256xf32, #tpu.memory_space<vmem>>, vector<1x1x256xf32>
    %swap3A_1604 = vector.shape_cast %swap3A_1603 : vector<1x1x256xf32> to vector<1x256xf32>
    %swap3A_1605 = vector.shape_cast %slice3A_1599 : vector<1x256xf32> to vector<1x1x256xf32>
    tpu.vector_store %arg5[%swap3A_1600, %swap3A_1601, %swap3A_1602], %swap3A_1605 {strides = array<i32>} : memref<65x64x256xf32, #tpu.memory_space<vmem>>, vector<1x1x256xf32>,
    %slice3A_1606 = vector.extract_strided_slice %reshape3A {offsets = [54, 0, 0], sizes = [1, 16, 256], strides = [1, 1, 1]} : vector<64x16x256xf32> to vector<1x16x256xf32>
    %squeeze3A_1607 = vector.shape_cast %slice3A_1606 : vector<1x16x256xf32> to vector<16x256xf32>
    %slice3A_1608 = vector.extract_strided_slice %reshape3A {offsets = [55, 0, 0], sizes = [9, 16, 256], strides = [1, 1, 1]} : vector<64x16x256xf32> to vector<9x16x256xf32>
    %broadcast_in_dim3A_1609 = vector.shape_cast %squeeze3A_1607 : vector<16x256xf32> to vector<1x16x256xf32>
    %mul3A_1610 = vector.broadcast %broadcast_in_dim3A_1609 : vector<1x16x256xf32> to vector<9x16x256xf32>
    %mul3A_1611 = arith.mulf %slice3A_1608, %mul3A_1610 : vector<9x16x256xf32>
    %reduce_sum3A_1612 = arith.constant dense<0.000000e+00> : vector<9x256xf32>
    %reduce_sum3A_1613 = vector.multi_reduction <add>, %mul3A_1611, %reduce_sum3A_1612 [1] : vector<9x16x256xf32> to vector<9x256xf32>
    %swap3A_1614 = arith.constant 55 : index
    %swap3A_1615 = arith.constant 55 : index
    %swap3A_1616 = arith.constant 0 : index
    %swap3A_1617 = vector.load %arg5[%swap3A_1614, %swap3A_1615, %swap3A_1616] : memref<65x64x256xf32, #tpu.memory_space<vmem>>, vector<1x9x256xf32>
    %swap3A_1618 = vector.shape_cast %swap3A_1617 : vector<1x9x256xf32> to vector<9x256xf32>
    %swap3A_1619 = vector.shape_cast %reduce_sum3A_1613 : vector<9x256xf32> to vector<1x9x256xf32>
    tpu.vector_store %arg5[%swap3A_1614, %swap3A_1615, %swap3A_1616], %swap3A_1619 {strides = array<i32>} : memref<65x64x256xf32, #tpu.memory_space<vmem>>, vector<1x9x256xf32>,
    %broadcast_in_dim3A_1620 = arith.constant 0.000000e+00 : f32
    %broadcast_in_dim3A_1621 = vector.broadcast %broadcast_in_dim3A_1620 : f32 to vector<55x256xf32>
    %swap3A_1622 = arith.constant 56 : index
    %swap3A_1623 = arith.constant 0 : index
    %swap3A_1624 = arith.constant 0 : index
    %swap3A_1625 = vector.load %arg5[%swap3A_1622, %swap3A_1623, %swap3A_1624] : memref<65x64x256xf32, #tpu.memory_space<vmem>>, vector<1x55x256xf32>
    %swap3A_1626 = vector.shape_cast %swap3A_1625 : vector<1x55x256xf32> to vector<55x256xf32>
    %swap3A_1627 = vector.shape_cast %broadcast_in_dim3A_1621 : vector<55x256xf32> to vector<1x55x256xf32>
    tpu.vector_store %arg5[%swap3A_1622, %swap3A_1623, %swap3A_1624], %swap3A_1627 {strides = array<i32>} : memref<65x64x256xf32, #tpu.memory_space<vmem>>, vector<1x55x256xf32>,
    %slice3A_1628 = vector.extract_strided_slice %select_n3A {offsets = [55, 0], sizes = [1, 256], strides = [1, 1]} : vector<64x256xf32> to vector<1x256xf32>
    %swap3A_1629 = arith.constant 56 : index
    %swap3A_1630 = arith.constant 55 : index
    %swap3A_1631 = arith.constant 0 : index
    %swap3A_1632 = vector.load %arg5[%swap3A_1629, %swap3A_1630, %swap3A_1631] : memref<65x64x256xf32, #tpu.memory_space<vmem>>, vector<1x1x256xf32>
    %swap3A_1633 = vector.shape_cast %swap3A_1632 : vector<1x1x256xf32> to vector<1x256xf32>
    %swap3A_1634 = vector.shape_cast %slice3A_1628 : vector<1x256xf32> to vector<1x1x256xf32>
    tpu.vector_store %arg5[%swap3A_1629, %swap3A_1630, %swap3A_1631], %swap3A_1634 {strides = array<i32>} : memref<65x64x256xf32, #tpu.memory_space<vmem>>, vector<1x1x256xf32>,
    %slice3A_1635 = vector.extract_strided_slice %reshape3A {offsets = [55, 0, 0], sizes = [1, 16, 256], strides = [1, 1, 1]} : vector<64x16x256xf32> to vector<1x16x256xf32>
    %squeeze3A_1636 = vector.shape_cast %slice3A_1635 : vector<1x16x256xf32> to vector<16x256xf32>
    %slice3A_1637 = vector.extract_strided_slice %reshape3A {offsets = [56, 0, 0], sizes = [8, 16, 256], strides = [1, 1, 1]} : vector<64x16x256xf32> to vector<8x16x256xf32>
    %broadcast_in_dim3A_1638 = vector.shape_cast %squeeze3A_1636 : vector<16x256xf32> to vector<1x16x256xf32>
    %mul3A_1639 = vector.broadcast %broadcast_in_dim3A_1638 : vector<1x16x256xf32> to vector<8x16x256xf32>
    %mul3A_1640 = arith.mulf %slice3A_1637, %mul3A_1639 : vector<8x16x256xf32>
    %reduce_sum3A_1641 = arith.constant dense<0.000000e+00> : vector<8x256xf32>
    %reduce_sum3A_1642 = vector.multi_reduction <add>, %mul3A_1640, %reduce_sum3A_1641 [1] : vector<8x16x256xf32> to vector<8x256xf32>
    %swap3A_1643 = arith.constant 56 : index
    %swap3A_1644 = arith.constant 56 : index
    %swap3A_1645 = arith.constant 0 : index
    %swap3A_1646 = vector.load %arg5[%swap3A_1643, %swap3A_1644, %swap3A_1645] : memref<65x64x256xf32, #tpu.memory_space<vmem>>, vector<1x8x256xf32>
    %swap3A_1647 = vector.shape_cast %swap3A_1646 : vector<1x8x256xf32> to vector<8x256xf32>
    %swap3A_1648 = vector.shape_cast %reduce_sum3A_1642 : vector<8x256xf32> to vector<1x8x256xf32>
    tpu.vector_store %arg5[%swap3A_1643, %swap3A_1644, %swap3A_1645], %swap3A_1648 {strides = array<i32>} : memref<65x64x256xf32, #tpu.memory_space<vmem>>, vector<1x8x256xf32>,
    %broadcast_in_dim3A_1649 = arith.constant 0.000000e+00 : f32
    %broadcast_in_dim3A_1650 = vector.broadcast %broadcast_in_dim3A_1649 : f32 to vector<56x256xf32>
    %swap3A_1651 = arith.constant 57 : index
    %swap3A_1652 = arith.constant 0 : index
    %swap3A_1653 = arith.constant 0 : index
    %swap3A_1654 = vector.load %arg5[%swap3A_1651, %swap3A_1652, %swap3A_1653] : memref<65x64x256xf32, #tpu.memory_space<vmem>>, vector<1x56x256xf32>
    %swap3A_1655 = vector.shape_cast %swap3A_1654 : vector<1x56x256xf32> to vector<56x256xf32>
    %swap3A_1656 = vector.shape_cast %broadcast_in_dim3A_1650 : vector<56x256xf32> to vector<1x56x256xf32>
    tpu.vector_store %arg5[%swap3A_1651, %swap3A_1652, %swap3A_1653], %swap3A_1656 {strides = array<i32>} : memref<65x64x256xf32, #tpu.memory_space<vmem>>, vector<1x56x256xf32>,
    %slice3A_1657 = vector.extract_strided_slice %select_n3A {offsets = [56, 0], sizes = [1, 256], strides = [1, 1]} : vector<64x256xf32> to vector<1x256xf32>
    %swap3A_1658 = arith.constant 57 : index
    %swap3A_1659 = arith.constant 56 : index
    %swap3A_1660 = arith.constant 0 : index
    %swap3A_1661 = vector.load %arg5[%swap3A_1658, %swap3A_1659, %swap3A_1660] : memref<65x64x256xf32, #tpu.memory_space<vmem>>, vector<1x1x256xf32>
    %swap3A_1662 = vector.shape_cast %swap3A_1661 : vector<1x1x256xf32> to vector<1x256xf32>
    %swap3A_1663 = vector.shape_cast %slice3A_1657 : vector<1x256xf32> to vector<1x1x256xf32>
    tpu.vector_store %arg5[%swap3A_1658, %swap3A_1659, %swap3A_1660], %swap3A_1663 {strides = array<i32>} : memref<65x64x256xf32, #tpu.memory_space<vmem>>, vector<1x1x256xf32>,
    %slice3A_1664 = vector.extract_strided_slice %reshape3A {offsets = [56, 0, 0], sizes = [1, 16, 256], strides = [1, 1, 1]} : vector<64x16x256xf32> to vector<1x16x256xf32>
    %squeeze3A_1665 = vector.shape_cast %slice3A_1664 : vector<1x16x256xf32> to vector<16x256xf32>
    %slice3A_1666 = vector.extract_strided_slice %reshape3A {offsets = [57, 0, 0], sizes = [7, 16, 256], strides = [1, 1, 1]} : vector<64x16x256xf32> to vector<7x16x256xf32>
    %broadcast_in_dim3A_1667 = vector.shape_cast %squeeze3A_1665 : vector<16x256xf32> to vector<1x16x256xf32>
    %mul3A_1668 = vector.broadcast %broadcast_in_dim3A_1667 : vector<1x16x256xf32> to vector<7x16x256xf32>
    %mul3A_1669 = arith.mulf %slice3A_1666, %mul3A_1668 : vector<7x16x256xf32>
    %reduce_sum3A_1670 = arith.constant dense<0.000000e+00> : vector<7x256xf32>
    %reduce_sum3A_1671 = vector.multi_reduction <add>, %mul3A_1669, %reduce_sum3A_1670 [1] : vector<7x16x256xf32> to vector<7x256xf32>
    %swap3A_1672 = arith.constant 57 : index
    %swap3A_1673 = arith.constant 57 : index
    %swap3A_1674 = arith.constant 0 : index
    %swap3A_1675 = vector.load %arg5[%swap3A_1672, %swap3A_1673, %swap3A_1674] : memref<65x64x256xf32, #tpu.memory_space<vmem>>, vector<1x7x256xf32>
    %swap3A_1676 = vector.shape_cast %swap3A_1675 : vector<1x7x256xf32> to vector<7x256xf32>
    %swap3A_1677 = vector.shape_cast %reduce_sum3A_1671 : vector<7x256xf32> to vector<1x7x256xf32>
    tpu.vector_store %arg5[%swap3A_1672, %swap3A_1673, %swap3A_1674], %swap3A_1677 {strides = array<i32>} : memref<65x64x256xf32, #tpu.memory_space<vmem>>, vector<1x7x256xf32>,
    %broadcast_in_dim3A_1678 = arith.constant 0.000000e+00 : f32
    %broadcast_in_dim3A_1679 = vector.broadcast %broadcast_in_dim3A_1678 : f32 to vector<57x256xf32>
    %swap3A_1680 = arith.constant 58 : index
    %swap3A_1681 = arith.constant 0 : index
    %swap3A_1682 = arith.constant 0 : index
    %swap3A_1683 = vector.load %arg5[%swap3A_1680, %swap3A_1681, %swap3A_1682] : memref<65x64x256xf32, #tpu.memory_space<vmem>>, vector<1x57x256xf32>
    %swap3A_1684 = vector.shape_cast %swap3A_1683 : vector<1x57x256xf32> to vector<57x256xf32>
    %swap3A_1685 = vector.shape_cast %broadcast_in_dim3A_1679 : vector<57x256xf32> to vector<1x57x256xf32>
    tpu.vector_store %arg5[%swap3A_1680, %swap3A_1681, %swap3A_1682], %swap3A_1685 {strides = array<i32>} : memref<65x64x256xf32, #tpu.memory_space<vmem>>, vector<1x57x256xf32>,
    %slice3A_1686 = vector.extract_strided_slice %select_n3A {offsets = [57, 0], sizes = [1, 256], strides = [1, 1]} : vector<64x256xf32> to vector<1x256xf32>
    %swap3A_1687 = arith.constant 58 : index
    %swap3A_1688 = arith.constant 57 : index
    %swap3A_1689 = arith.constant 0 : index
    %swap3A_1690 = vector.load %arg5[%swap3A_1687, %swap3A_1688, %swap3A_1689] : memref<65x64x256xf32, #tpu.memory_space<vmem>>, vector<1x1x256xf32>
    %swap3A_1691 = vector.shape_cast %swap3A_1690 : vector<1x1x256xf32> to vector<1x256xf32>
    %swap3A_1692 = vector.shape_cast %slice3A_1686 : vector<1x256xf32> to vector<1x1x256xf32>
    tpu.vector_store %arg5[%swap3A_1687, %swap3A_1688, %swap3A_1689], %swap3A_1692 {strides = array<i32>} : memref<65x64x256xf32, #tpu.memory_space<vmem>>, vector<1x1x256xf32>,
    %slice3A_1693 = vector.extract_strided_slice %reshape3A {offsets = [57, 0, 0], sizes = [1, 16, 256], strides = [1, 1, 1]} : vector<64x16x256xf32> to vector<1x16x256xf32>
    %squeeze3A_1694 = vector.shape_cast %slice3A_1693 : vector<1x16x256xf32> to vector<16x256xf32>
    %slice3A_1695 = vector.extract_strided_slice %reshape3A {offsets = [58, 0, 0], sizes = [6, 16, 256], strides = [1, 1, 1]} : vector<64x16x256xf32> to vector<6x16x256xf32>
    %broadcast_in_dim3A_1696 = vector.shape_cast %squeeze3A_1694 : vector<16x256xf32> to vector<1x16x256xf32>
    %mul3A_1697 = vector.broadcast %broadcast_in_dim3A_1696 : vector<1x16x256xf32> to vector<6x16x256xf32>
    %mul3A_1698 = arith.mulf %slice3A_1695, %mul3A_1697 : vector<6x16x256xf32>
    %reduce_sum3A_1699 = arith.constant dense<0.000000e+00> : vector<6x256xf32>
    %reduce_sum3A_1700 = vector.multi_reduction <add>, %mul3A_1698, %reduce_sum3A_1699 [1] : vector<6x16x256xf32> to vector<6x256xf32>
    %swap3A_1701 = arith.constant 58 : index
    %swap3A_1702 = arith.constant 58 : index
    %swap3A_1703 = arith.constant 0 : index
    %swap3A_1704 = vector.load %arg5[%swap3A_1701, %swap3A_1702, %swap3A_1703] : memref<65x64x256xf32, #tpu.memory_space<vmem>>, vector<1x6x256xf32>
    %swap3A_1705 = vector.shape_cast %swap3A_1704 : vector<1x6x256xf32> to vector<6x256xf32>
    %swap3A_1706 = vector.shape_cast %reduce_sum3A_1700 : vector<6x256xf32> to vector<1x6x256xf32>
    tpu.vector_store %arg5[%swap3A_1701, %swap3A_1702, %swap3A_1703], %swap3A_1706 {strides = array<i32>} : memref<65x64x256xf32, #tpu.memory_space<vmem>>, vector<1x6x256xf32>,
    %broadcast_in_dim3A_1707 = arith.constant 0.000000e+00 : f32
    %broadcast_in_dim3A_1708 = vector.broadcast %broadcast_in_dim3A_1707 : f32 to vector<58x256xf32>
    %swap3A_1709 = arith.constant 59 : index
    %swap3A_1710 = arith.constant 0 : index
    %swap3A_1711 = arith.constant 0 : index
    %swap3A_1712 = vector.load %arg5[%swap3A_1709, %swap3A_1710, %swap3A_1711] : memref<65x64x256xf32, #tpu.memory_space<vmem>>, vector<1x58x256xf32>
    %swap3A_1713 = vector.shape_cast %swap3A_1712 : vector<1x58x256xf32> to vector<58x256xf32>
    %swap3A_1714 = vector.shape_cast %broadcast_in_dim3A_1708 : vector<58x256xf32> to vector<1x58x256xf32>
    tpu.vector_store %arg5[%swap3A_1709, %swap3A_1710, %swap3A_1711], %swap3A_1714 {strides = array<i32>} : memref<65x64x256xf32, #tpu.memory_space<vmem>>, vector<1x58x256xf32>,
    %slice3A_1715 = vector.extract_strided_slice %select_n3A {offsets = [58, 0], sizes = [1, 256], strides = [1, 1]} : vector<64x256xf32> to vector<1x256xf32>
    %swap3A_1716 = arith.constant 59 : index
    %swap3A_1717 = arith.constant 58 : index
    %swap3A_1718 = arith.constant 0 : index
    %swap3A_1719 = vector.load %arg5[%swap3A_1716, %swap3A_1717, %swap3A_1718] : memref<65x64x256xf32, #tpu.memory_space<vmem>>, vector<1x1x256xf32>
    %swap3A_1720 = vector.shape_cast %swap3A_1719 : vector<1x1x256xf32> to vector<1x256xf32>
    %swap3A_1721 = vector.shape_cast %slice3A_1715 : vector<1x256xf32> to vector<1x1x256xf32>
    tpu.vector_store %arg5[%swap3A_1716, %swap3A_1717, %swap3A_1718], %swap3A_1721 {strides = array<i32>} : memref<65x64x256xf32, #tpu.memory_space<vmem>>, vector<1x1x256xf32>,
    %slice3A_1722 = vector.extract_strided_slice %reshape3A {offsets = [58, 0, 0], sizes = [1, 16, 256], strides = [1, 1, 1]} : vector<64x16x256xf32> to vector<1x16x256xf32>
    %squeeze3A_1723 = vector.shape_cast %slice3A_1722 : vector<1x16x256xf32> to vector<16x256xf32>
    %slice3A_1724 = vector.extract_strided_slice %reshape3A {offsets = [59, 0, 0], sizes = [5, 16, 256], strides = [1, 1, 1]} : vector<64x16x256xf32> to vector<5x16x256xf32>
    %broadcast_in_dim3A_1725 = vector.shape_cast %squeeze3A_1723 : vector<16x256xf32> to vector<1x16x256xf32>
    %mul3A_1726 = vector.broadcast %broadcast_in_dim3A_1725 : vector<1x16x256xf32> to vector<5x16x256xf32>
    %mul3A_1727 = arith.mulf %slice3A_1724, %mul3A_1726 : vector<5x16x256xf32>
    %reduce_sum3A_1728 = arith.constant dense<0.000000e+00> : vector<5x256xf32>
    %reduce_sum3A_1729 = vector.multi_reduction <add>, %mul3A_1727, %reduce_sum3A_1728 [1] : vector<5x16x256xf32> to vector<5x256xf32>
    %swap3A_1730 = arith.constant 59 : index
    %swap3A_1731 = arith.constant 59 : index
    %swap3A_1732 = arith.constant 0 : index
    %swap3A_1733 = vector.load %arg5[%swap3A_1730, %swap3A_1731, %swap3A_1732] : memref<65x64x256xf32, #tpu.memory_space<vmem>>, vector<1x5x256xf32>
    %swap3A_1734 = vector.shape_cast %swap3A_1733 : vector<1x5x256xf32> to vector<5x256xf32>
    %swap3A_1735 = vector.shape_cast %reduce_sum3A_1729 : vector<5x256xf32> to vector<1x5x256xf32>
    tpu.vector_store %arg5[%swap3A_1730, %swap3A_1731, %swap3A_1732], %swap3A_1735 {strides = array<i32>} : memref<65x64x256xf32, #tpu.memory_space<vmem>>, vector<1x5x256xf32>,
    %broadcast_in_dim3A_1736 = arith.constant 0.000000e+00 : f32
    %broadcast_in_dim3A_1737 = vector.broadcast %broadcast_in_dim3A_1736 : f32 to vector<59x256xf32>
    %swap3A_1738 = arith.constant 60 : index
    %swap3A_1739 = arith.constant 0 : index
    %swap3A_1740 = arith.constant 0 : index
    %swap3A_1741 = vector.load %arg5[%swap3A_1738, %swap3A_1739, %swap3A_1740] : memref<65x64x256xf32, #tpu.memory_space<vmem>>, vector<1x59x256xf32>
    %swap3A_1742 = vector.shape_cast %swap3A_1741 : vector<1x59x256xf32> to vector<59x256xf32>
    %swap3A_1743 = vector.shape_cast %broadcast_in_dim3A_1737 : vector<59x256xf32> to vector<1x59x256xf32>
    tpu.vector_store %arg5[%swap3A_1738, %swap3A_1739, %swap3A_1740], %swap3A_1743 {strides = array<i32>} : memref<65x64x256xf32, #tpu.memory_space<vmem>>, vector<1x59x256xf32>,
    %slice3A_1744 = vector.extract_strided_slice %select_n3A {offsets = [59, 0], sizes = [1, 256], strides = [1, 1]} : vector<64x256xf32> to vector<1x256xf32>
    %swap3A_1745 = arith.constant 60 : index
    %swap3A_1746 = arith.constant 59 : index
    %swap3A_1747 = arith.constant 0 : index
    %swap3A_1748 = vector.load %arg5[%swap3A_1745, %swap3A_1746, %swap3A_1747] : memref<65x64x256xf32, #tpu.memory_space<vmem>>, vector<1x1x256xf32>
    %swap3A_1749 = vector.shape_cast %swap3A_1748 : vector<1x1x256xf32> to vector<1x256xf32>
    %swap3A_1750 = vector.shape_cast %slice3A_1744 : vector<1x256xf32> to vector<1x1x256xf32>
    tpu.vector_store %arg5[%swap3A_1745, %swap3A_1746, %swap3A_1747], %swap3A_1750 {strides = array<i32>} : memref<65x64x256xf32, #tpu.memory_space<vmem>>, vector<1x1x256xf32>,
    %slice3A_1751 = vector.extract_strided_slice %reshape3A {offsets = [59, 0, 0], sizes = [1, 16, 256], strides = [1, 1, 1]} : vector<64x16x256xf32> to vector<1x16x256xf32>
    %squeeze3A_1752 = vector.shape_cast %slice3A_1751 : vector<1x16x256xf32> to vector<16x256xf32>
    %slice3A_1753 = vector.extract_strided_slice %reshape3A {offsets = [60, 0, 0], sizes = [4, 16, 256], strides = [1, 1, 1]} : vector<64x16x256xf32> to vector<4x16x256xf32>
    %broadcast_in_dim3A_1754 = vector.shape_cast %squeeze3A_1752 : vector<16x256xf32> to vector<1x16x256xf32>
    %mul3A_1755 = vector.broadcast %broadcast_in_dim3A_1754 : vector<1x16x256xf32> to vector<4x16x256xf32>
    %mul3A_1756 = arith.mulf %slice3A_1753, %mul3A_1755 : vector<4x16x256xf32>
    %reduce_sum3A_1757 = arith.constant dense<0.000000e+00> : vector<4x256xf32>
    %reduce_sum3A_1758 = vector.multi_reduction <add>, %mul3A_1756, %reduce_sum3A_1757 [1] : vector<4x16x256xf32> to vector<4x256xf32>
    %swap3A_1759 = arith.constant 60 : index
    %swap3A_1760 = arith.constant 60 : index
    %swap3A_1761 = arith.constant 0 : index
    %swap3A_1762 = vector.load %arg5[%swap3A_1759, %swap3A_1760, %swap3A_1761] : memref<65x64x256xf32, #tpu.memory_space<vmem>>, vector<1x4x256xf32>
    %swap3A_1763 = vector.shape_cast %swap3A_1762 : vector<1x4x256xf32> to vector<4x256xf32>
    %swap3A_1764 = vector.shape_cast %reduce_sum3A_1758 : vector<4x256xf32> to vector<1x4x256xf32>
    tpu.vector_store %arg5[%swap3A_1759, %swap3A_1760, %swap3A_1761], %swap3A_1764 {strides = array<i32>} : memref<65x64x256xf32, #tpu.memory_space<vmem>>, vector<1x4x256xf32>,
    %broadcast_in_dim3A_1765 = arith.constant 0.000000e+00 : f32
    %broadcast_in_dim3A_1766 = vector.broadcast %broadcast_in_dim3A_1765 : f32 to vector<60x256xf32>
    %swap3A_1767 = arith.constant 61 : index
    %swap3A_1768 = arith.constant 0 : index
    %swap3A_1769 = arith.constant 0 : index
    %swap3A_1770 = vector.load %arg5[%swap3A_1767, %swap3A_1768, %swap3A_1769] : memref<65x64x256xf32, #tpu.memory_space<vmem>>, vector<1x60x256xf32>
    %swap3A_1771 = vector.shape_cast %swap3A_1770 : vector<1x60x256xf32> to vector<60x256xf32>
    %swap3A_1772 = vector.shape_cast %broadcast_in_dim3A_1766 : vector<60x256xf32> to vector<1x60x256xf32>
    tpu.vector_store %arg5[%swap3A_1767, %swap3A_1768, %swap3A_1769], %swap3A_1772 {strides = array<i32>} : memref<65x64x256xf32, #tpu.memory_space<vmem>>, vector<1x60x256xf32>,
    %slice3A_1773 = vector.extract_strided_slice %select_n3A {offsets = [60, 0], sizes = [1, 256], strides = [1, 1]} : vector<64x256xf32> to vector<1x256xf32>
    %swap3A_1774 = arith.constant 61 : index
    %swap3A_1775 = arith.constant 60 : index
    %swap3A_1776 = arith.constant 0 : index
    %swap3A_1777 = vector.load %arg5[%swap3A_1774, %swap3A_1775, %swap3A_1776] : memref<65x64x256xf32, #tpu.memory_space<vmem>>, vector<1x1x256xf32>
    %swap3A_1778 = vector.shape_cast %swap3A_1777 : vector<1x1x256xf32> to vector<1x256xf32>
    %swap3A_1779 = vector.shape_cast %slice3A_1773 : vector<1x256xf32> to vector<1x1x256xf32>
    tpu.vector_store %arg5[%swap3A_1774, %swap3A_1775, %swap3A_1776], %swap3A_1779 {strides = array<i32>} : memref<65x64x256xf32, #tpu.memory_space<vmem>>, vector<1x1x256xf32>,
    %slice3A_1780 = vector.extract_strided_slice %reshape3A {offsets = [60, 0, 0], sizes = [1, 16, 256], strides = [1, 1, 1]} : vector<64x16x256xf32> to vector<1x16x256xf32>
    %squeeze3A_1781 = vector.shape_cast %slice3A_1780 : vector<1x16x256xf32> to vector<16x256xf32>
    %slice3A_1782 = vector.extract_strided_slice %reshape3A {offsets = [61, 0, 0], sizes = [3, 16, 256], strides = [1, 1, 1]} : vector<64x16x256xf32> to vector<3x16x256xf32>
    %broadcast_in_dim3A_1783 = vector.shape_cast %squeeze3A_1781 : vector<16x256xf32> to vector<1x16x256xf32>
    %mul3A_1784 = vector.broadcast %broadcast_in_dim3A_1783 : vector<1x16x256xf32> to vector<3x16x256xf32>
    %mul3A_1785 = arith.mulf %slice3A_1782, %mul3A_1784 : vector<3x16x256xf32>
    %reduce_sum3A_1786 = arith.constant dense<0.000000e+00> : vector<3x256xf32>
    %reduce_sum3A_1787 = vector.multi_reduction <add>, %mul3A_1785, %reduce_sum3A_1786 [1] : vector<3x16x256xf32> to vector<3x256xf32>
    %swap3A_1788 = arith.constant 61 : index
    %swap3A_1789 = arith.constant 61 : index
    %swap3A_1790 = arith.constant 0 : index
    %swap3A_1791 = vector.load %arg5[%swap3A_1788, %swap3A_1789, %swap3A_1790] : memref<65x64x256xf32, #tpu.memory_space<vmem>>, vector<1x3x256xf32>
    %swap3A_1792 = vector.shape_cast %swap3A_1791 : vector<1x3x256xf32> to vector<3x256xf32>
    %swap3A_1793 = vector.shape_cast %reduce_sum3A_1787 : vector<3x256xf32> to vector<1x3x256xf32>
    tpu.vector_store %arg5[%swap3A_1788, %swap3A_1789, %swap3A_1790], %swap3A_1793 {strides = array<i32>} : memref<65x64x256xf32, #tpu.memory_space<vmem>>, vector<1x3x256xf32>,
    %broadcast_in_dim3A_1794 = arith.constant 0.000000e+00 : f32
    %broadcast_in_dim3A_1795 = vector.broadcast %broadcast_in_dim3A_1794 : f32 to vector<61x256xf32>
    %swap3A_1796 = arith.constant 62 : index
    %swap3A_1797 = arith.constant 0 : index
    %swap3A_1798 = arith.constant 0 : index
    %swap3A_1799 = vector.load %arg5[%swap3A_1796, %swap3A_1797, %swap3A_1798] : memref<65x64x256xf32, #tpu.memory_space<vmem>>, vector<1x61x256xf32>
    %swap3A_1800 = vector.shape_cast %swap3A_1799 : vector<1x61x256xf32> to vector<61x256xf32>
    %swap3A_1801 = vector.shape_cast %broadcast_in_dim3A_1795 : vector<61x256xf32> to vector<1x61x256xf32>
    tpu.vector_store %arg5[%swap3A_1796, %swap3A_1797, %swap3A_1798], %swap3A_1801 {strides = array<i32>} : memref<65x64x256xf32, #tpu.memory_space<vmem>>, vector<1x61x256xf32>,
    %slice3A_1802 = vector.extract_strided_slice %select_n3A {offsets = [61, 0], sizes = [1, 256], strides = [1, 1]} : vector<64x256xf32> to vector<1x256xf32>
    %swap3A_1803 = arith.constant 62 : index
    %swap3A_1804 = arith.constant 61 : index
    %swap3A_1805 = arith.constant 0 : index
    %swap3A_1806 = vector.load %arg5[%swap3A_1803, %swap3A_1804, %swap3A_1805] : memref<65x64x256xf32, #tpu.memory_space<vmem>>, vector<1x1x256xf32>
    %swap3A_1807 = vector.shape_cast %swap3A_1806 : vector<1x1x256xf32> to vector<1x256xf32>
    %swap3A_1808 = vector.shape_cast %slice3A_1802 : vector<1x256xf32> to vector<1x1x256xf32>
    tpu.vector_store %arg5[%swap3A_1803, %swap3A_1804, %swap3A_1805], %swap3A_1808 {strides = array<i32>} : memref<65x64x256xf32, #tpu.memory_space<vmem>>, vector<1x1x256xf32>,
    %slice3A_1809 = vector.extract_strided_slice %reshape3A {offsets = [61, 0, 0], sizes = [1, 16, 256], strides = [1, 1, 1]} : vector<64x16x256xf32> to vector<1x16x256xf32>
    %squeeze3A_1810 = vector.shape_cast %slice3A_1809 : vector<1x16x256xf32> to vector<16x256xf32>
    %slice3A_1811 = vector.extract_strided_slice %reshape3A {offsets = [62, 0, 0], sizes = [2, 16, 256], strides = [1, 1, 1]} : vector<64x16x256xf32> to vector<2x16x256xf32>
    %broadcast_in_dim3A_1812 = vector.shape_cast %squeeze3A_1810 : vector<16x256xf32> to vector<1x16x256xf32>
    %mul3A_1813 = vector.broadcast %broadcast_in_dim3A_1812 : vector<1x16x256xf32> to vector<2x16x256xf32>
    %mul3A_1814 = arith.mulf %slice3A_1811, %mul3A_1813 : vector<2x16x256xf32>
    %reduce_sum3A_1815 = arith.constant dense<0.000000e+00> : vector<2x256xf32>
    %reduce_sum3A_1816 = vector.multi_reduction <add>, %mul3A_1814, %reduce_sum3A_1815 [1] : vector<2x16x256xf32> to vector<2x256xf32>
    %swap3A_1817 = arith.constant 62 : index
    %swap3A_1818 = arith.constant 62 : index
    %swap3A_1819 = arith.constant 0 : index
    %swap3A_1820 = vector.load %arg5[%swap3A_1817, %swap3A_1818, %swap3A_1819] : memref<65x64x256xf32, #tpu.memory_space<vmem>>, vector<1x2x256xf32>
    %swap3A_1821 = vector.shape_cast %swap3A_1820 : vector<1x2x256xf32> to vector<2x256xf32>
    %swap3A_1822 = vector.shape_cast %reduce_sum3A_1816 : vector<2x256xf32> to vector<1x2x256xf32>
    tpu.vector_store %arg5[%swap3A_1817, %swap3A_1818, %swap3A_1819], %swap3A_1822 {strides = array<i32>} : memref<65x64x256xf32, #tpu.memory_space<vmem>>, vector<1x2x256xf32>,
    %broadcast_in_dim3A_1823 = arith.constant 0.000000e+00 : f32
    %broadcast_in_dim3A_1824 = vector.broadcast %broadcast_in_dim3A_1823 : f32 to vector<62x256xf32>
    %swap3A_1825 = arith.constant 63 : index
    %swap3A_1826 = arith.constant 0 : index
    %swap3A_1827 = arith.constant 0 : index
    %swap3A_1828 = vector.load %arg5[%swap3A_1825, %swap3A_1826, %swap3A_1827] : memref<65x64x256xf32, #tpu.memory_space<vmem>>, vector<1x62x256xf32>
    %swap3A_1829 = vector.shape_cast %swap3A_1828 : vector<1x62x256xf32> to vector<62x256xf32>
    %swap3A_1830 = vector.shape_cast %broadcast_in_dim3A_1824 : vector<62x256xf32> to vector<1x62x256xf32>
    tpu.vector_store %arg5[%swap3A_1825, %swap3A_1826, %swap3A_1827], %swap3A_1830 {strides = array<i32>} : memref<65x64x256xf32, #tpu.memory_space<vmem>>, vector<1x62x256xf32>,
    %slice3A_1831 = vector.extract_strided_slice %select_n3A {offsets = [62, 0], sizes = [1, 256], strides = [1, 1]} : vector<64x256xf32> to vector<1x256xf32>
    %swap3A_1832 = arith.constant 63 : index
    %swap3A_1833 = arith.constant 62 : index
    %swap3A_1834 = arith.constant 0 : index
    %swap3A_1835 = vector.load %arg5[%swap3A_1832, %swap3A_1833, %swap3A_1834] : memref<65x64x256xf32, #tpu.memory_space<vmem>>, vector<1x1x256xf32>
    %swap3A_1836 = vector.shape_cast %swap3A_1835 : vector<1x1x256xf32> to vector<1x256xf32>
    %swap3A_1837 = vector.shape_cast %slice3A_1831 : vector<1x256xf32> to vector<1x1x256xf32>
    tpu.vector_store %arg5[%swap3A_1832, %swap3A_1833, %swap3A_1834], %swap3A_1837 {strides = array<i32>} : memref<65x64x256xf32, #tpu.memory_space<vmem>>, vector<1x1x256xf32>,
    %slice3A_1838 = vector.extract_strided_slice %reshape3A {offsets = [62, 0, 0], sizes = [1, 16, 256], strides = [1, 1, 1]} : vector<64x16x256xf32> to vector<1x16x256xf32>
    %squeeze3A_1839 = vector.shape_cast %slice3A_1838 : vector<1x16x256xf32> to vector<16x256xf32>
    %slice3A_1840 = vector.extract_strided_slice %reshape3A {offsets = [63, 0, 0], sizes = [1, 16, 256], strides = [1, 1, 1]} : vector<64x16x256xf32> to vector<1x16x256xf32>
    %broadcast_in_dim3A_1841 = vector.shape_cast %squeeze3A_1839 : vector<16x256xf32> to vector<1x16x256xf32>
    %mul3A_1842 = arith.mulf %slice3A_1840, %broadcast_in_dim3A_1841 : vector<1x16x256xf32>
    %reduce_sum3A_1843 = arith.constant dense<0.000000e+00> : vector<1x256xf32>
    %reduce_sum3A_1844 = vector.multi_reduction <add>, %mul3A_1842, %reduce_sum3A_1843 [1] : vector<1x16x256xf32> to vector<1x256xf32>
    %swap3A_1845 = arith.constant 63 : index
    %swap3A_1846 = arith.constant 63 : index
    %swap3A_1847 = arith.constant 0 : index
    %swap3A_1848 = vector.load %arg5[%swap3A_1845, %swap3A_1846, %swap3A_1847] : memref<65x64x256xf32, #tpu.memory_space<vmem>>, vector<1x1x256xf32>
    %swap3A_1849 = vector.shape_cast %swap3A_1848 : vector<1x1x256xf32> to vector<1x256xf32>
    %swap3A_1850 = vector.shape_cast %reduce_sum3A_1844 : vector<1x256xf32> to vector<1x1x256xf32>
    tpu.vector_store %arg5[%swap3A_1845, %swap3A_1846, %swap3A_1847], %swap3A_1850 {strides = array<i32>} : memref<65x64x256xf32, #tpu.memory_space<vmem>>, vector<1x1x256xf32>,
    %broadcast_in_dim3A_1851 = arith.constant 0.000000e+00 : f32
    %broadcast_in_dim3A_1852 = vector.broadcast %broadcast_in_dim3A_1851 : f32 to vector<63x256xf32>
    %swap3A_1853 = arith.constant 64 : index
    %swap3A_1854 = arith.constant 0 : index
    %swap3A_1855 = arith.constant 0 : index
    %swap3A_1856 = vector.load %arg5[%swap3A_1853, %swap3A_1854, %swap3A_1855] : memref<65x64x256xf32, #tpu.memory_space<vmem>>, vector<1x63x256xf32>
    %swap3A_1857 = vector.shape_cast %swap3A_1856 : vector<1x63x256xf32> to vector<63x256xf32>
    %swap3A_1858 = vector.shape_cast %broadcast_in_dim3A_1852 : vector<63x256xf32> to vector<1x63x256xf32>
    tpu.vector_store %arg5[%swap3A_1853, %swap3A_1854, %swap3A_1855], %swap3A_1858 {strides = array<i32>} : memref<65x64x256xf32, #tpu.memory_space<vmem>>, vector<1x63x256xf32>,
    %slice3A_1859 = vector.extract_strided_slice %select_n3A {offsets = [63, 0], sizes = [1, 256], strides = [1, 1]} : vector<64x256xf32> to vector<1x256xf32>
    %swap3A_1860 = arith.constant 64 : index
    %swap3A_1861 = arith.constant 63 : index
    %swap3A_1862 = arith.constant 0 : index
    %swap3A_1863 = vector.load %arg5[%swap3A_1860, %swap3A_1861, %swap3A_1862] : memref<65x64x256xf32, #tpu.memory_space<vmem>>, vector<1x1x256xf32>
    %swap3A_1864 = vector.shape_cast %swap3A_1863 : vector<1x1x256xf32> to vector<1x256xf32>
    %swap3A_1865 = vector.shape_cast %slice3A_1859 : vector<1x256xf32> to vector<1x1x256xf32>
    tpu.vector_store %arg5[%swap3A_1860, %swap3A_1861, %swap3A_1862], %swap3A_1865 {strides = array<i32>} : memref<65x64x256xf32, #tpu.memory_space<vmem>>, vector<1x1x256xf32>,
    return
  }
  func.func @transform_0(%arg0: i32) -> (i32, i32) {
    %c0_i32 = arith.constant 0 : i32
    %c0_i32_0 = arith.constant 0 : i32
    return %arg0, %c0_i32 : i32, i32
  }
  func.func @transform_1(%arg0: i32) -> (i32, i32) {
    %c0_i32 = arith.constant 0 : i32
    %c0_i32_0 = arith.constant 0 : i32
    return %arg0, %c0_i32 : i32, i32
  }
  func.func @transform_2(%arg0: i32) -> (i32, i32) {
    %c0_i32 = arith.constant 0 : i32
    %c0_i32_0 = arith.constant 0 : i32
    return %arg0, %c0_i32 : i32, i32
  }
  func.func @transform_3(%arg0: i32) -> (i32, i32) {
    %c0_i32 = arith.constant 0 : i32
    %c0_i32_0 = arith.constant 0 : i32
    return %c0_i32, %arg0 : i32, i32
  }
  func.func @transform_4(%arg0: i32) -> (i32, i32, i32) {
    %c0_i32 = arith.constant 0 : i32
    %c0_i32_0 = arith.constant 0 : i32
    %c0_i32_1 = arith.constant 0 : i32
    return %c0_i32, %c0_i32_0, %arg0 : i32, i32, i32
  }
}

</mosaic_0001>

<sc_bundles>
// kernel: kernel.6.cloned.1.call-start
scs
__scs_entry_jumppad:
0x0: {  	(pc) =	sbr.rel $0x88, $3  }
0x1: {  	(tag) =	ssettag $0x0;
	lr =	simm.s32 $0x1  }
0x2: {  	[smem:$0x3F9D] =	sst lr;
	_ =	strace $0xD0000000  }
0x3: {  	_ = 	snop  }
0x4: {  	_ = 	snop  }
0x5: {  	_ = 	snop  }
0x6: {  	_ = 	snop  }
0x7: {  	_ = 	snop  }
__scs_overlays_trampoline_lowered:
0x8: {  	[smem:$0x3FAC] =	sst s0  }
0x9: {  	[smem:$0x3FAD] =	sst s1  }
0xa: {  	[smem:$0x3FAE] =	sst s2  }
0xb: {  	[smem:$0x3FAF] =	sst s3  }
0xc: {  	[smem:$0x3FB0] =	sst s4  }
0xd: {  	[smem:$0x3FB1] =	sst s5  }
0xe: {  	[smem:$0x3FB2] =	sst s6  }
0xf: {  	[smem:$0x3FB3] =	sst s7  }
0x10: {  	[smem:$0x3FB4] =	sst s8  }
0x11: {  	[smem:$0x3FB5] =	sst s9;
	s0 =	simm.s32 @!p0 $0x0  }
0x12: {  	s1 =	sld [smem:$0x3F9B];
	s0 =	simm.s32 @p0 $0x1  }
0x13: {  	[smem:$0x3FB6] =	sst s0;
	s0 =	simm.s32 @!p1 $0x0  }
0x14: {  	s2 =	sld [smem:$0x3F9A];
	s0 =	simm.s32 @p1 $0x1  }
0x15: {  	[smem:$0x3FB7] =	sst s0;
	s0 =	simm.s32 @!p2 $0x0  }
0x16: {  	s3 =	sld [smem:$0x3FDB];
	s0 =	simm.s32 @p2 $0x1  }
0x17: {  	s4 =	simm.s32 $0x1BF5;
	[smem:$0x3FB9] =	sst s0  }
0x18: {  	s0 =	sld [smem:$0x3F9C];
	_ =	swait.ge [sflag:s4], $0x0  }
0x19: {  	s7 =	sld [smem:$0x3F9D]  }
0x1a: {  	s8 =	sadd.s32 $0xFFFFE003, lr  }
0x1b: {  	s9 =	sadd.s32 $0xFFFFFEF7, lr;
	s5 =	simm.s32 $0xFFFFFFFF;
	p2 =	slt.u32 s8, $0xFFFFF086  }
0x1c: {  	p1 =	slt.u32 s9, $0xF7A;
	s5 =	simm.s32 @!p2 $0x0  }
0x1d: {  	s5 =	simm.s32 @p1 $0x1;
	p0 =	seq.s32 s7, s2  }
0x1e: {  	s7 =	smul.u32 @!p0 $0xF7A, s2;
	p2 =	seq.s32 @!p0 s5, $0x0  }
0x1f: {  	s9 =	smul.u32 $0xF7A, s1;
	s8 =	simm.s32 @!p0 $0x1BF5;
	p2 =	por !p2, p0  }
0x20: {  	[sflag:s8] =	ssyncset.s32 @!p0 $0xFFFFF086;
	s6 =	sadd.s32 @!p0 s3, s7;
	s7 =	simm.s32 @!p0 $0x108  }
0x21: {  	s3 =	sadd.s32 s3, s9;
	s6 =	sadd.s32 @!p0 $0x88, s6;
	s7 =	simm.s32 @p2 $0x1082  }
0x22: {  	[simem:s7], [sflag:s8] =	dma.local @!p0 [hbm:s6], $0xF7A  }
0x23: {  	s9 =	sor.u32 $0xD0000000, s2;
	s6 =	simm.s32 $0x108;
	_ =	swait.ge @!p0 [sflag:s8], $0x0  }
0x24: {  	s3 =	sadd.s32 $0x88, s3;
	s6 =	simm.s32 @!p1 $0x1082;
	[sflag:s4] =	ssyncset.s32 $0xFFFFF086  }
0x25: {  	[simem:s6], [sflag:s4] =	dma.local [hbm:s3], $0xF7A  }
0x26: {  	[smem:$0x3F9D] =	sst s1;
	(tag) =	ssettag s2;
	_ =	strace s9  }
0x27: {  	s1 =	sld [smem:$0x3FAD]  }
0x28: {  	s2 =	sld [smem:$0x3FAE]  }
0x29: {  	s4 =	sld [smem:$0x3FB0]  }
0x2a: {  	p0 =	seq.s32 s5, $0x0;
	s5 =	sld [smem:$0x3FB1]  }
0x2b: {  	s6 =	sld [smem:$0x3FB2]  }
0x2c: {  	s7 =	sld [smem:$0x3FB3]  }
0x2d: {  	s3 =	simm.s32 $0x108;
	s8 =	sld [smem:$0x3FB4]  }
0x2e: {  	s3 =	simm.s32 @!p0 $0x1082;
	s9 =	sld [smem:$0x3FB5]  }
0x2f: {  	lr =	sadd.s32 s0, s3;
	s0 =	sld [smem:$0x3FAC]  }
0x30: {  	s3 =	sld [smem:$0x3FAF]  }
0x31: {  	[smem:$0x3FB8] =	sst s10  }
0x32: {  	s10 =	sld [smem:$0x3FB6];
	_ =	sdelay $0x3  }
0x33: {  	p0 =	seq.s32 s10, $0x1;
	s10 =	sld [smem:$0x3FB8];
	_ =	sdelay $0x3  }
0x34: {  	[smem:$0x3FB8] =	sst s10  }
0x35: {  	s10 =	sld [smem:$0x3FB7];
	_ =	sdelay $0x3  }
0x36: {  	p1 =	seq.s32 s10, $0x1;
	s10 =	sld [smem:$0x3FB8];
	_ =	sdelay $0x3  }
0x37: {  	[smem:$0x3FB8] =	sst s10  }
0x38: {  	s10 =	sld [smem:$0x3FB9]  }
0x39: {  	_ = 	snop;
	(pc) =	sbr.ind lr, $3  }
0x3a: {  	_ = 	snop  }
0x3b: {  	_ = 	snop  }
0x3c: {  	p2 =	seq.s32 s10, $0x1;
	s10 =	sld [smem:$0x3FB8]  }
0x3d: {  	_ =	shalt  }
0x3e: {  	_ =	shalt  }
0x3f: {  	_ =	shalt  }
0x40: {  	_ =	shalt  }
0x41: {  	_ =	shalt  }
0x42: {  	_ =	shalt  }
0x43: {  	_ =	shalt  }
0x44: {  	_ =	shalt  }
0x45: {  	_ =	shalt  }
0x46: {  	_ =	shalt  }
0x47: {  	_ =	shalt  }
0x48: {  	_ =	shalt  }
0x49: {  	_ =	shalt  }
0x4a: {  	_ =	shalt  }
0x4b: {  	_ =	shalt  }
0x4c: {  	_ =	shalt  }
0x4d: {  	_ =	shalt  }
0x4e: {  	_ =	shalt  }
0x4f: {  	_ =	shalt  }
0x50: {  	_ =	shalt  }
0x51: {  	_ =	shalt  }
0x52: {  	_ =	shalt  }
0x53: {  	_ =	shalt  }
0x54: {  	_ =	shalt  }
0x55: {  	_ =	shalt  }
0x56: {  	_ =	shalt  }
0x57: {  	_ =	shalt  }
0x58: {  	_ =	shalt  }
0x59: {  	_ =	shalt  }
0x5a: {  	_ =	shalt  }
0x5b: {  	_ =	shalt  }
0x5c: {  	_ =	shalt  }
0x5d: {  	_ =	shalt  }
0x5e: {  	_ =	shalt  }
0x5f: {  	_ =	shalt  }
0x60: {  	_ =	shalt  }
0x61: {  	_ =	shalt  }
0x62: {  	_ =	shalt  }
0x63: {  	_ =	shalt  }
0x64: {  	_ =	shalt  }
0x65: {  	_ =	shalt  }
0x66: {  	_ =	shalt  }
0x67: {  	_ =	shalt  }
0x68: {  	_ =	shalt  }
0x69: {  	_ =	shalt  }
0x6a: {  	_ =	shalt  }
0x6b: {  	_ =	shalt  }
0x6c: {  	_ =	shalt  }
0x6d: {  	_ =	shalt  }
0x6e: {  	_ =	shalt  }
0x6f: {  	_ =	shalt  }
0x70: {  	_ =	shalt  }
0x71: {  	_ =	shalt  }
0x72: {  	_ =	shalt  }
0x73: {  	_ =	shalt  }
0x74: {  	_ =	shalt  }
0x75: {  	_ =	shalt  }
0x76: {  	_ =	shalt  }
0x77: {  	_ =	shalt  }
0x78: {  	_ =	shalt  }
0x79: {  	_ =	shalt  }
0x7a: {  	_ =	shalt  }
0x7b: {  	_ =	shalt  }
0x7c: {  	_ =	shalt  }
0x7d: {  	_ =	shalt  }
0x7e: {  	_ =	shalt  }
0x7f: {  	_ =	shalt  }
0x80: {  	_ =	shalt  }
0x81: {  	_ =	shalt  }
0x82: {  	_ =	shalt  }
0x83: {  	_ =	shalt  }
0x84: {  	_ =	shalt  }
0x85: {  	_ =	shalt  }
0x86: {  	_ =	shalt  }
0x87: {  	_ =	shalt  }
.Lfunc_end0:
.L_simem_size_0:
called_computation_lowered:
.L_overlay_start_0:
0x88: {  	s2 =	sld [smem:$0x3FD9]  }
0x89: {  	s3 =	sld [smem:$0x3FFE];
	_ =	sdelay $0x1  }
0x8a: {  	s1 =	srdreg.scid  }
0x8b: {  	s0 =	sand.u32 $0x1, s1  }
0x8c: {  	s17 =	sshll.u32 s0, $0xA;
	s2 =	sadd.s32 s3, s2  }
0x8d: {  	s2 =	sadd.s32 s2, s17  }
0x8e: {  	[smem:$0x3FC4] =	sst s2  }
0x8f: {  	_ = 	snop  }
0x90: {  	s18 =	sld [smem:$0x3FD0];
	(tm) =	ssettm $0x1  }
0x91: {  	s19 =	sld [smem:$0x3FFB];
	_ =	sdelay $0x3  }
0x92: {  	_ =	strace s19  }
0x93: {  	s2 =	sld [smem:$0x3FFC];
	_ =	sdelay $0x3  }
0x94: {  	_ =	strace s2  }
0x95: {  	s2 =	sld [smem:$0x3FFD];
	_ =	sdelay $0x3  }
0x96: {  	_ =	strace s2  }
0x97: {  	_ =	strace $0x8FFFFFFF  }
0x98: {  	s20 =	sld [smem:$0x3FDB];
	_ =	sdelay $0x1  }
0x99: {  	s4 =	simm.s32 $_scs_section_size  }
0x9a: {  	s5 =	simm.s32 $_size__tile_overlayer_lowered;
	s6 =	simm.s32 $_tile_overlayer_lowered  }
0x9b: {  	s7 =	simm.s32 $0x1BFF;
	s21 =	sshll.u32 s6, $0x1;
	s4 =	sadd.s32 s4, s20  }
0x9c: {  	s22 =	simm.s32 $0x0;
	s5 =	sshll.u32 s5, $0x1;
	s6 =	sadd.s32 s21, s4  }
0x9d: {  	[timem:s22], [sflag:s7] =	dma.local [hbm:s6], s5  }
0x9e: {  	_ =	swait.ge [sflag:s7], s5  }
0x9f: {  	s5 =	ssub.s32 $0x0, s5;
	[sflag:s7] =	ssyncset.done $0x0  }
0xa0: {  	[sflag:s7] =	ssyncadd.s32 s5;
	_ =	sdelay $0x1  }
0xa1: {  	s23 =	simm.s32 $0x1B8B  }
0xa2: {  	_ =	swait.ge [sflag:s23], $0x1  }
0xa3: {  	[sflag:s23] =	ssyncset.done $0x0  }
0xa4: {  	[sflag:s23] =	ssyncadd.s32 $0xFFFFFFFF  }
0xa5: {  	s5 =	sld [smem:$0x0]  }
0xa6: {  	s6 =	sand.u32 $0xFFFFFFFE, s1  }
0xa7: {  	p0 =	sne.s32 s1, s6  }
0xa8: {  	s6 =	sshll.u32 @p0 s6, $0xE  }
0xa9: {  	s6 =	sadd.s32 @p0 $0x11B8D, s6;
	s7 =	sshll.u32 @p0 s5, $0x11  }
0xaa: {  	s6 =	sor.u32 @p0 s7, s6  }
0xab: {  	[sflag:s6] =	ssyncadd.remote.s32 @p0 $0x1;
	_ =	sdelay $0x1  }
0xac: {  	s6 =	simm.s32 @p0 $0x1B8D  }
0xad: {  	_ =	swait.eq @p0 [sflag:s6], $0x1  }
0xae: {  	[sflag:s6] =	ssyncadd.s32 @p0 $0xFFFFFFFF  }
0xaf: {  	s7 =	sshll.u32 @!p0 s1, $0xE  }
0xb0: {  	s7 =	sor.u32 @!p0 $0x4000, s7;
	s6 =	simm.s32 @!p0 $0x1B8D  }
0xb1: {  	s5 =	sshll.u32 @!p0 s5, $0x11;
	s7 =	sadd.s32 @!p0 $0x11B8D, s7;
	_ =	swait.eq @!p0 [sflag:s6], $0x1  }
0xb2: {  	s5 =	sor.u32 @!p0 s5, s7;
	[sflag:s6] =	ssyncadd.s32 @!p0 $0xFFFFFFFF  }
0xb3: {  	s25 =	simm.s32 $0x1B8E;
	s24 =	sld [smem:$0x3FFE];
	[sflag:s5] =	ssyncadd.remote.s32 @!p0 $0x1  }
0xb4: {  	s26 =	simm.s32 $execute0_lowered;
	[smem:$0x3FD2] =	sst s25  }
0xb5: {  	s6 =	sshll.u32 s26, $0x1;
	_ =	strace $0x80000049;
	[dreg:$0x1] =	wrdreg $0xFFFFFFFF  }
0xb6: {  	s28 =	simm.s32 $_size_execute0_lowered;
	s4 =	sadd.s32 s4, s6;
	[dreg:$0x0] =	wrdreg $0x0  }
0xb7: {  	s6 =	sshll.u32 s28, $0x1;
	[dreg:$0x2] =	wrdreg s4  }
0xb8: {  	[dreg:$0x3] =	wrdreg s6  }
0xb9: {  	[dreg:$0x4] =	wrdreg $0xC0  }
0xba: {  	_ =	task [dreg:s22], $0x5FFFF  }
0xbb: {  	[dreg:$0x1] =	wrdreg $0xFFFFFFFF  }
0xbc: {  	[dreg:$0x0] =	wrdreg $0x60  }
0xbd: {  	[dreg:$0x2] =	wrdreg s24  }
0xbe: {  	[dreg:$0x3] =	wrdreg s18  }
0xbf: {  	[dreg:$0x4] =	wrdreg $0x9  }
0xc0: {  	_ =	task.clear_ibuf [dreg:s22], $0x5FFFF;
	_ =	strace $0x90000049  }
0xc1: {  	s29 =	simm.s32 $0x9;
	_ =	strace $0x8000004B  }
0xc2: {  	_ =	swait.ge [sflag:s29], $0x1  }
0xc3: {  	[sflag:s29] =	ssyncadd.s32 $0xFFFFFFFF  }
0xc4: {  	_ =	strace $0x9000004B  }
0xc5: {  	_ =	sfence  }
0xc6: {  	s30 =	sld [smem:$0x0];
	_ =	sdelay $0x2  }
0xc7: {  	s31 =	sshll.u32 s1, $0xD;
	s1 =	sshrl.u32 s1, $0x2  }
0xc8: {  	s4 =	sand.u32 $0x4000, s31;
	s1 =	sadd.s32 s1, s30  }
0xc9: {  	s0 =	sor.u32 s4, s0;
	s1 =	sshll.u32 s1, $0x11  }
0xca: {  	s0 =	sor.u32 s1, s0  }
0xcb: {  	s0 =	sadd.s32 $0x8F2B, s0  }
0xcc: {  	[sflag:s0] =	ssyncadd.remote.s32 $0x1  }
0xcd: {  	_ =	sfence.sel $0xFFFF  }
0xce: {  	[dreg:$0x0] =	wrdreg $0xFFFFFFFF;
	(pc) =	sbr.abs _section_cstart, $3  }
0xcf: {  	[dreg:$0x1] =	wrdreg $0xFFFFFFFF  }
0xd0: {  	_ =	task.clear_ibuf [dreg:s22], $0x2FFFF;
	_ =	strace $0x9FFFFFFF  }
0xd1: {  	(tm) =	ssettm $0x7FFFFFFF  }
tec
execute0_lowered:
.L_overlay_start_1:
0x0: {  	(tag) =	ssettag $0x1  }
0x1: {  	s1 =	srdreg.scid  }
0x2: {  	s0 =	stileid.u32;
	s11 =	sand.u32 $0x1, s1  }
0x3: {  	s12 =	rddreg [dreg:$0x0];
	s30 =	sshll.u32 s0, $0x8;
	s2 =	sshll.u32 s11, $0x7  }
0x4: {  	s10 =	rddreg [dreg:$0x1];
	s13 =	sor.u32 s2, s30  }
0x5: {  	s1 =	rddreg [dreg:$0x2];
	s2 =	simm.s32 $0x0;
	s3 =	sshrl.u32 s13, $0x3  }
0x6: {  	[smem:$0x7FF] =	sst s2;
	s3 =	sadd.s32 s3, s12  }
0x7: {  	_ =	strace $0x8000004A;
	s4 =	sadd.s32 $0xE3D600, s3;
	s3 =	simm.s32 $0x3  }
0x8: {  	[tilespmem:s2], [sflag:$0x3] =	stream.linear.gather [hbm4b:s4+s2], $0x80, $0x38;
	[tilespmem:$0x8080] =	vst v63  }
0x9: {  	_ =	swait.ge [sflag:s3], $0x80  }
0xa: {  	[sflag:s3] =	ssyncset.done $0x0  }
0xb: {  	s6 =	simm.s32 $0x80;
	s5 =	sadd.s32 $0xCB6A00, s12;
	[sflag:s3] =	ssyncadd.s32 $0xFFFFFF80  }
0xc: {  	[tilespmem:s6], [sflag:$0x1] =	stream.indirect.gather [hbm4b:s5+s6], $0x80, s2, s6, $0xb8;
	[tilespmem:$0x8080] =	vst v63  }
0xd: {  	s8 =	simm.s32 $0x4080;
	s9 =	simm.s32 $0x1;
	s7 =	sadd.s32 $0xD7A000, s12  }
0xe: {  	[tilespmem:s8], [sflag:$0x2] =	stream.indirect.gather [hbm4b:s7+s6], $0x80, s2, s6, $0xb8;
	[tilespmem:$0x8080] =	vst v63  }
0xf: {  	_ =	swait.ge [sflag:s9], $0x4000  }
0x10: {  	s13 =	sshll.u32 s13, $0x4;
	[sflag:s9] =	ssyncset.done $0x0  }
0x11: {  	s14 =	ssub.s32 $0x2, s11;
	s10 =	sadd.s32 s10, s13;
	[sflag:s9] =	ssyncadd.s32 $0xFFFFC000  }
0x12: {  	[hbm4b:s10+s2] =	stream.linear.scatter [tilespmem:s6], [sflag:$0x3], $0x4000, $0x38;
	[tilespmem:$0x8080] =	vst v63  }
0x13: {  	s15 =	sshrl.u32 s14, $0x1;
	_ =	swait.ge [sflag:s3], $0x4000  }
0x14: {  	s11 =	simm.s32 $0x2;
	s31 =	ssub.s32 s14, s15;
	[sflag:s3] =	ssyncset.done $0x0  }
0x15: {  	s12 =	sadd.s32 s13, s12;
	s13 =	smax.u32 s31, $0x1;
	[sflag:s3] =	ssyncadd.s32 $0xFFFFC000  }
0x16: {  	p0 =	sne.s32 s13, $0x1;
	_ =	swait.ge [sflag:s11], $0x4000  }
.Ltmp0:
0x17: {  	[sflag:s11] =	ssyncset.done $0x0;
	(pc) =	sbr.rel @!p0 .LBB2_2-.Ltmp0, $4  }
0x18: {  	s12 =	sadd.s32 $0xE3D800, s12;
	[sflag:s11] =	ssyncadd.s32 $0xFFFFC000  }
0x19: {  	[hbm4b:s12+s2] =	stream.linear.scatter [tilespmem:s8], [sflag:$0x3], $0x4000, $0x38;
	[tilespmem:$0x8080] =	vst v63  }
0x1a: {  	_ =	swait.ge [sflag:s3], $0x4000  }
0x1b: {  	s13 =	sadd.s32 $0xFFFFFFFF, s13;
	[sflag:s3] =	ssyncset.done $0x0  }
.LBB2_1:
0x1c: {  	p0 =	sne.s32 s13, $0x1;
	s13 =	sadd.s32 $0xFFFFFFFF, s13;
	[sflag:s3] =	ssyncadd.s32 $0xFFFFC000  }
0x1d: {  	[tilespmem:s2], [sflag:$0x3] =	stream.linear.gather [hbm4b:s4+s2], $0x80, $0x38;
	[tilespmem:$0x8080] =	vst v63  }
0x1e: {  	_ =	swait.ge [sflag:s3], $0x80  }
0x1f: {  	[sflag:s3] =	ssyncset.done $0x0  }
0x20: {  	[sflag:s3] =	ssyncadd.s32 $0xFFFFFF80  }
0x21: {  	[tilespmem:s6], [sflag:$0x1] =	stream.indirect.gather [hbm4b:s5+s6], $0x80, s2, s6, $0xb8;
	[tilespmem:$0x8080] =	vst v63  }
0x22: {  	_ = 	snop  }
0x23: {  	[tilespmem:s8], [sflag:$0x2] =	stream.indirect.gather [hbm4b:s7+s6], $0x80, s2, s6, $0xb8;
	[tilespmem:$0x8080] =	vst v63  }
0x24: {  	_ =	swait.ge [sflag:s9], $0x4000  }
0x25: {  	[sflag:s9] =	ssyncset.done $0x0  }
0x26: {  	[sflag:s9] =	ssyncadd.s32 $0xFFFFC000  }
0x27: {  	[hbm4b:s10+s2] =	stream.linear.scatter [tilespmem:s6], [sflag:$0x3], $0x4000, $0x38;
	[tilespmem:$0x8080] =	vst v63  }
0x28: {  	_ =	swait.ge [sflag:s3], $0x4000  }
0x29: {  	[sflag:s3] =	ssyncset.done $0x0  }
0x2a: {  	[sflag:s3] =	ssyncadd.s32 $0xFFFFC000  }
0x2b: {  	_ =	swait.ge [sflag:s11], $0x4000  }
.Ltmp1:
0x2c: {  	[sflag:s11] =	ssyncset.done $0x0;
	(pc) =	sbr.rel @p0 .LBB2_1-.Ltmp1, $4  }
0x2d: {  	[sflag:s11] =	ssyncadd.s32 $0xFFFFC000  }
0x2e: {  	[hbm4b:s12+s2] =	stream.linear.scatter [tilespmem:s8], [sflag:$0x3], $0x4000, $0x38;
	[tilespmem:$0x8080] =	vst v63  }
0x2f: {  	_ =	swait.ge [sflag:s3], $0x4000  }
0x30: {  	[sflag:s3] =	ssyncset.done $0x0  }
.LBB2_2:
0x31: {  	[sflag:s3] =	ssyncadd.s32 $0xFFFFC000  }
0x32: {  	_ =	sfence.sel $0x180000  }
0x33: {  	[bflag:$0x0] =	sbarrier.arrive $0xFFFF  }
0x34: {  	p0 =	sne.s32 s0, $0x0;
	_ =	strace $0x9000004A  }
0x35: {  	s0 =	sadd.s32 @!p0 $0x100000, s1;
	[bflag:$0x2] =	sbarrier.arrive $0xFFFF  }
0x36: {  	[sflag:s0] =	ssyncadd.tile.s32 @!p0 $0x1;
	_ =	shalt  }
.Lfunc_end2:
_tile_overlayer_lowered:
.L_overlay_start_2:
0x37: {  	(tag) =	ssettag $0x2  }
0x38: {  	s0 =	rddreg [dreg:$0x0];
	s2 =	stileid.u32  }
0x39: {  	s1 =	rddreg [dreg:$0x1];
	p0 =	sne.s32 s2, $0x0  }
0x3a: {  	s3 =	rddreg [dreg:$0x2];
	[bflag:$0x3] =	sbarrier.arrive $0xFFFF;
	s2 =	simm.s32 @!p0 $0x1C03  }
0x3b: {  	[timem:s3], [sflag:s2] =	dma.local @!p0 [hbm:s0], s1  }
0x3c: {  	s0 =	simm.s32 @!p0 $0x3  }
0x3d: {  	_ =	swait.ge @!p0 [sflag:s0], s1  }
0x3e: {  	s1 =	ssub.s32 @!p0 $0x0, s1;
	[sflag:s0] =	ssyncset.done @!p0 $0x0  }
0x3f: {  	[sflag:s0] =	ssyncadd.s32 @!p0 s1  }
0x40: {  	[bflag:$0x3] =	sbarrier.arrive $0xFFFF  }
0x41: {  	_ =	shalt  }

// kernel: kernel.9.cloned.1.call-start
scs
__scs_entry_jumppad:
0x0: {  	(pc) =	sbr.rel $0x88, $3  }
0x1: {  	(tag) =	ssettag $0x0;
	lr =	simm.s32 $0x1  }
0x2: {  	[smem:$0x3F9D] =	sst lr;
	_ =	strace $0xD0000000  }
0x3: {  	_ = 	snop  }
0x4: {  	_ = 	snop  }
0x5: {  	_ = 	snop  }
0x6: {  	_ = 	snop  }
0x7: {  	_ = 	snop  }
__scs_overlays_trampoline_lowered:
0x8: {  	[smem:$0x3FAC] =	sst s0  }
0x9: {  	[smem:$0x3FAD] =	sst s1  }
0xa: {  	[smem:$0x3FAE] =	sst s2  }
0xb: {  	[smem:$0x3FAF] =	sst s3  }
0xc: {  	[smem:$0x3FB0] =	sst s4  }
0xd: {  	[smem:$0x3FB1] =	sst s5  }
0xe: {  	[smem:$0x3FB2] =	sst s6  }
0xf: {  	[smem:$0x3FB3] =	sst s7  }
0x10: {  	[smem:$0x3FB4] =	sst s8  }
0x11: {  	[smem:$0x3FB5] =	sst s9;
	s0 =	simm.s32 @!p0 $0x0  }
0x12: {  	s1 =	sld [smem:$0x3F9B];
	s0 =	simm.s32 @p0 $0x1  }
0x13: {  	[smem:$0x3FB6] =	sst s0;
	s0 =	simm.s32 @!p1 $0x0  }
0x14: {  	s2 =	sld [smem:$0x3F9A];
	s0 =	simm.s32 @p1 $0x1  }
0x15: {  	[smem:$0x3FB7] =	sst s0;
	s0 =	simm.s32 @!p2 $0x0  }
0x16: {  	s3 =	sld [smem:$0x3FDB];
	s0 =	simm.s32 @p2 $0x1  }
0x17: {  	s4 =	simm.s32 $0x1BF5;
	[smem:$0x3FB9] =	sst s0  }
0x18: {  	s0 =	sld [smem:$0x3F9C];
	_ =	swait.ge [sflag:s4], $0x0  }
0x19: {  	s7 =	sld [smem:$0x3F9D]  }
0x1a: {  	s8 =	sadd.s32 $0xFFFFE003, lr  }
0x1b: {  	s9 =	sadd.s32 $0xFFFFFEF7, lr;
	s5 =	simm.s32 $0xFFFFFFFF;
	p2 =	slt.u32 s8, $0xFFFFF086  }
0x1c: {  	p1 =	slt.u32 s9, $0xF7A;
	s5 =	simm.s32 @!p2 $0x0  }
0x1d: {  	s5 =	simm.s32 @p1 $0x1;
	p0 =	seq.s32 s7, s2  }
0x1e: {  	s7 =	smul.u32 @!p0 $0xF7A, s2;
	p2 =	seq.s32 @!p0 s5, $0x0  }
0x1f: {  	s9 =	smul.u32 $0xF7A, s1;
	s8 =	simm.s32 @!p0 $0x1BF5;
	p2 =	por !p2, p0  }
0x20: {  	[sflag:s8] =	ssyncset.s32 @!p0 $0xFFFFF086;
	s6 =	sadd.s32 @!p0 s3, s7;
	s7 =	simm.s32 @!p0 $0x108  }
0x21: {  	s3 =	sadd.s32 s3, s9;
	s6 =	sadd.s32 @!p0 $0x88, s6;
	s7 =	simm.s32 @p2 $0x1082  }
0x22: {  	[simem:s7], [sflag:s8] =	dma.local @!p0 [hbm:s6], $0xF7A  }
0x23: {  	s9 =	sor.u32 $0xD0000000, s2;
	s6 =	simm.s32 $0x108;
	_ =	swait.ge @!p0 [sflag:s8], $0x0  }
0x24: {  	s3 =	sadd.s32 $0x88, s3;
	s6 =	simm.s32 @!p1 $0x1082;
	[sflag:s4] =	ssyncset.s32 $0xFFFFF086  }
0x25: {  	[simem:s6], [sflag:s4] =	dma.local [hbm:s3], $0xF7A  }
0x26: {  	[smem:$0x3F9D] =	sst s1;
	(tag) =	ssettag s2;
	_ =	strace s9  }
0x27: {  	s1 =	sld [smem:$0x3FAD]  }
0x28: {  	s2 =	sld [smem:$0x3FAE]  }
0x29: {  	s4 =	sld [smem:$0x3FB0]  }
0x2a: {  	p0 =	seq.s32 s5, $0x0;
	s5 =	sld [smem:$0x3FB1]  }
0x2b: {  	s6 =	sld [smem:$0x3FB2]  }
0x2c: {  	s7 =	sld [smem:$0x3FB3]  }
0x2d: {  	s3 =	simm.s32 $0x108;
	s8 =	sld [smem:$0x3FB4]  }
0x2e: {  	s3 =	simm.s32 @!p0 $0x1082;
	s9 =	sld [smem:$0x3FB5]  }
0x2f: {  	lr =	sadd.s32 s0, s3;
	s0 =	sld [smem:$0x3FAC]  }
0x30: {  	s3 =	sld [smem:$0x3FAF]  }
0x31: {  	[smem:$0x3FB8] =	sst s10  }
0x32: {  	s10 =	sld [smem:$0x3FB6];
	_ =	sdelay $0x3  }
0x33: {  	p0 =	seq.s32 s10, $0x1;
	s10 =	sld [smem:$0x3FB8];
	_ =	sdelay $0x3  }
0x34: {  	[smem:$0x3FB8] =	sst s10  }
0x35: {  	s10 =	sld [smem:$0x3FB7];
	_ =	sdelay $0x3  }
0x36: {  	p1 =	seq.s32 s10, $0x1;
	s10 =	sld [smem:$0x3FB8];
	_ =	sdelay $0x3  }
0x37: {  	[smem:$0x3FB8] =	sst s10  }
0x38: {  	s10 =	sld [smem:$0x3FB9]  }
0x39: {  	_ = 	snop;
	(pc) =	sbr.ind lr, $3  }
0x3a: {  	_ = 	snop  }
0x3b: {  	_ = 	snop  }
0x3c: {  	p2 =	seq.s32 s10, $0x1;
	s10 =	sld [smem:$0x3FB8]  }
0x3d: {  	_ =	shalt  }
0x3e: {  	_ =	shalt  }
0x3f: {  	_ =	shalt  }
0x40: {  	_ =	shalt  }
0x41: {  	_ =	shalt  }
0x42: {  	_ =	shalt  }
0x43: {  	_ =	shalt  }
0x44: {  	_ =	shalt  }
0x45: {  	_ =	shalt  }
0x46: {  	_ =	shalt  }
0x47: {  	_ =	shalt  }
0x48: {  	_ =	shalt  }
0x49: {  	_ =	shalt  }
0x4a: {  	_ =	shalt  }
0x4b: {  	_ =	shalt  }
0x4c: {  	_ =	shalt  }
0x4d: {  	_ =	shalt  }
0x4e: {  	_ =	shalt  }
0x4f: {  	_ =	shalt  }
0x50: {  	_ =	shalt  }
0x51: {  	_ =	shalt  }
0x52: {  	_ =	shalt  }
0x53: {  	_ =	shalt  }
0x54: {  	_ =	shalt  }
0x55: {  	_ =	shalt  }
0x56: {  	_ =	shalt  }
0x57: {  	_ =	shalt  }
0x58: {  	_ =	shalt  }
0x59: {  	_ =	shalt  }
0x5a: {  	_ =	shalt  }
0x5b: {  	_ =	shalt  }
0x5c: {  	_ =	shalt  }
0x5d: {  	_ =	shalt  }
0x5e: {  	_ =	shalt  }
0x5f: {  	_ =	shalt  }
0x60: {  	_ =	shalt  }
0x61: {  	_ =	shalt  }
0x62: {  	_ =	shalt  }
0x63: {  	_ =	shalt  }
0x64: {  	_ =	shalt  }
0x65: {  	_ =	shalt  }
0x66: {  	_ =	shalt  }
0x67: {  	_ =	shalt  }
0x68: {  	_ =	shalt  }
0x69: {  	_ =	shalt  }
0x6a: {  	_ =	shalt  }
0x6b: {  	_ =	shalt  }
0x6c: {  	_ =	shalt  }
0x6d: {  	_ =	shalt  }
0x6e: {  	_ =	shalt  }
0x6f: {  	_ =	shalt  }
0x70: {  	_ =	shalt  }
0x71: {  	_ =	shalt  }
0x72: {  	_ =	shalt  }
0x73: {  	_ =	shalt  }
0x74: {  	_ =	shalt  }
0x75: {  	_ =	shalt  }
0x76: {  	_ =	shalt  }
0x77: {  	_ =	shalt  }
0x78: {  	_ =	shalt  }
0x79: {  	_ =	shalt  }
0x7a: {  	_ =	shalt  }
0x7b: {  	_ =	shalt  }
0x7c: {  	_ =	shalt  }
0x7d: {  	_ =	shalt  }
0x7e: {  	_ =	shalt  }
0x7f: {  	_ =	shalt  }
0x80: {  	_ =	shalt  }
0x81: {  	_ =	shalt  }
0x82: {  	_ =	shalt  }
0x83: {  	_ =	shalt  }
0x84: {  	_ =	shalt  }
0x85: {  	_ =	shalt  }
0x86: {  	_ =	shalt  }
0x87: {  	_ =	shalt  }
.Lfunc_end0:
.L_simem_size_0:
called_computation.1_lowered:
.L_overlay_start_0:
0x88: {  	s2 =	sld [smem:$0x3FD9]  }
0x89: {  	s3 =	sld [smem:$0x3FFE];
	_ =	sdelay $0x1  }
0x8a: {  	s1 =	srdreg.scid  }
0x8b: {  	s0 =	sand.u32 $0x1, s1  }
0x8c: {  	s17 =	sshll.u32 s0, $0xA;
	s2 =	sadd.s32 s3, s2  }
0x8d: {  	s2 =	sadd.s32 s2, s17  }
0x8e: {  	[smem:$0x3FC4] =	sst s2  }
0x8f: {  	_ = 	snop  }
0x90: {  	s2 =	sld [smem:$0x3FC9];
	(tm) =	ssettm $0x1  }
0x91: {  	s18 =	sld [smem:$0x3FFB];
	_ =	sdelay $0x3  }
0x92: {  	_ =	strace s18  }
0x93: {  	s3 =	sld [smem:$0x3FFC];
	_ =	sdelay $0x3  }
0x94: {  	_ =	strace s3  }
0x95: {  	s3 =	sld [smem:$0x3FFD];
	_ =	sdelay $0x3  }
0x96: {  	_ =	strace s3  }
0x97: {  	_ =	strace $0x8FFFFFFF  }
0x98: {  	s19 =	sld [smem:$0x3FDB];
	_ =	sdelay $0x1  }
0x99: {  	s4 =	simm.s32 $_scs_section_size  }
0x9a: {  	s5 =	simm.s32 $_size__tile_overlayer_lowered;
	s6 =	simm.s32 $_tile_overlayer_lowered  }
0x9b: {  	s22 =	simm.s32 $0x1BFF;
	s21 =	sshll.u32 s6, $0x1;
	s3 =	sadd.s32 s4, s19  }
0x9c: {  	s7 =	simm.s32 $0x0;
	s20 =	sshll.u32 s5, $0x1;
	s5 =	sadd.s32 s21, s3  }
0x9d: {  	[timem:s7], [sflag:s22] =	dma.local [hbm:s5], s20  }
0x9e: {  	_ =	swait.ge [sflag:s22], s20  }
0x9f: {  	s4 =	ssub.s32 $0x0, s20;
	[sflag:s22] =	ssyncset.done $0x0  }
0xa0: {  	[sflag:s22] =	ssyncadd.s32 s4;
	_ =	sdelay $0x1  }
0xa1: {  	s23 =	simm.s32 $0x1B8B  }
0xa2: {  	_ =	swait.ge [sflag:s23], $0x1  }
0xa3: {  	[sflag:s23] =	ssyncset.done $0x0  }
0xa4: {  	s25 =	simm.s32 $0x1B8E;
	s24 =	sld [smem:$0x3FFE];
	[sflag:s23] =	ssyncadd.s32 $0xFFFFFFFF  }
0xa5: {  	s26 =	simm.s32 $execute0_lowered;
	[smem:$0x3FD2] =	sst s25  }
0xa6: {  	s5 =	sshll.u32 s26, $0x1;
	_ =	strace $0x80000046;
	[dreg:$0x1] =	wrdreg $0xFFFFFFFF  }
0xa7: {  	s28 =	simm.s32 $_size_execute0_lowered;
	s3 =	sadd.s32 s3, s5;
	[dreg:$0x0] =	wrdreg $0x0  }
0xa8: {  	s5 =	sshll.u32 s28, $0x1;
	[dreg:$0x2] =	wrdreg s3  }
0xa9: {  	[dreg:$0x3] =	wrdreg s5  }
0xaa: {  	[dreg:$0x4] =	wrdreg $0xC0  }
0xab: {  	_ =	task [dreg:s7], $0x5FFFF  }
0xac: {  	[dreg:$0x1] =	wrdreg $0xFFFFFFFF  }
0xad: {  	[dreg:$0x0] =	wrdreg $0x60  }
0xae: {  	[dreg:$0x2] =	wrdreg s2  }
0xaf: {  	[dreg:$0x3] =	wrdreg s24  }
0xb0: {  	[dreg:$0x4] =	wrdreg $0xA  }
0xb1: {  	_ =	task.clear_ibuf [dreg:s7], $0x5FFFF;
	_ =	strace $0x90000046  }
0xb2: {  	s29 =	simm.s32 $0xA;
	_ =	strace $0x80000048  }
0xb3: {  	_ =	swait.ge [sflag:s29], $0x1  }
0xb4: {  	[sflag:s29] =	ssyncadd.s32 $0xFFFFFFFF  }
0xb5: {  	_ =	strace $0x90000048  }
0xb6: {  	_ =	sfence  }
0xb7: {  	s30 =	sld [smem:$0x0];
	_ =	sdelay $0x2  }
0xb8: {  	s31 =	sshll.u32 s1, $0xD;
	s1 =	sshrl.u32 s1, $0x2  }
0xb9: {  	s3 =	sand.u32 $0x4000, s31;
	s1 =	sadd.s32 s1, s30  }
0xba: {  	s0 =	sor.u32 s3, s0;
	s1 =	sshll.u32 s1, $0x11  }
0xbb: {  	s0 =	sor.u32 s1, s0  }
0xbc: {  	s0 =	sadd.s32 $0x8F2B, s0  }
0xbd: {  	[sflag:s0] =	ssyncadd.remote.s32 $0x1  }
0xbe: {  	_ =	sfence.sel $0xFFFF  }
0xbf: {  	[dreg:$0x0] =	wrdreg $0xFFFFFFFF;
	(pc) =	sbr.abs _section_cstart, $3  }
0xc0: {  	[dreg:$0x1] =	wrdreg $0xFFFFFFFF  }
0xc1: {  	_ =	task.clear_ibuf [dreg:s7], $0x2FFFF;
	_ =	strace $0x9FFFFFFF  }
0xc2: {  	(tm) =	ssettm $0x7FFFFFFF  }
0xc3: {  	_ =	shalt  }
tec
execute0_lowered:
.L_overlay_start_1:
0x0: {  	(tag) =	ssettag $0x1  }
0x1: {  	s0 =	rddreg [dreg:$0x0]  }
0x2: {  	s1 =	rddreg [dreg:$0x1];
	s3 =	srdreg.scid  }
0x3: {  	s2 =	simm.s32 $0x0;
	s5 =	stileid.u32;
	s18 =	simm.s32 $0x1  }
0x4: {  	s20 =	simm.s32 $0x880;
	s21 =	simm.s32 $0x1080;
	s22 =	simm.s32 $0x1880  }
0x5: {  	s28 =	simm.s32 $0x4080;
	s29 =	simm.s32 $0x4880;
	s30 =	simm.s32 $0x5080  }
0x6: {  	s31 =	simm.s32 $0x5880;
	s10 =	simm.s32 $0x7080;
	s11 =	simm.s32 $0x7880  }
0x7: {  	s12 =	simm.s32 $0x8080;
	s13 =	simm.s32 $0x8880;
	s14 =	simm.s32 $0x9080  }
0x8: {  	s15 =	simm.s32 $0x9880;
	s16 =	simm.s32 $0xA080;
	s17 =	simm.s32 $0xA880  }
0x9: {  	s9 =	simm.s32 $0xB080;
	s4 =	sand.u32 $0x1, s3;
	[smem:$0x7FF] =	sst s2  }
0xa: {  	s23 =	sshll.u32 s5, $0x8;
	s3 =	sadd.s32 $0x1A00, s1;
	s24 =	sshll.u32 s4, $0x7  }
0xb: {  	_ =	strace $0x80000047;
	s4 =	ssub.s32 $0x2, s4;
	s5 =	sor.u32 s24, s23  }
0xc: {  	s7 =	sshrl.u32 s4, $0x1;
	s23 =	simm.s32 $0x2080;
	s24 =	simm.s32 $0x2880  }
0xd: {  	s6 =	sshrl.u32 s5, $0x3;
	s5 =	sshll.u32 s5, $0x7;
	s7 =	ssub.s32 s4, s7  }
0xe: {  	s4 =	sadd.s32 $0x1B00, s1;
	s0 =	sadd.s32 s0, s6;
	s8 =	sadd.s32 s5, s1  }
0xf: {  	s5 =	sadd.s32 $0x1C00, s1;
	s6 =	sadd.s32 $0x1D00, s1;
	s7 =	smax.u32 s7, $0x1  }
0x10: {  	v2 =	vlaneseq.u32;
	[dreg:$0x3] =	wrdreg s0;
	s25 =	sadd.s32 $0xC36A00, s8;
	s26 =	sadd.s32 $0xC38A00, s8  }
0x11: {  	vm0 =	vmmov $0xffff;
	v1 =	vshrl.u32 v2, $0x3;
	s8 =	simm.s32 $0x2;
	s0 =	simm.s32 $0x80;
	[dreg:$0x4] =	wrdreg s25  }
0x12: {  	v0 =	vand.u32 $0x7, v2;
	v2 =	vor.u32 $0x8, v2;
	v1 =	vmul.u32 $0x8, v1;
	[dreg:$0x5] =	wrdreg s26;
	s25 =	simm.s32 $0x3080;
	s26 =	simm.s32 $0x3880  }
.LBB2_1:
0x13: {  	s19 =	rddreg [dreg:$0x3]  }
0x14: {  	[tilespmem:s2], [sflag:$0x2] =	stream.linear.gather [hbm4b:s19+s2], $0x80, $0x38;
	[tilespmem:$0x10080] =	vst v63  }
0x15: {  	_ =	swait.ge [sflag:s8], $0x80  }
0x16: {  	[sflag:s8] =	ssyncset.done $0x0  }
0x17: {  	[sflag:s8] =	ssyncadd.s32 $0xFFFFFF80  }
0x18: {  	v3 =	vld [tilespmem:$0x0];
	_ =	sdelay $0x4  }
0x19: {  	v4 =	vshll.u32 v3, $0x3  }
0x1a: {  	v3 =	vand.u32 $0x7, v3;
	v4 =	vand.u32 $0xFFFFFFC0, v4  }
0x1b: {  	v3 =	vor.u32 v3, v4  }
0x1c: {  	v4 =	vperm.xlane v3, v0;
	_ =	sdelay $0x1  }
0x1d: {  	v4 =	vadd.s32 v1, v4;
	_ =	sdelay $0x4  }
0x1e: {  	[tilespmem:s0], [sflag:$0x1] =	stream.indirect_vreg.gather [hbm4b:s3+s2], $0x80, v4, vm0, $0xb8;
	[tilespmem:$0x10080] =	vst v63  }
0x1f: {  	v3 =	vperm.xlane v3, v2  }
0x20: {  	[tilespmem:s20], [sflag:$0x1] =	stream.indirect_vreg.gather [hbm4b:s4+s2], $0x80, v4, vm0, $0xb8;
	[tilespmem:$0x10080] =	vst v63  }
0x21: {  	v3 =	vadd.s32 v1, v3  }
0x22: {  	[tilespmem:s21], [sflag:$0x1] =	stream.indirect_vreg.gather [hbm4b:s5+s2], $0x80, v4, vm0, $0xb8;
	[tilespmem:$0x10080] =	vst v63  }
0x23: {  	_ = 	snop  }
0x24: {  	[tilespmem:s22], [sflag:$0x1] =	stream.indirect_vreg.gather [hbm4b:s6+s2], $0x80, v4, vm0, $0xb8;
	[tilespmem:$0x10080] =	vst v63  }
0x25: {  	_ = 	snop  }
0x26: {  	[tilespmem:s23], [sflag:$0x1] =	stream.indirect_vreg.gather [hbm4b:s3+s2], $0x80, v3, vm0, $0xb8;
	[tilespmem:$0x10080] =	vst v63  }
0x27: {  	_ = 	snop  }
0x28: {  	[tilespmem:s24], [sflag:$0x1] =	stream.indirect_vreg.gather [hbm4b:s4+s2], $0x80, v3, vm0, $0xb8;
	[tilespmem:$0x10080] =	vst v63  }
0x29: {  	_ = 	snop  }
0x2a: {  	[tilespmem:s25], [sflag:$0x1] =	stream.indirect_vreg.gather [hbm4b:s5+s2], $0x80, v3, vm0, $0xb8;
	[tilespmem:$0x10080] =	vst v63  }
0x2b: {  	_ = 	snop  }
0x2c: {  	[tilespmem:s26], [sflag:$0x1] =	stream.indirect_vreg.gather [hbm4b:s6+s2], $0x80, v3, vm0, $0xb8;
	[tilespmem:$0x10080] =	vst v63  }
0x2d: {  	v3 =	vld [tilespmem:$0x10];
	_ =	sdelay $0x4  }
0x2e: {  	v57 =	vshll.u32 v3, $0x3  }
0x2f: {  	v3 =	vand.u32 $0x7, v3;
	v4 =	vand.u32 $0xFFFFFFC0, v57  }
0x30: {  	v3 =	vor.u32 v3, v4  }
0x31: {  	v4 =	vperm.xlane v3, v0;
	_ =	sdelay $0x1  }
0x32: {  	v4 =	vadd.s32 v1, v4;
	_ =	sdelay $0x4  }
0x33: {  	[tilespmem:s28], [sflag:$0x1] =	stream.indirect_vreg.gather [hbm4b:s3+s2], $0x80, v4, vm0, $0xb8;
	[tilespmem:$0x10080] =	vst v63  }
0x34: {  	v3 =	vperm.xlane v3, v2  }
0x35: {  	[tilespmem:s29], [sflag:$0x1] =	stream.indirect_vreg.gather [hbm4b:s4+s2], $0x80, v4, vm0, $0xb8;
	[tilespmem:$0x10080] =	vst v63  }
0x36: {  	v3 =	vadd.s32 v1, v3  }
0x37: {  	[tilespmem:s30], [sflag:$0x1] =	stream.indirect_vreg.gather [hbm4b:s5+s2], $0x80, v4, vm0, $0xb8;
	[tilespmem:$0x10080] =	vst v63  }
0x38: {  	_ = 	snop  }
0x39: {  	[tilespmem:s31], [sflag:$0x1] =	stream.indirect_vreg.gather [hbm4b:s6+s2], $0x80, v4, vm0, $0xb8;
	[tilespmem:$0x10080] =	vst v63  }
0x3a: {  	s1 =	simm.s32 $0x6080  }
0x3b: {  	[tilespmem:s1], [sflag:$0x1] =	stream.indirect_vreg.gather [hbm4b:s3+s2], $0x80, v3, vm0, $0xb8;
	[tilespmem:$0x10080] =	vst v63  }
0x3c: {  	s1 =	simm.s32 $0x6880  }
0x3d: {  	[tilespmem:s1], [sflag:$0x1] =	stream.indirect_vreg.gather [hbm4b:s4+s2], $0x80, v3, vm0, $0xb8;
	[tilespmem:$0x10080] =	vst v63  }
0x3e: {  	_ = 	snop  }
0x3f: {  	[tilespmem:s10], [sflag:$0x1] =	stream.indirect_vreg.gather [hbm4b:s5+s2], $0x80, v3, vm0, $0xb8;
	[tilespmem:$0x10080] =	vst v63  }
0x40: {  	_ = 	snop  }
0x41: {  	[tilespmem:s11], [sflag:$0x1] =	stream.indirect_vreg.gather [hbm4b:s6+s2], $0x80, v3, vm0, $0xb8;
	[tilespmem:$0x10080] =	vst v63  }
0x42: {  	v3 =	vld [tilespmem:$0x20];
	_ =	sdelay $0x4  }
0x43: {  	v58 =	vshll.u32 v3, $0x3  }
0x44: {  	v3 =	vand.u32 $0x7, v3;
	v4 =	vand.u32 $0xFFFFFFC0, v58  }
0x45: {  	v3 =	vor.u32 v3, v4  }
0x46: {  	v4 =	vperm.xlane v3, v0;
	_ =	sdelay $0x1  }
0x47: {  	v4 =	vadd.s32 v1, v4;
	_ =	sdelay $0x4  }
0x48: {  	[tilespmem:s12], [sflag:$0x1] =	stream.indirect_vreg.gather [hbm4b:s3+s2], $0x80, v4, vm0, $0xb8;
	[tilespmem:$0x10080] =	vst v63  }
0x49: {  	v3 =	vperm.xlane v3, v2  }
0x4a: {  	[tilespmem:s13], [sflag:$0x1] =	stream.indirect_vreg.gather [hbm4b:s4+s2], $0x80, v4, vm0, $0xb8;
	[tilespmem:$0x10080] =	vst v63  }
0x4b: {  	v3 =	vadd.s32 v1, v3  }
0x4c: {  	[tilespmem:s14], [sflag:$0x1] =	stream.indirect_vreg.gather [hbm4b:s5+s2], $0x80, v4, vm0, $0xb8;
	[tilespmem:$0x10080] =	vst v63  }
0x4d: {  	_ = 	snop  }
0x4e: {  	[tilespmem:s15], [sflag:$0x1] =	stream.indirect_vreg.gather [hbm4b:s6+s2], $0x80, v4, vm0, $0xb8;
	[tilespmem:$0x10080] =	vst v63  }
0x4f: {  	_ = 	snop  }
0x50: {  	[tilespmem:s16], [sflag:$0x1] =	stream.indirect_vreg.gather [hbm4b:s3+s2], $0x80, v3, vm0, $0xb8;
	[tilespmem:$0x10080] =	vst v63  }
0x51: {  	_ = 	snop  }
0x52: {  	[tilespmem:s17], [sflag:$0x1] =	stream.indirect_vreg.gather [hbm4b:s4+s2], $0x80, v3, vm0, $0xb8;
	[tilespmem:$0x10080] =	vst v63  }
0x53: {  	_ = 	snop  }
0x54: {  	[tilespmem:s9], [sflag:$0x1] =	stream.indirect_vreg.gather [hbm4b:s5+s2], $0x80, v3, vm0, $0xb8;
	[tilespmem:$0x10080] =	vst v63  }
0x55: {  	s19 =	simm.s32 $0xB880  }
0x56: {  	[tilespmem:s19], [sflag:$0x1] =	stream.indirect_vreg.gather [hbm4b:s6+s2], $0x80, v3, vm0, $0xb8;
	[tilespmem:$0x10080] =	vst v63  }
0x57: {  	v3 =	vld [tilespmem:$0x30];
	_ =	sdelay $0x4  }
0x58: {  	v59 =	vshll.u32 v3, $0x3  }
0x59: {  	v3 =	vand.u32 $0x7, v3;
	v4 =	vand.u32 $0xFFFFFFC0, v59  }
0x5a: {  	v3 =	vor.u32 v3, v4  }
0x5b: {  	v4 =	vperm.xlane v3, v0;
	_ =	sdelay $0x1  }
0x5c: {  	v4 =	vadd.s32 v1, v4;
	_ =	sdelay $0x3  }
0x5d: {  	s19 =	simm.s32 $0xC080  }
0x5e: {  	[tilespmem:s19], [sflag:$0x1] =	stream.indirect_vreg.gather [hbm4b:s3+s2], $0x80, v4, vm0, $0xb8;
	[tilespmem:$0x10080] =	vst v63  }
0x5f: {  	v3 =	vperm.xlane v3, v2;
	s19 =	simm.s32 $0xC880  }
0x60: {  	[tilespmem:s19], [sflag:$0x1] =	stream.indirect_vreg.gather [hbm4b:s4+s2], $0x80, v4, vm0, $0xb8;
	[tilespmem:$0x10080] =	vst v63  }
0x61: {  	v3 =	vadd.s32 v1, v3;
	s19 =	simm.s32 $0xD080  }
0x62: {  	[tilespmem:s19], [sflag:$0x1] =	stream.indirect_vreg.gather [hbm4b:s5+s2], $0x80, v4, vm0, $0xb8;
	[tilespmem:$0x10080] =	vst v63  }
0x63: {  	s19 =	simm.s32 $0xD880  }
0x64: {  	[tilespmem:s19], [sflag:$0x1] =	stream.indirect_vreg.gather [hbm4b:s6+s2], $0x80, v4, vm0, $0xb8;
	[tilespmem:$0x10080] =	vst v63  }
0x65: {  	s19 =	simm.s32 $0xE080  }
0x66: {  	[tilespmem:s19], [sflag:$0x1] =	stream.indirect_vreg.gather [hbm4b:s3+s2], $0x80, v3, vm0, $0xb8;
	[tilespmem:$0x10080] =	vst v63  }
0x67: {  	s19 =	simm.s32 $0xE880  }
0x68: {  	[tilespmem:s19], [sflag:$0x1] =	stream.indirect_vreg.gather [hbm4b:s4+s2], $0x80, v3, vm0, $0xb8;
	[tilespmem:$0x10080] =	vst v63  }
0x69: {  	s19 =	simm.s32 $0xF080  }
0x6a: {  	[tilespmem:s19], [sflag:$0x1] =	stream.indirect_vreg.gather [hbm4b:s5+s2], $0x80, v3, vm0, $0xb8;
	[tilespmem:$0x10080] =	vst v63  }
0x6b: {  	s19 =	simm.s32 $0xF880  }
0x6c: {  	[tilespmem:s19], [sflag:$0x1] =	stream.indirect_vreg.gather [hbm4b:s6+s2], $0x80, v3, vm0, $0xb8;
	[tilespmem:$0x10080] =	vst v63  }
0x6d: {  	_ =	swait.ge [sflag:s18], $0x10000  }
0x6e: {  	[sflag:s18] =	ssyncset.done $0x0  }
0x6f: {  	s19 =	rddreg [dreg:$0x4];
	[sflag:s18] =	ssyncadd.s32 $0xFFFF0000  }
0x70: {  	[hbm4b:s19+s2] =	stream.linear.scatter [tilespmem:s0], [sflag:$0x2], $0x10000, $0x38;
	[tilespmem:$0x10080] =	vst v63  }
0x71: {  	_ =	swait.ge [sflag:s8], $0x10000  }
0x72: {  	[sflag:s8] =	ssyncset.done $0x0  }
0x73: {  	[sflag:s8] =	ssyncadd.s32 $0xFFFF0000  }
0x74: {  	v3 =	vld [tilespmem:$0x40];
	_ =	sdelay $0x4  }
0x75: {  	v60 =	vshll.u32 v3, $0x3  }
0x76: {  	v3 =	vand.u32 $0x7, v3;
	v4 =	vand.u32 $0xFFFFFFC0, v60  }
0x77: {  	v3 =	vor.u32 v3, v4  }
0x78: {  	v4 =	vperm.xlane v3, v0;
	_ =	sdelay $0x1  }
0x79: {  	v4 =	vadd.s32 v1, v4;
	_ =	sdelay $0x4  }
0x7a: {  	[tilespmem:s0], [sflag:$0x1] =	stream.indirect_vreg.gather [hbm4b:s3+s2], $0x80, v4, vm0, $0xb8;
	[tilespmem:$0x10080] =	vst v63  }
0x7b: {  	v3 =	vperm.xlane v3, v2  }
0x7c: {  	[tilespmem:s20], [sflag:$0x1] =	stream.indirect_vreg.gather [hbm4b:s4+s2], $0x80, v4, vm0, $0xb8;
	[tilespmem:$0x10080] =	vst v63  }
0x7d: {  	v3 =	vadd.s32 v1, v3  }
0x7e: {  	[tilespmem:s21], [sflag:$0x1] =	stream.indirect_vreg.gather [hbm4b:s5+s2], $0x80, v4, vm0, $0xb8;
	[tilespmem:$0x10080] =	vst v63  }
0x7f: {  	_ = 	snop  }
0x80: {  	[tilespmem:s22], [sflag:$0x1] =	stream.indirect_vreg.gather [hbm4b:s6+s2], $0x80, v4, vm0, $0xb8;
	[tilespmem:$0x10080] =	vst v63  }
0x81: {  	_ = 	snop  }
0x82: {  	[tilespmem:s23], [sflag:$0x1] =	stream.indirect_vreg.gather [hbm4b:s3+s2], $0x80, v3, vm0, $0xb8;
	[tilespmem:$0x10080] =	vst v63  }
0x83: {  	_ = 	snop  }
0x84: {  	[tilespmem:s24], [sflag:$0x1] =	stream.indirect_vreg.gather [hbm4b:s4+s2], $0x80, v3, vm0, $0xb8;
	[tilespmem:$0x10080] =	vst v63  }
0x85: {  	_ = 	snop  }
0x86: {  	[tilespmem:s25], [sflag:$0x1] =	stream.indirect_vreg.gather [hbm4b:s5+s2], $0x80, v3, vm0, $0xb8;
	[tilespmem:$0x10080] =	vst v63  }
0x87: {  	_ = 	snop  }
0x88: {  	[tilespmem:s26], [sflag:$0x1] =	stream.indirect_vreg.gather [hbm4b:s6+s2], $0x80, v3, vm0, $0xb8;
	[tilespmem:$0x10080] =	vst v63  }
0x89: {  	v3 =	vld [tilespmem:$0x50];
	_ =	sdelay $0x4  }
0x8a: {  	v61 =	vshll.u32 v3, $0x3  }
0x8b: {  	v3 =	vand.u32 $0x7, v3;
	v4 =	vand.u32 $0xFFFFFFC0, v61  }
0x8c: {  	v3 =	vor.u32 v3, v4  }
0x8d: {  	v4 =	vperm.xlane v3, v0;
	_ =	sdelay $0x1  }
0x8e: {  	v4 =	vadd.s32 v1, v4;
	_ =	sdelay $0x4  }
0x8f: {  	[tilespmem:s28], [sflag:$0x1] =	stream.indirect_vreg.gather [hbm4b:s3+s2], $0x80, v4, vm0, $0xb8;
	[tilespmem:$0x10080] =	vst v63  }
0x90: {  	v3 =	vperm.xlane v3, v2  }
0x91: {  	[tilespmem:s29], [sflag:$0x1] =	stream.indirect_vreg.gather [hbm4b:s4+s2], $0x80, v4, vm0, $0xb8;
	[tilespmem:$0x10080] =	vst v63  }
0x92: {  	v3 =	vadd.s32 v1, v3  }
0x93: {  	[tilespmem:s30], [sflag:$0x1] =	stream.indirect_vreg.gather [hbm4b:s5+s2], $0x80, v4, vm0, $0xb8;
	[tilespmem:$0x10080] =	vst v63  }
0x94: {  	_ = 	snop  }
0x95: {  	[tilespmem:s31], [sflag:$0x1] =	stream.indirect_vreg.gather [hbm4b:s6+s2], $0x80, v4, vm0, $0xb8;
	[tilespmem:$0x10080] =	vst v63  }
0x96: {  	s19 =	simm.s32 $0x6080  }
0x97: {  	[tilespmem:s19], [sflag:$0x1] =	stream.indirect_vreg.gather [hbm4b:s3+s2], $0x80, v3, vm0, $0xb8;
	[tilespmem:$0x10080] =	vst v63  }
0x98: {  	_ = 	snop  }
0x99: {  	[tilespmem:s1], [sflag:$0x1] =	stream.indirect_vreg.gather [hbm4b:s4+s2], $0x80, v3, vm0, $0xb8;
	[tilespmem:$0x10080] =	vst v63  }
0x9a: {  	_ = 	snop  }
0x9b: {  	[tilespmem:s10], [sflag:$0x1] =	stream.indirect_vreg.gather [hbm4b:s5+s2], $0x80, v3, vm0, $0xb8;
	[tilespmem:$0x10080] =	vst v63  }
0x9c: {  	_ = 	snop  }
0x9d: {  	[tilespmem:s11], [sflag:$0x1] =	stream.indirect_vreg.gather [hbm4b:s6+s2], $0x80, v3, vm0, $0xb8;
	[tilespmem:$0x10080] =	vst v63  }
0x9e: {  	v3 =	vld [tilespmem:$0x60];
	_ =	sdelay $0x4  }
0x9f: {  	v62 =	vshll.u32 v3, $0x3  }
0xa0: {  	v3 =	vand.u32 $0x7, v3;
	v4 =	vand.u32 $0xFFFFFFC0, v62  }
0xa1: {  	v3 =	vor.u32 v3, v4  }
0xa2: {  	v4 =	vperm.xlane v3, v0;
	_ =	sdelay $0x1  }
0xa3: {  	v4 =	vadd.s32 v1, v4;
	_ =	sdelay $0x4  }
0xa4: {  	[tilespmem:s12], [sflag:$0x1] =	stream.indirect_vreg.gather [hbm4b:s3+s2], $0x80, v4, vm0, $0xb8;
	[tilespmem:$0x10080] =	vst v63  }
0xa5: {  	v3 =	vperm.xlane v3, v2  }
0xa6: {  	[tilespmem:s13], [sflag:$0x1] =	stream.indirect_vreg.gather [hbm4b:s4+s2], $0x80, v4, vm0, $0xb8;
	[tilespmem:$0x10080] =	vst v63  }
0xa7: {  	v3 =	vadd.s32 v1, v3  }
0xa8: {  	[tilespmem:s14], [sflag:$0x1] =	stream.indirect_vreg.gather [hbm4b:s5+s2], $0x80, v4, vm0, $0xb8;
	[tilespmem:$0x10080] =	vst v63  }
0xa9: {  	_ = 	snop  }
0xaa: {  	[tilespmem:s15], [sflag:$0x1] =	stream.indirect_vreg.gather [hbm4b:s6+s2], $0x80, v4, vm0, $0xb8;
	[tilespmem:$0x10080] =	vst v63  }
0xab: {  	_ = 	snop  }
0xac: {  	[tilespmem:s16], [sflag:$0x1] =	stream.indirect_vreg.gather [hbm4b:s3+s2], $0x80, v3, vm0, $0xb8;
	[tilespmem:$0x10080] =	vst v63  }
0xad: {  	_ = 	snop  }
0xae: {  	[tilespmem:s17], [sflag:$0x1] =	stream.indirect_vreg.gather [hbm4b:s4+s2], $0x80, v3, vm0, $0xb8;
	[tilespmem:$0x10080] =	vst v63  }
0xaf: {  	_ = 	snop  }
0xb0: {  	[tilespmem:s9], [sflag:$0x1] =	stream.indirect_vreg.gather [hbm4b:s5+s2], $0x80, v3, vm0, $0xb8;
	[tilespmem:$0x10080] =	vst v63  }
0xb1: {  	s19 =	simm.s32 $0xB880  }
0xb2: {  	[tilespmem:s19], [sflag:$0x1] =	stream.indirect_vreg.gather [hbm4b:s6+s2], $0x80, v3, vm0, $0xb8;
	[tilespmem:$0x10080] =	vst v63  }
0xb3: {  	v3 =	vld [tilespmem:$0x70];
	_ =	sdelay $0x4  }
0xb4: {  	v63 =	vshll.u32 v3, $0x3  }
0xb5: {  	v3 =	vand.u32 $0x7, v3;
	v4 =	vand.u32 $0xFFFFFFC0, v63  }
0xb6: {  	v3 =	vor.u32 v3, v4  }
0xb7: {  	v4 =	vperm.xlane v3, v0;
	_ =	sdelay $0x1  }
0xb8: {  	v4 =	vadd.s32 v1, v4;
	_ =	sdelay $0x3  }
0xb9: {  	s19 =	simm.s32 $0xC080  }
0xba: {  	[tilespmem:s19], [sflag:$0x1] =	stream.indirect_vreg.gather [hbm4b:s3+s2], $0x80, v4, vm0, $0xb8;
	[tilespmem:$0x10080] =	vst v63  }
0xbb: {  	v3 =	vperm.xlane v3, v2;
	s19 =	simm.s32 $0xC880  }
0xbc: {  	[tilespmem:s19], [sflag:$0x1] =	stream.indirect_vreg.gather [hbm4b:s4+s2], $0x80, v4, vm0, $0xb8;
	[tilespmem:$0x10080] =	vst v63  }
0xbd: {  	v3 =	vadd.s32 v1, v3;
	s19 =	simm.s32 $0xD080  }
0xbe: {  	[tilespmem:s19], [sflag:$0x1] =	stream.indirect_vreg.gather [hbm4b:s5+s2], $0x80, v4, vm0, $0xb8;
	[tilespmem:$0x10080] =	vst v63  }
0xbf: {  	s19 =	simm.s32 $0xD880  }
0xc0: {  	[tilespmem:s19], [sflag:$0x1] =	stream.indirect_vreg.gather [hbm4b:s6+s2], $0x80, v4, vm0, $0xb8;
	[tilespmem:$0x10080] =	vst v63  }
0xc1: {  	s19 =	simm.s32 $0xE080  }
0xc2: {  	[tilespmem:s19], [sflag:$0x1] =	stream.indirect_vreg.gather [hbm4b:s3+s2], $0x80, v3, vm0, $0xb8;
	[tilespmem:$0x10080] =	vst v63  }
0xc3: {  	s19 =	simm.s32 $0xE880  }
0xc4: {  	[tilespmem:s19], [sflag:$0x1] =	stream.indirect_vreg.gather [hbm4b:s4+s2], $0x80, v3, vm0, $0xb8;
	[tilespmem:$0x10080] =	vst v63  }
0xc5: {  	s19 =	simm.s32 $0xF080  }
0xc6: {  	[tilespmem:s19], [sflag:$0x1] =	stream.indirect_vreg.gather [hbm4b:s5+s2], $0x80, v3, vm0, $0xb8;
	[tilespmem:$0x10080] =	vst v63  }
0xc7: {  	s19 =	simm.s32 $0xF880  }
0xc8: {  	[tilespmem:s19], [sflag:$0x1] =	stream.indirect_vreg.gather [hbm4b:s6+s2], $0x80, v3, vm0, $0xb8;
	[tilespmem:$0x10080] =	vst v63  }
0xc9: {  	_ =	swait.ge [sflag:s18], $0x10000  }
0xca: {  	p0 =	sne.s32 s7, $0x1;
	[sflag:s18] =	ssyncset.done $0x0  }
.Ltmp0:
0xcb: {  	s1 =	rddreg [dreg:$0x5];
	[sflag:s18] =	ssyncadd.s32 $0xFFFF0000;
	(pc) =	sbr.rel @p0 .LBB2_1-.Ltmp0, $4  }
0xcc: {  	[hbm4b:s1+s2] =	stream.linear.scatter [tilespmem:s0], [sflag:$0x2], $0x10000, $0x38;
	[tilespmem:$0x10080] =	vst v63  }
0xcd: {  	_ =	swait.ge [sflag:s8], $0x10000  }
0xce: {  	[sflag:s8] =	ssyncset.done $0x0  }
0xcf: {  	s7 =	sadd.s32 $0xFFFFFFFF, s7;
	[sflag:s8] =	ssyncadd.s32 $0xFFFF0000  }
0xd0: {  	_ =	sfence.sel $0x180000  }
0xd1: {  	[bflag:$0x0] =	sbarrier.arrive $0xFFFF  }
0xd2: {  	_ =	strace $0x90000047  }
0xd3: {  	s0 =	stileid.u32;
	[bflag:$0x2] =	sbarrier.arrive $0xFFFF  }
0xd4: {  	p0 =	sne.s32 s0, $0x0;
	s0 =	rddreg [dreg:$0x2]  }
0xd5: {  	s0 =	sadd.s32 @!p0 $0x100000, s0  }
0xd6: {  	[sflag:s0] =	ssyncadd.tile.s32 @!p0 $0x1;
	_ =	shalt  }
.Lfunc_end2:
_tile_overlayer_lowered:
.L_overlay_start_2:
0xd7: {  	(tag) =	ssettag $0x2  }
0xd8: {  	s0 =	rddreg [dreg:$0x0];
	s2 =	stileid.u32  }
0xd9: {  	s1 =	rddreg [dreg:$0x1];
	p0 =	sne.s32 s2, $0x0  }
0xda: {  	s3 =	rddreg [dreg:$0x2];
	[bflag:$0x3] =	sbarrier.arrive $0xFFFF;
	s2 =	simm.s32 @!p0 $0x1C02  }
0xdb: {  	[timem:s3], [sflag:s2] =	dma.local @!p0 [hbm:s0], s1  }
0xdc: {  	s0 =	simm.s32 @!p0 $0x2  }
0xdd: {  	_ =	swait.ge @!p0 [sflag:s0], s1  }
0xde: {  	s1 =	ssub.s32 @!p0 $0x0, s1;
	[sflag:s0] =	ssyncset.done @!p0 $0x0  }
0xdf: {  	[sflag:s0] =	ssyncadd.s32 @!p0 s1  }
0xe0: {  	[bflag:$0x3] =	sbarrier.arrive $0xFFFF  }
0xe1: {  	_ =	shalt  }

</sc_bundles>
